<compile_context>
chip_gen: v7x
topology: tpu7x:2x2x1
jax: 0.10.2.dev20260603
libtpu: 0.0.44.dev20260713+nightly
codegen_flags: <defaults>
</compile_context>

<pallas_src>
import functools

import jax
import jax.numpy as jnp
from jax import lax
from jax.experimental import pallas as pl
from jax.experimental.pallas import tpu as pltpu
from jax.experimental.pallas import tpu_sc as plsc

_BB = 64
_NW = 32
_NBUF = 4
_SLAB_ROWS = 64


def _proj_kernel(hidden_ref, wk_ref, bk_ref, wv_ref, bv_ref, wg_ref, bg_ref,
                 gb_ref, nkg_ref, nvg_ref, gate_ref):
    h = hidden_ref[...]
    dn = (((1,), (1,)), ((), ()))
    nk = jnp.tanh(lax.dot_general(h, wk_ref[...], dn,
                                  preferred_element_type=jnp.float32)
                  + bk_ref[...])
    nv = jnp.tanh(lax.dot_general(h, wv_ref[...], dn,
                                  preferred_element_type=jnp.float32)
                  + bv_ref[...])
    g = jax.nn.sigmoid(lax.dot_general(h, wg_ref[...], dn,
                                       preferred_element_type=jnp.float32)
                       + bg_ref[...])
    gb_ref[...] = g
    nkg_ref[...] = nk * g
    nvg_ref[...] = nv * g
    gate_ref[...] = g[:, :gate_ref.shape[1]]


def _keys_kernel(slot_ref, gb_ref, nkg_ref, keys_ref, out_keys_ref):
    slot = slot_ref[0]
    cur = keys_ref[:, slot, :]
    out_keys_ref[...] = keys_ref[...]
    out_keys_ref[:, slot, :] = cur * (1.0 - gb_ref[...]) + nkg_ref[...]


def _vals_kernel(vals_ref, gb_ref, nvg_ref, idx_ref,
                 out_ref,
                 slabs, curb, hlfb, tmpb, idx_v,
                 lsem0, lsem1, lsem2, lsem3, ssem0, ssem1, ssem2, ssem3,
                 gsem, gsem2):
    BS, D = vals_ref.shape
    nb = (BS // 64) // _NW
    rows = nb * 64
    sid = lax.axis_index("s")
    wid = sid * 2 + lax.axis_index("c")
    row0 = wid * rows
    lsems = (lsem0, lsem1, lsem2, lsem3)
    ssems = (ssem0, ssem1, ssem2, ssem3)
    nround = rows // (_NBUF * _SLAB_ROWS)

    def src(i, b):
        return vals_ref.at[
            pl.ds(row0 + (i * _NBUF + b) * _SLAB_ROWS, _SLAB_ROWS)]

    def dst(i, b):
        return out_ref.at[
            pl.ds(row0 + (i * _NBUF + b) * _SLAB_ROWS, _SLAB_ROWS)]

    for b in range(_NBUF):
        pltpu.async_copy(src(0, b), slabs.at[sid, b], lsems[b])

    half = nb // 2
    pltpu.sync_copy(idx_ref.at[wid], idx_v)
    for h, acc in ((0, curb), (1, hlfb)):
        pltpu.async_copy(vals_ref.at[idx_v.at[h]], acc, gsem).wait()
        b0 = wid * nb + h * half

        def apply(op, c=None):
            def body(bi, cc):
                for k in range(D // 16):
                    sl = pl.ds(k * 16, 16)
                    acc[bi, sl] = op(acc[bi, sl], tmpb[bi, sl])
                return cc
            lax.fori_loop(0, half, body, 0)

        pltpu.sync_copy(gb_ref.at[pl.ds(b0, half)], tmpb)
        apply(lambda a, t: a * (1.0 - t))
        pltpu.sync_copy(nvg_ref.at[pl.ds(b0, half)], tmpb)
        apply(lambda a, t: a + t)

    def fsrc(s):
        return vals_ref.at[pl.ds(row0 + s * _SLAB_ROWS, _SLAB_ROWS)]

    def fdst(s):
        return out_ref.at[pl.ds(row0 + s * _SLAB_ROWS, _SLAB_ROWS)]

    def round_body(i, c):
        for b in range(_NBUF):
            s = i * _NBUF + b
            b2 = (b + 2) % _NBUF

            @pl.when(i > 0)
            def _():
                pltpu.make_async_copy(slabs.at[sid, b], fdst(s - _NBUF),
                                      ssems[b]).wait()
                pltpu.async_copy(fsrc(s), slabs.at[sid, b], lsems[b])

            def step_store():
                pltpu.make_async_copy(fsrc(s - 2), slabs.at[sid, b2],
                                      lsems[b2]).wait()
                pltpu.async_copy(slabs.at[sid, b2], fdst(s - 2), ssems[b2])

            if b >= 2:
                step_store()
            else:
                pl.when(i > 0)(step_store)
        return c

    lax.fori_loop(0, nround, round_body, 0)

    last = nround * _NBUF
    for s in (last - 2, last - 1):
        b2 = s % _NBUF
        pltpu.make_async_copy(fsrc(s), slabs.at[sid, b2], lsems[b2]).wait()
        pltpu.async_copy(slabs.at[sid, b2], fdst(s), ssems[b2])
    for b in range(_NBUF):
        pltpu.make_async_copy(slabs.at[sid, b], fdst(0), ssems[b]).wait()
    s0 = pltpu.async_copy(curb, out_ref.at[idx_v.at[0]], gsem)
    pltpu.async_copy(hlfb, out_ref.at[idx_v.at[1]], gsem2).wait()
    s0.wait()


def kernel(hidden, working_keys, working_values, step, Wk, bk, Wv, bv, Wg, bg):
    B, S, D = working_keys.shape
    slot32 = jnp.asarray(step, jnp.int32) % S
    slot = slot32.reshape(1)

    smem = pl.BlockSpec(memory_space=pltpu.MemorySpace.SMEM)
    vmem = pl.BlockSpec(memory_space=pltpu.MemorySpace.VMEM)

    gb, nkg, nvg, gate = pl.pallas_call(
        _proj_kernel,
        out_shape=[
            jax.ShapeDtypeStruct((B, D), jnp.float32),
            jax.ShapeDtypeStruct((B, D), jnp.float32),
            jax.ShapeDtypeStruct((B, D), jnp.float32),
            jax.ShapeDtypeStruct((B, 128), jnp.float32),
        ],
        in_specs=[vmem] * 7,
        out_specs=[vmem] * 4,
    )(hidden, Wk, bk.reshape(1, D), Wv, bv.reshape(1, D),
      jnp.broadcast_to(Wg, (D, D)), jnp.broadcast_to(bg.reshape(1, 1), (1, D)))

    bblk = pl.BlockSpec((_BB, S, D), lambda i: (i, 0, 0))
    dblk = pl.BlockSpec((_BB, D), lambda i: (i, 0))
    out_keys = pl.pallas_call(
        _keys_kernel,
        grid=(B // _BB,),
        out_shape=jax.ShapeDtypeStruct((B, S, D), jnp.float32),
        in_specs=[smem, dblk, dblk, bblk],
        out_specs=bblk,
    )(slot, gb, nkg, working_keys)

    nb = B // _NW
    idx = (jnp.arange(B, dtype=jnp.int32) * S + slot32).reshape(_NW, 2,
                                                                nb // 2)
    v2 = working_values.reshape(B * S, D)

    mesh = plsc.VectorSubcoreMesh(core_axis_name="c", subcore_axis_name="s")
    sc_call = pl.kernel(
        _vals_kernel,
        out_type=jax.ShapeDtypeStruct((B * S, D), jnp.float32),
        mesh=mesh,
        scratch_types=[
            pltpu.VMEM_SHARED((_NW // 2, _NBUF, _SLAB_ROWS, D), jnp.float32),
            pltpu.VMEM((nb // 2, D), jnp.float32),
            pltpu.VMEM((nb // 2, D), jnp.float32),
            pltpu.VMEM((nb // 2, D), jnp.float32),
            pltpu.VMEM((2, nb // 2), jnp.int32),
        ] + [pltpu.SemaphoreType.DMA] * 10,
    )
    out_vals = sc_call(v2, gb, nvg, idx).reshape(B, S, D)

    return (out_keys, out_vals, gate[:, 0])

# --- scband reference (transcript-rebuilt; emitter-appended) ---
"""Pipeline reference for scband-sbmemory-writer-85383949845396 (READ-ONLY COPY).

The authoritative reference and input builder live on the scoring server;
editing this copy changes nothing except your own understanding.
"""

import jax, jax.numpy as jnp
import numpy as np


def setup_inputs(seed: int = 0) -> dict:
    key = jax.random.key(seed)
    ks = jax.random.split(key, 8)
    B, S, D = 4096, 64, 256
    hidden = jax.random.normal(ks[0], (B, D), dtype=jnp.float32)
    working_keys = jax.random.normal(ks[1], (B, S, D), dtype=jnp.float32)
    working_values = jax.random.normal(ks[2], (B, S, D), dtype=jnp.float32)
    scale = 1.0 / np.sqrt(D)
    Wk = jax.random.normal(ks[3], (D, D), dtype=jnp.float32) * scale
    bk = jnp.zeros((D,), dtype=jnp.float32)
    Wv = jax.random.normal(ks[4], (D, D), dtype=jnp.float32) * scale
    bv = jnp.zeros((D,), dtype=jnp.float32)
    Wg = jax.random.normal(ks[5], (1, D), dtype=jnp.float32) * scale
    bg = jnp.zeros((1,), dtype=jnp.float32)
    return {
        "hidden": hidden,
        "working_keys": working_keys,
        "working_values": working_values,
        "step": 7,
        "Wk": Wk, "bk": bk,
        "Wv": Wv, "bv": bv,
        "Wg": Wg, "bg": bg,
    }


def reference(hidden, working_keys, working_values, step, Wk, bk, Wv, bv, Wg, bg):
    B, S, D = working_keys.shape
    slot_index = step % S
    # one-hot slot mask [B, S, 1], same slot for every batch element
    slot_mask = jax.nn.one_hot(jnp.full((B,), slot_index, dtype=jnp.int32), S,
                               dtype=hidden.dtype)[..., None]
    gate = jax.nn.sigmoid(hidden @ Wg.T + bg)[:, :, None]       # [B, 1, 1]
    new_key = jnp.tanh(hidden @ Wk.T + bk)[:, None, :]          # [B, 1, D]
    new_value = jnp.tanh(hidden @ Wv.T + bv)[:, None, :]        # [B, 1, D]
    current_key = jnp.sum(working_keys * slot_mask, axis=1, keepdims=True)
    current_value = jnp.sum(working_values * slot_mask, axis=1, keepdims=True)
    blended_key = current_key * (1.0 - gate) + new_key * gate
    blended_value = current_value * (1.0 - gate) + new_value * gate
    updated_keys = working_keys * (1.0 - slot_mask) + blended_key * slot_mask
    updated_values = working_values * (1.0 - slot_mask) + blended_value * slot_mask
    return (updated_keys, updated_values, gate[:, 0, 0])

if __name__ == "__main__":
    import jax
    _d = setup_inputs()
    print(jax.jit(kernel)(*tuple(_d.values())))

</pallas_src>

<mosaic_0001>
#map = affine_map<(d0, d1) -> (0, 0)>
#map1 = affine_map<(d0, d1) -> (0, 0, 0)>
module attributes {stable_mosaic.version = 14 : i64} {
  func.func @_vals_kernel(%arg0: i32, %arg1: i32, %arg2: memref<262144x256xf32, #tpu.memory_space<hbm>>, %arg3: memref<4096x256xf32, #tpu.memory_space<hbm>>, %arg4: memref<4096x256xf32, #tpu.memory_space<hbm>>, %arg5: memref<32x2x64xi32, #tpu.memory_space<hbm>>, %arg6: memref<262144x256xf32, #tpu.memory_space<hbm>>, %arg7: memref<16x4x64x256xf32, #tpu.memory_space<vmem_shared>>, %arg8: memref<64x256xf32, #tpu.memory_space<vmem>>, %arg9: memref<64x256xf32, #tpu.memory_space<vmem>>, %arg10: memref<64x256xf32, #tpu.memory_space<vmem>>, %arg11: memref<2x64xi32, #tpu.memory_space<vmem>>, %arg12: memref<!tpu.dma_semaphore, #tpu.memory_space<semaphore_mem>>, %arg13: memref<!tpu.dma_semaphore, #tpu.memory_space<semaphore_mem>>, %arg14: memref<!tpu.dma_semaphore, #tpu.memory_space<semaphore_mem>>, %arg15: memref<!tpu.dma_semaphore, #tpu.memory_space<semaphore_mem>>, %arg16: memref<!tpu.dma_semaphore, #tpu.memory_space<semaphore_mem>>, %arg17: memref<!tpu.dma_semaphore, #tpu.memory_space<semaphore_mem>>, %arg18: memref<!tpu.dma_semaphore, #tpu.memory_space<semaphore_mem>>, %arg19: memref<!tpu.dma_semaphore, #tpu.memory_space<semaphore_mem>>, %arg20: memref<!tpu.dma_semaphore, #tpu.memory_space<semaphore_mem>>, %arg21: memref<!tpu.dma_semaphore, #tpu.memory_space<semaphore_mem>>) attributes {dimension_semantics = [#tpu.dimension_semantics<core_parallel>, #tpu.dimension_semantics<subcore_parallel>], iteration_bounds = array<i64: 2, 16>, scalar_prefetch = 0 : i64, scratch_operands = 15 : i64, tpu.core_type = #tpu.core_type<sc_vector_subcore>, window_params = [{transform_indices = #map}, {transform_indices = #map}, {transform_indices = #map}, {transform_indices = #map1}, {transform_indices = #map}]} {
    %mul3A = arith.constant 2 : i32
    %mul3A_0 = arith.muli %arg1, %mul3A : i32
    %add3A = arith.addi %mul3A_0, %arg0 : i32
    %mul3A_1 = arith.constant 8192 : i32
    %mul3A_2 = arith.muli %add3A, %mul3A_1 : i32
    %add3A_3 = arith.constant 0 : i32
    %add3A_4 = arith.addi %mul3A_2, %add3A_3 : i32
    %dma_start3A = arith.constant 0 : i32
    %dma_start3A_5 = arith.constant 0 : i32
    %dma_start3A_6 = arith.constant 0 : i32
    %dma_start3A_7 = tpu.memref_slice %arg7[%arg1, %dma_start3A, %dma_start3A_5, %dma_start3A_6] : memref<16x4x64x256xf32, #tpu.memory_space<vmem_shared>> -> memref<1x1x64x256xf32, #tpu.memory_space<vmem_shared>>
    %dma_start3A_8 = tpu.memref_squeeze %dma_start3A_7 : memref<1x1x64x256xf32, #tpu.memory_space<vmem_shared>> -> memref<64x256xf32, #tpu.memory_space<vmem_shared>>
    %dma_start3A_9 = arith.constant 0 : i32
    %dma_start3A_10 = tpu.memref_slice %arg2[%add3A_4, %dma_start3A_9] : memref<262144x256xf32, #tpu.memory_space<hbm>> -> memref<64x256xf32, #tpu.memory_space<hbm>>
    tpu.enqueue_dma source(%dma_start3A_10 : memref<64x256xf32, #tpu.memory_space<hbm>>) target(%dma_start3A_8 : memref<64x256xf32, #tpu.memory_space<vmem_shared>>) target_semaphore(%arg12 : memref<!tpu.dma_semaphore, #tpu.memory_space<semaphore_mem>>)
    %add3A_11 = arith.constant 64 : i32
    %add3A_12 = arith.addi %mul3A_2, %add3A_11 : i32
    %dma_start3A_13 = arith.constant 1 : i32
    %dma_start3A_14 = arith.constant 0 : i32
    %dma_start3A_15 = arith.constant 0 : i32
    %dma_start3A_16 = tpu.memref_slice %arg7[%arg1, %dma_start3A_13, %dma_start3A_14, %dma_start3A_15] : memref<16x4x64x256xf32, #tpu.memory_space<vmem_shared>> -> memref<1x1x64x256xf32, #tpu.memory_space<vmem_shared>>
    %dma_start3A_17 = tpu.memref_squeeze %dma_start3A_16 : memref<1x1x64x256xf32, #tpu.memory_space<vmem_shared>> -> memref<64x256xf32, #tpu.memory_space<vmem_shared>>
    %dma_start3A_18 = arith.constant 0 : i32
    %dma_start3A_19 = tpu.memref_slice %arg2[%add3A_12, %dma_start3A_18] : memref<262144x256xf32, #tpu.memory_space<hbm>> -> memref<64x256xf32, #tpu.memory_space<hbm>>
    tpu.enqueue_dma source(%dma_start3A_19 : memref<64x256xf32, #tpu.memory_space<hbm>>) target(%dma_start3A_17 : memref<64x256xf32, #tpu.memory_space<vmem_shared>>) target_semaphore(%arg13 : memref<!tpu.dma_semaphore, #tpu.memory_space<semaphore_mem>>)
    %add3A_20 = arith.constant 128 : i32
    %add3A_21 = arith.addi %mul3A_2, %add3A_20 : i32
    %dma_start3A_22 = arith.constant 2 : i32
    %dma_start3A_23 = arith.constant 0 : i32
    %dma_start3A_24 = arith.constant 0 : i32
    %dma_start3A_25 = tpu.memref_slice %arg7[%arg1, %dma_start3A_22, %dma_start3A_23, %dma_start3A_24] : memref<16x4x64x256xf32, #tpu.memory_space<vmem_shared>> -> memref<1x1x64x256xf32, #tpu.memory_space<vmem_shared>>
    %dma_start3A_26 = tpu.memref_squeeze %dma_start3A_25 : memref<1x1x64x256xf32, #tpu.memory_space<vmem_shared>> -> memref<64x256xf32, #tpu.memory_space<vmem_shared>>
    %dma_start3A_27 = arith.constant 0 : i32
    %dma_start3A_28 = tpu.memref_slice %arg2[%add3A_21, %dma_start3A_27] : memref<262144x256xf32, #tpu.memory_space<hbm>> -> memref<64x256xf32, #tpu.memory_space<hbm>>
    tpu.enqueue_dma source(%dma_start3A_28 : memref<64x256xf32, #tpu.memory_space<hbm>>) target(%dma_start3A_26 : memref<64x256xf32, #tpu.memory_space<vmem_shared>>) target_semaphore(%arg14 : memref<!tpu.dma_semaphore, #tpu.memory_space<semaphore_mem>>)
    %add3A_29 = arith.constant 192 : i32
    %add3A_30 = arith.addi %mul3A_2, %add3A_29 : i32
    %dma_start3A_31 = arith.constant 3 : i32
    %dma_start3A_32 = arith.constant 0 : i32
    %dma_start3A_33 = arith.constant 0 : i32
    %dma_start3A_34 = tpu.memref_slice %arg7[%arg1, %dma_start3A_31, %dma_start3A_32, %dma_start3A_33] : memref<16x4x64x256xf32, #tpu.memory_space<vmem_shared>> -> memref<1x1x64x256xf32, #tpu.memory_space<vmem_shared>>
    %dma_start3A_35 = tpu.memref_squeeze %dma_start3A_34 : memref<1x1x64x256xf32, #tpu.memory_space<vmem_shared>> -> memref<64x256xf32, #tpu.memory_space<vmem_shared>>
    %dma_start3A_36 = arith.constant 0 : i32
    %dma_start3A_37 = tpu.memref_slice %arg2[%add3A_30, %dma_start3A_36] : memref<262144x256xf32, #tpu.memory_space<hbm>> -> memref<64x256xf32, #tpu.memory_space<hbm>>
    tpu.enqueue_dma source(%dma_start3A_37 : memref<64x256xf32, #tpu.memory_space<hbm>>) target(%dma_start3A_35 : memref<64x256xf32, #tpu.memory_space<vmem_shared>>) target_semaphore(%arg15 : memref<!tpu.dma_semaphore, #tpu.memory_space<semaphore_mem>>)
    "tpu.region"() ({
      %run_scoped3A = tpu.sem_alloc : memref<!tpu.dma_semaphore, #tpu.memory_space<semaphore_mem>>
      %dma_start3A_202 = arith.constant 0 : i32
      %dma_start3A_203 = arith.constant 0 : i32
      %dma_start3A_204 = tpu.memref_slice %arg5[%add3A, %dma_start3A_202, %dma_start3A_203] : memref<32x2x64xi32, #tpu.memory_space<hbm>> -> memref<1x2x64xi32, #tpu.memory_space<hbm>>
      %dma_start3A_205 = tpu.memref_squeeze %dma_start3A_204 : memref<1x2x64xi32, #tpu.memory_space<hbm>> -> memref<2x64xi32, #tpu.memory_space<hbm>>
      %dma_start3A_206 = arith.constant 0 : i32
      %dma_start3A_207 = arith.constant 0 : i32
      %dma_start3A_208 = tpu.memref_slice %arg5[%add3A, %dma_start3A_206, %dma_start3A_207] : memref<32x2x64xi32, #tpu.memory_space<hbm>> -> memref<1x2x64xi32, #tpu.memory_space<hbm>>
      %dma_start3A_209 = tpu.memref_squeeze %dma_start3A_208 : memref<1x2x64xi32, #tpu.memory_space<hbm>> -> memref<2x64xi32, #tpu.memory_space<hbm>>
      tpu.enqueue_dma source(%dma_start3A_209 : memref<2x64xi32, #tpu.memory_space<hbm>>) target(%arg11 : memref<2x64xi32, #tpu.memory_space<vmem>>) target_semaphore(%run_scoped3A : memref<!tpu.dma_semaphore, #tpu.memory_space<semaphore_mem>>)
      %dma_wait3A_210 = arith.constant 0 : i32
      %dma_wait3A_211 = arith.constant 0 : i32
      %dma_wait3A_212 = tpu.memref_slice %arg5[%add3A, %dma_wait3A_210, %dma_wait3A_211] : memref<32x2x64xi32, #tpu.memory_space<hbm>> -> memref<1x2x64xi32, #tpu.memory_space<hbm>>
      %dma_wait3A_213 = tpu.memref_squeeze %dma_wait3A_212 : memref<1x2x64xi32, #tpu.memory_space<hbm>> -> memref<2x64xi32, #tpu.memory_space<hbm>>
      %dma_wait3A_214 = arith.constant 0 : i32
      %dma_wait3A_215 = arith.constant 0 : i32
      %dma_wait3A_216 = tpu.memref_slice %arg5[%add3A, %dma_wait3A_214, %dma_wait3A_215] : memref<32x2x64xi32, #tpu.memory_space<hbm>> -> memref<1x2x64xi32, #tpu.memory_space<hbm>>
      %dma_wait3A_217 = tpu.memref_squeeze %dma_wait3A_216 : memref<1x2x64xi32, #tpu.memory_space<hbm>> -> memref<2x64xi32, #tpu.memory_space<hbm>>
      tpu.wait_dma2 semaphore(%run_scoped3A : memref<!tpu.dma_semaphore, #tpu.memory_space<semaphore_mem>>) src(%dma_wait3A_217 : memref<2x64xi32, #tpu.memory_space<hbm>>) dst(%arg11 : memref<2x64xi32, #tpu.memory_space<vmem>>)
      tpu.yield
    }) : () -> ()
    %dma_start3A_38 = arith.constant 0 : i32
    %dma_start3A_39 = arith.constant 0 : i32
    %dma_start3A_40 = tpu.memref_slice %arg11[%dma_start3A_38, %dma_start3A_39] : memref<2x64xi32, #tpu.memory_space<vmem>> -> memref<1x64xi32, #tpu.memory_space<vmem>>
    %dma_start3A_41 = tpu.memref_squeeze %dma_start3A_40 : memref<1x64xi32, #tpu.memory_space<vmem>> -> memref<64xi32, #tpu.memory_space<vmem>>
    %dma_start3A_42 = arith.constant 0 : i32
    %dma_start3A_43 = arith.constant 0 : i32
    %dma_start3A_44 = tpu.memref_slice %arg2[%dma_start3A_42, %dma_start3A_43] : memref<262144x256xf32, #tpu.memory_space<hbm>> -> memref<262144x256xf32, #tpu.memory_space<hbm>>
    tpu.enqueue_indirect_dma source(%dma_start3A_44 : memref<262144x256xf32, #tpu.memory_space<hbm>>) target(%arg8 : memref<64x256xf32, #tpu.memory_space<vmem>>) offsets(%dma_start3A_41 : memref<64xi32, #tpu.memory_space<vmem>>) semaphore(%arg20 : memref<!tpu.dma_semaphore, #tpu.memory_space<semaphore_mem>>)
    %dma_wait3A = arith.constant 0 : i32
    %dma_wait3A_45 = arith.constant 0 : i32
    %dma_wait3A_46 = tpu.memref_slice %arg11[%dma_wait3A, %dma_wait3A_45] : memref<2x64xi32, #tpu.memory_space<vmem>> -> memref<1x64xi32, #tpu.memory_space<vmem>>
    %dma_wait3A_47 = tpu.memref_squeeze %dma_wait3A_46 : memref<1x64xi32, #tpu.memory_space<vmem>> -> memref<64xi32, #tpu.memory_space<vmem>>
    %dma_wait3A_48 = arith.constant 0 : i32
    %dma_wait3A_49 = arith.constant 0 : i32
    %dma_wait3A_50 = tpu.memref_slice %arg2[%dma_wait3A_48, %dma_wait3A_49] : memref<262144x256xf32, #tpu.memory_space<hbm>> -> memref<262144x256xf32, #tpu.memory_space<hbm>>
    tpu.wait_indirect_dma semaphore(%arg20 : memref<!tpu.dma_semaphore, #tpu.memory_space<semaphore_mem>>) src(%dma_wait3A_50 : memref<262144x256xf32, #tpu.memory_space<hbm>>) dst(%arg8 : memref<64x256xf32, #tpu.memory_space<vmem>>)
    %mul3A_51 = arith.constant 128 : i32
    %mul3A_52 = arith.muli %add3A, %mul3A_51 : i32
    %add3A_53 = arith.constant 0 : i32
    %add3A_54 = arith.addi %mul3A_52, %add3A_53 : i32
    "tpu.region"() ({
      %run_scoped3A = tpu.sem_alloc : memref<!tpu.dma_semaphore, #tpu.memory_space<semaphore_mem>>
      %dma_start3A_202 = arith.constant 0 : i32
      %dma_start3A_203 = tpu.memref_slice %arg3[%add3A_54, %dma_start3A_202] : memref<4096x256xf32, #tpu.memory_space<hbm>> -> memref<64x256xf32, #tpu.memory_space<hbm>>
      %dma_start3A_204 = arith.constant 0 : i32
      %dma_start3A_205 = tpu.memref_slice %arg3[%add3A_54, %dma_start3A_204] : memref<4096x256xf32, #tpu.memory_space<hbm>> -> memref<64x256xf32, #tpu.memory_space<hbm>>
      tpu.enqueue_dma source(%dma_start3A_205 : memref<64x256xf32, #tpu.memory_space<hbm>>) target(%arg10 : memref<64x256xf32, #tpu.memory_space<vmem>>) target_semaphore(%run_scoped3A : memref<!tpu.dma_semaphore, #tpu.memory_space<semaphore_mem>>)
      %dma_wait3A_206 = arith.constant 0 : i32
      %dma_wait3A_207 = tpu.memref_slice %arg3[%add3A_54, %dma_wait3A_206] : memref<4096x256xf32, #tpu.memory_space<hbm>> -> memref<64x256xf32, #tpu.memory_space<hbm>>
      %dma_wait3A_208 = arith.constant 0 : i32
      %dma_wait3A_209 = tpu.memref_slice %arg3[%add3A_54, %dma_wait3A_208] : memref<4096x256xf32, #tpu.memory_space<hbm>> -> memref<64x256xf32, #tpu.memory_space<hbm>>
      tpu.wait_dma2 semaphore(%run_scoped3A : memref<!tpu.dma_semaphore, #tpu.memory_space<semaphore_mem>>) src(%dma_wait3A_209 : memref<64x256xf32, #tpu.memory_space<hbm>>) dst(%arg10 : memref<64x256xf32, #tpu.memory_space<vmem>>)
      tpu.yield
    }) : () -> ()
    %scan3A = arith.constant 0 : i32
    %scan3A_55 = arith.constant 0 : i32
    %scan3A_56 = arith.constant 64 : i32
    %scan3A_57 = arith.addi %scan3A_55, %scan3A_56 : i32
    %scan3A_58 = arith.constant 1 : i32
    scf.for %scan3A_202 = %scan3A_55 to %scan3A_57 step %scan3A_58  : i32 {
      %get3A = arith.index_cast %scan3A_202 : i32 to index
      %get3A_203 = arith.constant 0 : index
      %get3A_204 = tpu.vector_load %arg8[%get3A, %get3A_203] {strides = array<i32>} : memref<64x256xf32, #tpu.memory_space<vmem>>, vector<1x16xf32>,
      %get3A_205 = vector.shape_cast %get3A_204 : vector<1x16xf32> to vector<16xf32>
      %get3A_206 = arith.index_cast %scan3A_202 : i32 to index
      %get3A_207 = arith.constant 0 : index
      %get3A_208 = tpu.vector_load %arg10[%get3A_206, %get3A_207] {strides = array<i32>} : memref<64x256xf32, #tpu.memory_space<vmem>>, vector<1x16xf32>,
      %get3A_209 = vector.shape_cast %get3A_208 : vector<1x16xf32> to vector<16xf32>
      %sub3A = arith.constant 1.000000e+00 : f32
      %sub3A_210 = vector.broadcast %sub3A : f32 to vector<16xf32>
      %sub3A_211 = arith.subf %sub3A_210, %get3A_209 : vector<16xf32>
      %mul3A_212 = arith.mulf %get3A_205, %sub3A_211 : vector<16xf32>
      %swap3A = arith.index_cast %scan3A_202 : i32 to index
      %swap3A_213 = arith.constant 0 : index
      %swap3A_214 = tpu.vector_load %arg8[%swap3A, %swap3A_213] {strides = array<i32>} : memref<64x256xf32, #tpu.memory_space<vmem>>, vector<1x16xf32>,
      %swap3A_215 = vector.shape_cast %swap3A_214 : vector<1x16xf32> to vector<16xf32>
      %swap3A_216 = vector.shape_cast %mul3A_212 : vector<16xf32> to vector<1x16xf32>
      tpu.vector_store %arg8[%swap3A, %swap3A_213], %swap3A_216 {strides = array<i32>} : memref<64x256xf32, #tpu.memory_space<vmem>>, vector<1x16xf32>,
      %get3A_217 = arith.index_cast %scan3A_202 : i32 to index
      %get3A_218 = arith.constant 16 : index
      %get3A_219 = tpu.vector_load %arg8[%get3A_217, %get3A_218] {strides = array<i32>} : memref<64x256xf32, #tpu.memory_space<vmem>>, vector<1x16xf32>,
      %get3A_220 = vector.shape_cast %get3A_219 : vector<1x16xf32> to vector<16xf32>
      %get3A_221 = arith.index_cast %scan3A_202 : i32 to index
      %get3A_222 = arith.constant 16 : index
      %get3A_223 = tpu.vector_load %arg10[%get3A_221, %get3A_222] {strides = array<i32>} : memref<64x256xf32, #tpu.memory_space<vmem>>, vector<1x16xf32>,
      %get3A_224 = vector.shape_cast %get3A_223 : vector<1x16xf32> to vector<16xf32>
      %sub3A_225 = arith.constant 1.000000e+00 : f32
      %sub3A_226 = vector.broadcast %sub3A_225 : f32 to vector<16xf32>
      %sub3A_227 = arith.subf %sub3A_226, %get3A_224 : vector<16xf32>
      %mul3A_228 = arith.mulf %get3A_220, %sub3A_227 : vector<16xf32>
      %swap3A_229 = arith.index_cast %scan3A_202 : i32 to index
      %swap3A_230 = arith.constant 16 : index
      %swap3A_231 = tpu.vector_load %arg8[%swap3A_229, %swap3A_230] {strides = array<i32>} : memref<64x256xf32, #tpu.memory_space<vmem>>, vector<1x16xf32>,
      %swap3A_232 = vector.shape_cast %swap3A_231 : vector<1x16xf32> to vector<16xf32>
      %swap3A_233 = vector.shape_cast %mul3A_228 : vector<16xf32> to vector<1x16xf32>
      tpu.vector_store %arg8[%swap3A_229, %swap3A_230], %swap3A_233 {strides = array<i32>} : memref<64x256xf32, #tpu.memory_space<vmem>>, vector<1x16xf32>,
      %get3A_234 = arith.index_cast %scan3A_202 : i32 to index
      %get3A_235 = arith.constant 32 : index
      %get3A_236 = tpu.vector_load %arg8[%get3A_234, %get3A_235] {strides = array<i32>} : memref<64x256xf32, #tpu.memory_space<vmem>>, vector<1x16xf32>,
      %get3A_237 = vector.shape_cast %get3A_236 : vector<1x16xf32> to vector<16xf32>
      %get3A_238 = arith.index_cast %scan3A_202 : i32 to index
      %get3A_239 = arith.constant 32 : index
      %get3A_240 = tpu.vector_load %arg10[%get3A_238, %get3A_239] {strides = array<i32>} : memref<64x256xf32, #tpu.memory_space<vmem>>, vector<1x16xf32>,
      %get3A_241 = vector.shape_cast %get3A_240 : vector<1x16xf32> to vector<16xf32>
      %sub3A_242 = arith.constant 1.000000e+00 : f32
      %sub3A_243 = vector.broadcast %sub3A_242 : f32 to vector<16xf32>
      %sub3A_244 = arith.subf %sub3A_243, %get3A_241 : vector<16xf32>
      %mul3A_245 = arith.mulf %get3A_237, %sub3A_244 : vector<16xf32>
      %swap3A_246 = arith.index_cast %scan3A_202 : i32 to index
      %swap3A_247 = arith.constant 32 : index
      %swap3A_248 = tpu.vector_load %arg8[%swap3A_246, %swap3A_247] {strides = array<i32>} : memref<64x256xf32, #tpu.memory_space<vmem>>, vector<1x16xf32>,
      %swap3A_249 = vector.shape_cast %swap3A_248 : vector<1x16xf32> to vector<16xf32>
      %swap3A_250 = vector.shape_cast %mul3A_245 : vector<16xf32> to vector<1x16xf32>
      tpu.vector_store %arg8[%swap3A_246, %swap3A_247], %swap3A_250 {strides = array<i32>} : memref<64x256xf32, #tpu.memory_space<vmem>>, vector<1x16xf32>,
      %get3A_251 = arith.index_cast %scan3A_202 : i32 to index
      %get3A_252 = arith.constant 48 : index
      %get3A_253 = tpu.vector_load %arg8[%get3A_251, %get3A_252] {strides = array<i32>} : memref<64x256xf32, #tpu.memory_space<vmem>>, vector<1x16xf32>,
      %get3A_254 = vector.shape_cast %get3A_253 : vector<1x16xf32> to vector<16xf32>
      %get3A_255 = arith.index_cast %scan3A_202 : i32 to index
      %get3A_256 = arith.constant 48 : index
      %get3A_257 = tpu.vector_load %arg10[%get3A_255, %get3A_256] {strides = array<i32>} : memref<64x256xf32, #tpu.memory_space<vmem>>, vector<1x16xf32>,
      %get3A_258 = vector.shape_cast %get3A_257 : vector<1x16xf32> to vector<16xf32>
      %sub3A_259 = arith.constant 1.000000e+00 : f32
      %sub3A_260 = vector.broadcast %sub3A_259 : f32 to vector<16xf32>
      %sub3A_261 = arith.subf %sub3A_260, %get3A_258 : vector<16xf32>
      %mul3A_262 = arith.mulf %get3A_254, %sub3A_261 : vector<16xf32>
      %swap3A_263 = arith.index_cast %scan3A_202 : i32 to index
      %swap3A_264 = arith.constant 48 : index
      %swap3A_265 = tpu.vector_load %arg8[%swap3A_263, %swap3A_264] {strides = array<i32>} : memref<64x256xf32, #tpu.memory_space<vmem>>, vector<1x16xf32>,
      %swap3A_266 = vector.shape_cast %swap3A_265 : vector<1x16xf32> to vector<16xf32>
      %swap3A_267 = vector.shape_cast %mul3A_262 : vector<16xf32> to vector<1x16xf32>
      tpu.vector_store %arg8[%swap3A_263, %swap3A_264], %swap3A_267 {strides = array<i32>} : memref<64x256xf32, #tpu.memory_space<vmem>>, vector<1x16xf32>,
      %get3A_268 = arith.index_cast %scan3A_202 : i32 to index
      %get3A_269 = arith.constant 64 : index
      %get3A_270 = tpu.vector_load %arg8[%get3A_268, %get3A_269] {strides = array<i32>} : memref<64x256xf32, #tpu.memory_space<vmem>>, vector<1x16xf32>,
      %get3A_271 = vector.shape_cast %get3A_270 : vector<1x16xf32> to vector<16xf32>
      %get3A_272 = arith.index_cast %scan3A_202 : i32 to index
      %get3A_273 = arith.constant 64 : index
      %get3A_274 = tpu.vector_load %arg10[%get3A_272, %get3A_273] {strides = array<i32>} : memref<64x256xf32, #tpu.memory_space<vmem>>, vector<1x16xf32>,
      %get3A_275 = vector.shape_cast %get3A_274 : vector<1x16xf32> to vector<16xf32>
      %sub3A_276 = arith.constant 1.000000e+00 : f32
      %sub3A_277 = vector.broadcast %sub3A_276 : f32 to vector<16xf32>
      %sub3A_278 = arith.subf %sub3A_277, %get3A_275 : vector<16xf32>
      %mul3A_279 = arith.mulf %get3A_271, %sub3A_278 : vector<16xf32>
      %swap3A_280 = arith.index_cast %scan3A_202 : i32 to index
      %swap3A_281 = arith.constant 64 : index
      %swap3A_282 = tpu.vector_load %arg8[%swap3A_280, %swap3A_281] {strides = array<i32>} : memref<64x256xf32, #tpu.memory_space<vmem>>, vector<1x16xf32>,
      %swap3A_283 = vector.shape_cast %swap3A_282 : vector<1x16xf32> to vector<16xf32>
      %swap3A_284 = vector.shape_cast %mul3A_279 : vector<16xf32> to vector<1x16xf32>
      tpu.vector_store %arg8[%swap3A_280, %swap3A_281], %swap3A_284 {strides = array<i32>} : memref<64x256xf32, #tpu.memory_space<vmem>>, vector<1x16xf32>,
      %get3A_285 = arith.index_cast %scan3A_202 : i32 to index
      %get3A_286 = arith.constant 80 : index
      %get3A_287 = tpu.vector_load %arg8[%get3A_285, %get3A_286] {strides = array<i32>} : memref<64x256xf32, #tpu.memory_space<vmem>>, vector<1x16xf32>,
      %get3A_288 = vector.shape_cast %get3A_287 : vector<1x16xf32> to vector<16xf32>
      %get3A_289 = arith.index_cast %scan3A_202 : i32 to index
      %get3A_290 = arith.constant 80 : index
      %get3A_291 = tpu.vector_load %arg10[%get3A_289, %get3A_290] {strides = array<i32>} : memref<64x256xf32, #tpu.memory_space<vmem>>, vector<1x16xf32>,
      %get3A_292 = vector.shape_cast %get3A_291 : vector<1x16xf32> to vector<16xf32>
      %sub3A_293 = arith.constant 1.000000e+00 : f32
      %sub3A_294 = vector.broadcast %sub3A_293 : f32 to vector<16xf32>
      %sub3A_295 = arith.subf %sub3A_294, %get3A_292 : vector<16xf32>
      %mul3A_296 = arith.mulf %get3A_288, %sub3A_295 : vector<16xf32>
      %swap3A_297 = arith.index_cast %scan3A_202 : i32 to index
      %swap3A_298 = arith.constant 80 : index
      %swap3A_299 = tpu.vector_load %arg8[%swap3A_297, %swap3A_298] {strides = array<i32>} : memref<64x256xf32, #tpu.memory_space<vmem>>, vector<1x16xf32>,
      %swap3A_300 = vector.shape_cast %swap3A_299 : vector<1x16xf32> to vector<16xf32>
      %swap3A_301 = vector.shape_cast %mul3A_296 : vector<16xf32> to vector<1x16xf32>
      tpu.vector_store %arg8[%swap3A_297, %swap3A_298], %swap3A_301 {strides = array<i32>} : memref<64x256xf32, #tpu.memory_space<vmem>>, vector<1x16xf32>,
      %get3A_302 = arith.index_cast %scan3A_202 : i32 to index
      %get3A_303 = arith.constant 96 : index
      %get3A_304 = tpu.vector_load %arg8[%get3A_302, %get3A_303] {strides = array<i32>} : memref<64x256xf32, #tpu.memory_space<vmem>>, vector<1x16xf32>,
      %get3A_305 = vector.shape_cast %get3A_304 : vector<1x16xf32> to vector<16xf32>
      %get3A_306 = arith.index_cast %scan3A_202 : i32 to index
      %get3A_307 = arith.constant 96 : index
      %get3A_308 = tpu.vector_load %arg10[%get3A_306, %get3A_307] {strides = array<i32>} : memref<64x256xf32, #tpu.memory_space<vmem>>, vector<1x16xf32>,
      %get3A_309 = vector.shape_cast %get3A_308 : vector<1x16xf32> to vector<16xf32>
      %sub3A_310 = arith.constant 1.000000e+00 : f32
      %sub3A_311 = vector.broadcast %sub3A_310 : f32 to vector<16xf32>
      %sub3A_312 = arith.subf %sub3A_311, %get3A_309 : vector<16xf32>
      %mul3A_313 = arith.mulf %get3A_305, %sub3A_312 : vector<16xf32>
      %swap3A_314 = arith.index_cast %scan3A_202 : i32 to index
      %swap3A_315 = arith.constant 96 : index
      %swap3A_316 = tpu.vector_load %arg8[%swap3A_314, %swap3A_315] {strides = array<i32>} : memref<64x256xf32, #tpu.memory_space<vmem>>, vector<1x16xf32>,
      %swap3A_317 = vector.shape_cast %swap3A_316 : vector<1x16xf32> to vector<16xf32>
      %swap3A_318 = vector.shape_cast %mul3A_313 : vector<16xf32> to vector<1x16xf32>
      tpu.vector_store %arg8[%swap3A_314, %swap3A_315], %swap3A_318 {strides = array<i32>} : memref<64x256xf32, #tpu.memory_space<vmem>>, vector<1x16xf32>,
      %get3A_319 = arith.index_cast %scan3A_202 : i32 to index
      %get3A_320 = arith.constant 112 : index
      %get3A_321 = tpu.vector_load %arg8[%get3A_319, %get3A_320] {strides = array<i32>} : memref<64x256xf32, #tpu.memory_space<vmem>>, vector<1x16xf32>,
      %get3A_322 = vector.shape_cast %get3A_321 : vector<1x16xf32> to vector<16xf32>
      %get3A_323 = arith.index_cast %scan3A_202 : i32 to index
      %get3A_324 = arith.constant 112 : index
      %get3A_325 = tpu.vector_load %arg10[%get3A_323, %get3A_324] {strides = array<i32>} : memref<64x256xf32, #tpu.memory_space<vmem>>, vector<1x16xf32>,
      %get3A_326 = vector.shape_cast %get3A_325 : vector<1x16xf32> to vector<16xf32>
      %sub3A_327 = arith.constant 1.000000e+00 : f32
      %sub3A_328 = vector.broadcast %sub3A_327 : f32 to vector<16xf32>
      %sub3A_329 = arith.subf %sub3A_328, %get3A_326 : vector<16xf32>
      %mul3A_330 = arith.mulf %get3A_322, %sub3A_329 : vector<16xf32>
      %swap3A_331 = arith.index_cast %scan3A_202 : i32 to index
      %swap3A_332 = arith.constant 112 : index
      %swap3A_333 = tpu.vector_load %arg8[%swap3A_331, %swap3A_332] {strides = array<i32>} : memref<64x256xf32, #tpu.memory_space<vmem>>, vector<1x16xf32>,
      %swap3A_334 = vector.shape_cast %swap3A_333 : vector<1x16xf32> to vector<16xf32>
      %swap3A_335 = vector.shape_cast %mul3A_330 : vector<16xf32> to vector<1x16xf32>
      tpu.vector_store %arg8[%swap3A_331, %swap3A_332], %swap3A_335 {strides = array<i32>} : memref<64x256xf32, #tpu.memory_space<vmem>>, vector<1x16xf32>,
      %get3A_336 = arith.index_cast %scan3A_202 : i32 to index
      %get3A_337 = arith.constant 128 : index
      %get3A_338 = tpu.vector_load %arg8[%get3A_336, %get3A_337] {strides = array<i32>} : memref<64x256xf32, #tpu.memory_space<vmem>>, vector<1x16xf32>,
      %get3A_339 = vector.shape_cast %get3A_338 : vector<1x16xf32> to vector<16xf32>
      %get3A_340 = arith.index_cast %scan3A_202 : i32 to index
      %get3A_341 = arith.constant 128 : index
      %get3A_342 = tpu.vector_load %arg10[%get3A_340, %get3A_341] {strides = array<i32>} : memref<64x256xf32, #tpu.memory_space<vmem>>, vector<1x16xf32>,
      %get3A_343 = vector.shape_cast %get3A_342 : vector<1x16xf32> to vector<16xf32>
      %sub3A_344 = arith.constant 1.000000e+00 : f32
      %sub3A_345 = vector.broadcast %sub3A_344 : f32 to vector<16xf32>
      %sub3A_346 = arith.subf %sub3A_345, %get3A_343 : vector<16xf32>
      %mul3A_347 = arith.mulf %get3A_339, %sub3A_346 : vector<16xf32>
      %swap3A_348 = arith.index_cast %scan3A_202 : i32 to index
      %swap3A_349 = arith.constant 128 : index
      %swap3A_350 = tpu.vector_load %arg8[%swap3A_348, %swap3A_349] {strides = array<i32>} : memref<64x256xf32, #tpu.memory_space<vmem>>, vector<1x16xf32>,
      %swap3A_351 = vector.shape_cast %swap3A_350 : vector<1x16xf32> to vector<16xf32>
      %swap3A_352 = vector.shape_cast %mul3A_347 : vector<16xf32> to vector<1x16xf32>
      tpu.vector_store %arg8[%swap3A_348, %swap3A_349], %swap3A_352 {strides = array<i32>} : memref<64x256xf32, #tpu.memory_space<vmem>>, vector<1x16xf32>,
      %get3A_353 = arith.index_cast %scan3A_202 : i32 to index
      %get3A_354 = arith.constant 144 : index
      %get3A_355 = tpu.vector_load %arg8[%get3A_353, %get3A_354] {strides = array<i32>} : memref<64x256xf32, #tpu.memory_space<vmem>>, vector<1x16xf32>,
      %get3A_356 = vector.shape_cast %get3A_355 : vector<1x16xf32> to vector<16xf32>
      %get3A_357 = arith.index_cast %scan3A_202 : i32 to index
      %get3A_358 = arith.constant 144 : index
      %get3A_359 = tpu.vector_load %arg10[%get3A_357, %get3A_358] {strides = array<i32>} : memref<64x256xf32, #tpu.memory_space<vmem>>, vector<1x16xf32>,
      %get3A_360 = vector.shape_cast %get3A_359 : vector<1x16xf32> to vector<16xf32>
      %sub3A_361 = arith.constant 1.000000e+00 : f32
      %sub3A_362 = vector.broadcast %sub3A_361 : f32 to vector<16xf32>
      %sub3A_363 = arith.subf %sub3A_362, %get3A_360 : vector<16xf32>
      %mul3A_364 = arith.mulf %get3A_356, %sub3A_363 : vector<16xf32>
      %swap3A_365 = arith.index_cast %scan3A_202 : i32 to index
      %swap3A_366 = arith.constant 144 : index
      %swap3A_367 = tpu.vector_load %arg8[%swap3A_365, %swap3A_366] {strides = array<i32>} : memref<64x256xf32, #tpu.memory_space<vmem>>, vector<1x16xf32>,
      %swap3A_368 = vector.shape_cast %swap3A_367 : vector<1x16xf32> to vector<16xf32>
      %swap3A_369 = vector.shape_cast %mul3A_364 : vector<16xf32> to vector<1x16xf32>
      tpu.vector_store %arg8[%swap3A_365, %swap3A_366], %swap3A_369 {strides = array<i32>} : memref<64x256xf32, #tpu.memory_space<vmem>>, vector<1x16xf32>,
      %get3A_370 = arith.index_cast %scan3A_202 : i32 to index
      %get3A_371 = arith.constant 160 : index
      %get3A_372 = tpu.vector_load %arg8[%get3A_370, %get3A_371] {strides = array<i32>} : memref<64x256xf32, #tpu.memory_space<vmem>>, vector<1x16xf32>,
      %get3A_373 = vector.shape_cast %get3A_372 : vector<1x16xf32> to vector<16xf32>
      %get3A_374 = arith.index_cast %scan3A_202 : i32 to index
      %get3A_375 = arith.constant 160 : index
      %get3A_376 = tpu.vector_load %arg10[%get3A_374, %get3A_375] {strides = array<i32>} : memref<64x256xf32, #tpu.memory_space<vmem>>, vector<1x16xf32>,
      %get3A_377 = vector.shape_cast %get3A_376 : vector<1x16xf32> to vector<16xf32>
      %sub3A_378 = arith.constant 1.000000e+00 : f32
      %sub3A_379 = vector.broadcast %sub3A_378 : f32 to vector<16xf32>
      %sub3A_380 = arith.subf %sub3A_379, %get3A_377 : vector<16xf32>
      %mul3A_381 = arith.mulf %get3A_373, %sub3A_380 : vector<16xf32>
      %swap3A_382 = arith.index_cast %scan3A_202 : i32 to index
      %swap3A_383 = arith.constant 160 : index
      %swap3A_384 = tpu.vector_load %arg8[%swap3A_382, %swap3A_383] {strides = array<i32>} : memref<64x256xf32, #tpu.memory_space<vmem>>, vector<1x16xf32>,
      %swap3A_385 = vector.shape_cast %swap3A_384 : vector<1x16xf32> to vector<16xf32>
      %swap3A_386 = vector.shape_cast %mul3A_381 : vector<16xf32> to vector<1x16xf32>
      tpu.vector_store %arg8[%swap3A_382, %swap3A_383], %swap3A_386 {strides = array<i32>} : memref<64x256xf32, #tpu.memory_space<vmem>>, vector<1x16xf32>,
      %get3A_387 = arith.index_cast %scan3A_202 : i32 to index
      %get3A_388 = arith.constant 176 : index
      %get3A_389 = tpu.vector_load %arg8[%get3A_387, %get3A_388] {strides = array<i32>} : memref<64x256xf32, #tpu.memory_space<vmem>>, vector<1x16xf32>,
      %get3A_390 = vector.shape_cast %get3A_389 : vector<1x16xf32> to vector<16xf32>
      %get3A_391 = arith.index_cast %scan3A_202 : i32 to index
      %get3A_392 = arith.constant 176 : index
      %get3A_393 = tpu.vector_load %arg10[%get3A_391, %get3A_392] {strides = array<i32>} : memref<64x256xf32, #tpu.memory_space<vmem>>, vector<1x16xf32>,
      %get3A_394 = vector.shape_cast %get3A_393 : vector<1x16xf32> to vector<16xf32>
      %sub3A_395 = arith.constant 1.000000e+00 : f32
      %sub3A_396 = vector.broadcast %sub3A_395 : f32 to vector<16xf32>
      %sub3A_397 = arith.subf %sub3A_396, %get3A_394 : vector<16xf32>
      %mul3A_398 = arith.mulf %get3A_390, %sub3A_397 : vector<16xf32>
      %swap3A_399 = arith.index_cast %scan3A_202 : i32 to index
      %swap3A_400 = arith.constant 176 : index
      %swap3A_401 = tpu.vector_load %arg8[%swap3A_399, %swap3A_400] {strides = array<i32>} : memref<64x256xf32, #tpu.memory_space<vmem>>, vector<1x16xf32>,
      %swap3A_402 = vector.shape_cast %swap3A_401 : vector<1x16xf32> to vector<16xf32>
      %swap3A_403 = vector.shape_cast %mul3A_398 : vector<16xf32> to vector<1x16xf32>
      tpu.vector_store %arg8[%swap3A_399, %swap3A_400], %swap3A_403 {strides = array<i32>} : memref<64x256xf32, #tpu.memory_space<vmem>>, vector<1x16xf32>,
      %get3A_404 = arith.index_cast %scan3A_202 : i32 to index
      %get3A_405 = arith.constant 192 : index
      %get3A_406 = tpu.vector_load %arg8[%get3A_404, %get3A_405] {strides = array<i32>} : memref<64x256xf32, #tpu.memory_space<vmem>>, vector<1x16xf32>,
      %get3A_407 = vector.shape_cast %get3A_406 : vector<1x16xf32> to vector<16xf32>
      %get3A_408 = arith.index_cast %scan3A_202 : i32 to index
      %get3A_409 = arith.constant 192 : index
      %get3A_410 = tpu.vector_load %arg10[%get3A_408, %get3A_409] {strides = array<i32>} : memref<64x256xf32, #tpu.memory_space<vmem>>, vector<1x16xf32>,
      %get3A_411 = vector.shape_cast %get3A_410 : vector<1x16xf32> to vector<16xf32>
      %sub3A_412 = arith.constant 1.000000e+00 : f32
      %sub3A_413 = vector.broadcast %sub3A_412 : f32 to vector<16xf32>
      %sub3A_414 = arith.subf %sub3A_413, %get3A_411 : vector<16xf32>
      %mul3A_415 = arith.mulf %get3A_407, %sub3A_414 : vector<16xf32>
      %swap3A_416 = arith.index_cast %scan3A_202 : i32 to index
      %swap3A_417 = arith.constant 192 : index
      %swap3A_418 = tpu.vector_load %arg8[%swap3A_416, %swap3A_417] {strides = array<i32>} : memref<64x256xf32, #tpu.memory_space<vmem>>, vector<1x16xf32>,
      %swap3A_419 = vector.shape_cast %swap3A_418 : vector<1x16xf32> to vector<16xf32>
      %swap3A_420 = vector.shape_cast %mul3A_415 : vector<16xf32> to vector<1x16xf32>
      tpu.vector_store %arg8[%swap3A_416, %swap3A_417], %swap3A_420 {strides = array<i32>} : memref<64x256xf32, #tpu.memory_space<vmem>>, vector<1x16xf32>,
      %get3A_421 = arith.index_cast %scan3A_202 : i32 to index
      %get3A_422 = arith.constant 208 : index
      %get3A_423 = tpu.vector_load %arg8[%get3A_421, %get3A_422] {strides = array<i32>} : memref<64x256xf32, #tpu.memory_space<vmem>>, vector<1x16xf32>,
      %get3A_424 = vector.shape_cast %get3A_423 : vector<1x16xf32> to vector<16xf32>
      %get3A_425 = arith.index_cast %scan3A_202 : i32 to index
      %get3A_426 = arith.constant 208 : index
      %get3A_427 = tpu.vector_load %arg10[%get3A_425, %get3A_426] {strides = array<i32>} : memref<64x256xf32, #tpu.memory_space<vmem>>, vector<1x16xf32>,
      %get3A_428 = vector.shape_cast %get3A_427 : vector<1x16xf32> to vector<16xf32>
      %sub3A_429 = arith.constant 1.000000e+00 : f32
      %sub3A_430 = vector.broadcast %sub3A_429 : f32 to vector<16xf32>
      %sub3A_431 = arith.subf %sub3A_430, %get3A_428 : vector<16xf32>
      %mul3A_432 = arith.mulf %get3A_424, %sub3A_431 : vector<16xf32>
      %swap3A_433 = arith.index_cast %scan3A_202 : i32 to index
      %swap3A_434 = arith.constant 208 : index
      %swap3A_435 = tpu.vector_load %arg8[%swap3A_433, %swap3A_434] {strides = array<i32>} : memref<64x256xf32, #tpu.memory_space<vmem>>, vector<1x16xf32>,
      %swap3A_436 = vector.shape_cast %swap3A_435 : vector<1x16xf32> to vector<16xf32>
      %swap3A_437 = vector.shape_cast %mul3A_432 : vector<16xf32> to vector<1x16xf32>
      tpu.vector_store %arg8[%swap3A_433, %swap3A_434], %swap3A_437 {strides = array<i32>} : memref<64x256xf32, #tpu.memory_space<vmem>>, vector<1x16xf32>,
      %get3A_438 = arith.index_cast %scan3A_202 : i32 to index
      %get3A_439 = arith.constant 224 : index
      %get3A_440 = tpu.vector_load %arg8[%get3A_438, %get3A_439] {strides = array<i32>} : memref<64x256xf32, #tpu.memory_space<vmem>>, vector<1x16xf32>,
      %get3A_441 = vector.shape_cast %get3A_440 : vector<1x16xf32> to vector<16xf32>
      %get3A_442 = arith.index_cast %scan3A_202 : i32 to index
      %get3A_443 = arith.constant 224 : index
      %get3A_444 = tpu.vector_load %arg10[%get3A_442, %get3A_443] {strides = array<i32>} : memref<64x256xf32, #tpu.memory_space<vmem>>, vector<1x16xf32>,
      %get3A_445 = vector.shape_cast %get3A_444 : vector<1x16xf32> to vector<16xf32>
      %sub3A_446 = arith.constant 1.000000e+00 : f32
      %sub3A_447 = vector.broadcast %sub3A_446 : f32 to vector<16xf32>
      %sub3A_448 = arith.subf %sub3A_447, %get3A_445 : vector<16xf32>
      %mul3A_449 = arith.mulf %get3A_441, %sub3A_448 : vector<16xf32>
      %swap3A_450 = arith.index_cast %scan3A_202 : i32 to index
      %swap3A_451 = arith.constant 224 : index
      %swap3A_452 = tpu.vector_load %arg8[%swap3A_450, %swap3A_451] {strides = array<i32>} : memref<64x256xf32, #tpu.memory_space<vmem>>, vector<1x16xf32>,
      %swap3A_453 = vector.shape_cast %swap3A_452 : vector<1x16xf32> to vector<16xf32>
      %swap3A_454 = vector.shape_cast %mul3A_449 : vector<16xf32> to vector<1x16xf32>
      tpu.vector_store %arg8[%swap3A_450, %swap3A_451], %swap3A_454 {strides = array<i32>} : memref<64x256xf32, #tpu.memory_space<vmem>>, vector<1x16xf32>,
      %get3A_455 = arith.index_cast %scan3A_202 : i32 to index
      %get3A_456 = arith.constant 240 : index
      %get3A_457 = tpu.vector_load %arg8[%get3A_455, %get3A_456] {strides = array<i32>} : memref<64x256xf32, #tpu.memory_space<vmem>>, vector<1x16xf32>,
      %get3A_458 = vector.shape_cast %get3A_457 : vector<1x16xf32> to vector<16xf32>
      %get3A_459 = arith.index_cast %scan3A_202 : i32 to index
      %get3A_460 = arith.constant 240 : index
      %get3A_461 = tpu.vector_load %arg10[%get3A_459, %get3A_460] {strides = array<i32>} : memref<64x256xf32, #tpu.memory_space<vmem>>, vector<1x16xf32>,
      %get3A_462 = vector.shape_cast %get3A_461 : vector<1x16xf32> to vector<16xf32>
      %sub3A_463 = arith.constant 1.000000e+00 : f32
      %sub3A_464 = vector.broadcast %sub3A_463 : f32 to vector<16xf32>
      %sub3A_465 = arith.subf %sub3A_464, %get3A_462 : vector<16xf32>
      %mul3A_466 = arith.mulf %get3A_458, %sub3A_465 : vector<16xf32>
      %swap3A_467 = arith.index_cast %scan3A_202 : i32 to index
      %swap3A_468 = arith.constant 240 : index
      %swap3A_469 = tpu.vector_load %arg8[%swap3A_467, %swap3A_468] {strides = array<i32>} : memref<64x256xf32, #tpu.memory_space<vmem>>, vector<1x16xf32>,
      %swap3A_470 = vector.shape_cast %swap3A_469 : vector<1x16xf32> to vector<16xf32>
      %swap3A_471 = vector.shape_cast %mul3A_466 : vector<16xf32> to vector<1x16xf32>
      tpu.vector_store %arg8[%swap3A_467, %swap3A_468], %swap3A_471 {strides = array<i32>} : memref<64x256xf32, #tpu.memory_space<vmem>>, vector<1x16xf32>,
    }
    %scan3A_59 = arith.constant 64 : i32
    "tpu.region"() ({
      %run_scoped3A = tpu.sem_alloc : memref<!tpu.dma_semaphore, #tpu.memory_space<semaphore_mem>>
      %dma_start3A_202 = arith.constant 0 : i32
      %dma_start3A_203 = tpu.memref_slice %arg4[%add3A_54, %dma_start3A_202] : memref<4096x256xf32, #tpu.memory_space<hbm>> -> memref<64x256xf32, #tpu.memory_space<hbm>>
      %dma_start3A_204 = arith.constant 0 : i32
      %dma_start3A_205 = tpu.memref_slice %arg4[%add3A_54, %dma_start3A_204] : memref<4096x256xf32, #tpu.memory_space<hbm>> -> memref<64x256xf32, #tpu.memory_space<hbm>>
      tpu.enqueue_dma source(%dma_start3A_205 : memref<64x256xf32, #tpu.memory_space<hbm>>) target(%arg10 : memref<64x256xf32, #tpu.memory_space<vmem>>) target_semaphore(%run_scoped3A : memref<!tpu.dma_semaphore, #tpu.memory_space<semaphore_mem>>)
      %dma_wait3A_206 = arith.constant 0 : i32
      %dma_wait3A_207 = tpu.memref_slice %arg4[%add3A_54, %dma_wait3A_206] : memref<4096x256xf32, #tpu.memory_space<hbm>> -> memref<64x256xf32, #tpu.memory_space<hbm>>
      %dma_wait3A_208 = arith.constant 0 : i32
      %dma_wait3A_209 = tpu.memref_slice %arg4[%add3A_54, %dma_wait3A_208] : memref<4096x256xf32, #tpu.memory_space<hbm>> -> memref<64x256xf32, #tpu.memory_space<hbm>>
      tpu.wait_dma2 semaphore(%run_scoped3A : memref<!tpu.dma_semaphore, #tpu.memory_space<semaphore_mem>>) src(%dma_wait3A_209 : memref<64x256xf32, #tpu.memory_space<hbm>>) dst(%arg10 : memref<64x256xf32, #tpu.memory_space<vmem>>)
      tpu.yield
    }) : () -> ()
    %scan3A_60 = arith.constant 0 : i32
    %scan3A_61 = arith.constant 0 : i32
    %scan3A_62 = arith.constant 64 : i32
    %scan3A_63 = arith.addi %scan3A_61, %scan3A_62 : i32
    %scan3A_64 = arith.constant 1 : i32
    scf.for %scan3A_202 = %scan3A_61 to %scan3A_63 step %scan3A_64  : i32 {
      %get3A = arith.index_cast %scan3A_202 : i32 to index
      %get3A_203 = arith.constant 0 : index
      %get3A_204 = tpu.vector_load %arg8[%get3A, %get3A_203] {strides = array<i32>} : memref<64x256xf32, #tpu.memory_space<vmem>>, vector<1x16xf32>,
      %get3A_205 = vector.shape_cast %get3A_204 : vector<1x16xf32> to vector<16xf32>
      %get3A_206 = arith.index_cast %scan3A_202 : i32 to index
      %get3A_207 = arith.constant 0 : index
      %get3A_208 = tpu.vector_load %arg10[%get3A_206, %get3A_207] {strides = array<i32>} : memref<64x256xf32, #tpu.memory_space<vmem>>, vector<1x16xf32>,
      %get3A_209 = vector.shape_cast %get3A_208 : vector<1x16xf32> to vector<16xf32>
      %add3A_210 = arith.addf %get3A_205, %get3A_209 : vector<16xf32>
      %swap3A = arith.index_cast %scan3A_202 : i32 to index
      %swap3A_211 = arith.constant 0 : index
      %swap3A_212 = tpu.vector_load %arg8[%swap3A, %swap3A_211] {strides = array<i32>} : memref<64x256xf32, #tpu.memory_space<vmem>>, vector<1x16xf32>,
      %swap3A_213 = vector.shape_cast %swap3A_212 : vector<1x16xf32> to vector<16xf32>
      %swap3A_214 = vector.shape_cast %add3A_210 : vector<16xf32> to vector<1x16xf32>
      tpu.vector_store %arg8[%swap3A, %swap3A_211], %swap3A_214 {strides = array<i32>} : memref<64x256xf32, #tpu.memory_space<vmem>>, vector<1x16xf32>,
      %get3A_215 = arith.index_cast %scan3A_202 : i32 to index
      %get3A_216 = arith.constant 16 : index
      %get3A_217 = tpu.vector_load %arg8[%get3A_215, %get3A_216] {strides = array<i32>} : memref<64x256xf32, #tpu.memory_space<vmem>>, vector<1x16xf32>,
      %get3A_218 = vector.shape_cast %get3A_217 : vector<1x16xf32> to vector<16xf32>
      %get3A_219 = arith.index_cast %scan3A_202 : i32 to index
      %get3A_220 = arith.constant 16 : index
      %get3A_221 = tpu.vector_load %arg10[%get3A_219, %get3A_220] {strides = array<i32>} : memref<64x256xf32, #tpu.memory_space<vmem>>, vector<1x16xf32>,
      %get3A_222 = vector.shape_cast %get3A_221 : vector<1x16xf32> to vector<16xf32>
      %add3A_223 = arith.addf %get3A_218, %get3A_222 : vector<16xf32>
      %swap3A_224 = arith.index_cast %scan3A_202 : i32 to index
      %swap3A_225 = arith.constant 16 : index
      %swap3A_226 = tpu.vector_load %arg8[%swap3A_224, %swap3A_225] {strides = array<i32>} : memref<64x256xf32, #tpu.memory_space<vmem>>, vector<1x16xf32>,
      %swap3A_227 = vector.shape_cast %swap3A_226 : vector<1x16xf32> to vector<16xf32>
      %swap3A_228 = vector.shape_cast %add3A_223 : vector<16xf32> to vector<1x16xf32>
      tpu.vector_store %arg8[%swap3A_224, %swap3A_225], %swap3A_228 {strides = array<i32>} : memref<64x256xf32, #tpu.memory_space<vmem>>, vector<1x16xf32>,
      %get3A_229 = arith.index_cast %scan3A_202 : i32 to index
      %get3A_230 = arith.constant 32 : index
      %get3A_231 = tpu.vector_load %arg8[%get3A_229, %get3A_230] {strides = array<i32>} : memref<64x256xf32, #tpu.memory_space<vmem>>, vector<1x16xf32>,
      %get3A_232 = vector.shape_cast %get3A_231 : vector<1x16xf32> to vector<16xf32>
      %get3A_233 = arith.index_cast %scan3A_202 : i32 to index
      %get3A_234 = arith.constant 32 : index
      %get3A_235 = tpu.vector_load %arg10[%get3A_233, %get3A_234] {strides = array<i32>} : memref<64x256xf32, #tpu.memory_space<vmem>>, vector<1x16xf32>,
      %get3A_236 = vector.shape_cast %get3A_235 : vector<1x16xf32> to vector<16xf32>
      %add3A_237 = arith.addf %get3A_232, %get3A_236 : vector<16xf32>
      %swap3A_238 = arith.index_cast %scan3A_202 : i32 to index
      %swap3A_239 = arith.constant 32 : index
      %swap3A_240 = tpu.vector_load %arg8[%swap3A_238, %swap3A_239] {strides = array<i32>} : memref<64x256xf32, #tpu.memory_space<vmem>>, vector<1x16xf32>,
      %swap3A_241 = vector.shape_cast %swap3A_240 : vector<1x16xf32> to vector<16xf32>
      %swap3A_242 = vector.shape_cast %add3A_237 : vector<16xf32> to vector<1x16xf32>
      tpu.vector_store %arg8[%swap3A_238, %swap3A_239], %swap3A_242 {strides = array<i32>} : memref<64x256xf32, #tpu.memory_space<vmem>>, vector<1x16xf32>,
      %get3A_243 = arith.index_cast %scan3A_202 : i32 to index
      %get3A_244 = arith.constant 48 : index
      %get3A_245 = tpu.vector_load %arg8[%get3A_243, %get3A_244] {strides = array<i32>} : memref<64x256xf32, #tpu.memory_space<vmem>>, vector<1x16xf32>,
      %get3A_246 = vector.shape_cast %get3A_245 : vector<1x16xf32> to vector<16xf32>
      %get3A_247 = arith.index_cast %scan3A_202 : i32 to index
      %get3A_248 = arith.constant 48 : index
      %get3A_249 = tpu.vector_load %arg10[%get3A_247, %get3A_248] {strides = array<i32>} : memref<64x256xf32, #tpu.memory_space<vmem>>, vector<1x16xf32>,
      %get3A_250 = vector.shape_cast %get3A_249 : vector<1x16xf32> to vector<16xf32>
      %add3A_251 = arith.addf %get3A_246, %get3A_250 : vector<16xf32>
      %swap3A_252 = arith.index_cast %scan3A_202 : i32 to index
      %swap3A_253 = arith.constant 48 : index
      %swap3A_254 = tpu.vector_load %arg8[%swap3A_252, %swap3A_253] {strides = array<i32>} : memref<64x256xf32, #tpu.memory_space<vmem>>, vector<1x16xf32>,
      %swap3A_255 = vector.shape_cast %swap3A_254 : vector<1x16xf32> to vector<16xf32>
      %swap3A_256 = vector.shape_cast %add3A_251 : vector<16xf32> to vector<1x16xf32>
      tpu.vector_store %arg8[%swap3A_252, %swap3A_253], %swap3A_256 {strides = array<i32>} : memref<64x256xf32, #tpu.memory_space<vmem>>, vector<1x16xf32>,
      %get3A_257 = arith.index_cast %scan3A_202 : i32 to index
      %get3A_258 = arith.constant 64 : index
      %get3A_259 = tpu.vector_load %arg8[%get3A_257, %get3A_258] {strides = array<i32>} : memref<64x256xf32, #tpu.memory_space<vmem>>, vector<1x16xf32>,
      %get3A_260 = vector.shape_cast %get3A_259 : vector<1x16xf32> to vector<16xf32>
      %get3A_261 = arith.index_cast %scan3A_202 : i32 to index
      %get3A_262 = arith.constant 64 : index
      %get3A_263 = tpu.vector_load %arg10[%get3A_261, %get3A_262] {strides = array<i32>} : memref<64x256xf32, #tpu.memory_space<vmem>>, vector<1x16xf32>,
      %get3A_264 = vector.shape_cast %get3A_263 : vector<1x16xf32> to vector<16xf32>
      %add3A_265 = arith.addf %get3A_260, %get3A_264 : vector<16xf32>
      %swap3A_266 = arith.index_cast %scan3A_202 : i32 to index
      %swap3A_267 = arith.constant 64 : index
      %swap3A_268 = tpu.vector_load %arg8[%swap3A_266, %swap3A_267] {strides = array<i32>} : memref<64x256xf32, #tpu.memory_space<vmem>>, vector<1x16xf32>,
      %swap3A_269 = vector.shape_cast %swap3A_268 : vector<1x16xf32> to vector<16xf32>
      %swap3A_270 = vector.shape_cast %add3A_265 : vector<16xf32> to vector<1x16xf32>
      tpu.vector_store %arg8[%swap3A_266, %swap3A_267], %swap3A_270 {strides = array<i32>} : memref<64x256xf32, #tpu.memory_space<vmem>>, vector<1x16xf32>,
      %get3A_271 = arith.index_cast %scan3A_202 : i32 to index
      %get3A_272 = arith.constant 80 : index
      %get3A_273 = tpu.vector_load %arg8[%get3A_271, %get3A_272] {strides = array<i32>} : memref<64x256xf32, #tpu.memory_space<vmem>>, vector<1x16xf32>,
      %get3A_274 = vector.shape_cast %get3A_273 : vector<1x16xf32> to vector<16xf32>
      %get3A_275 = arith.index_cast %scan3A_202 : i32 to index
      %get3A_276 = arith.constant 80 : index
      %get3A_277 = tpu.vector_load %arg10[%get3A_275, %get3A_276] {strides = array<i32>} : memref<64x256xf32, #tpu.memory_space<vmem>>, vector<1x16xf32>,
      %get3A_278 = vector.shape_cast %get3A_277 : vector<1x16xf32> to vector<16xf32>
      %add3A_279 = arith.addf %get3A_274, %get3A_278 : vector<16xf32>
      %swap3A_280 = arith.index_cast %scan3A_202 : i32 to index
      %swap3A_281 = arith.constant 80 : index
      %swap3A_282 = tpu.vector_load %arg8[%swap3A_280, %swap3A_281] {strides = array<i32>} : memref<64x256xf32, #tpu.memory_space<vmem>>, vector<1x16xf32>,
      %swap3A_283 = vector.shape_cast %swap3A_282 : vector<1x16xf32> to vector<16xf32>
      %swap3A_284 = vector.shape_cast %add3A_279 : vector<16xf32> to vector<1x16xf32>
      tpu.vector_store %arg8[%swap3A_280, %swap3A_281], %swap3A_284 {strides = array<i32>} : memref<64x256xf32, #tpu.memory_space<vmem>>, vector<1x16xf32>,
      %get3A_285 = arith.index_cast %scan3A_202 : i32 to index
      %get3A_286 = arith.constant 96 : index
      %get3A_287 = tpu.vector_load %arg8[%get3A_285, %get3A_286] {strides = array<i32>} : memref<64x256xf32, #tpu.memory_space<vmem>>, vector<1x16xf32>,
      %get3A_288 = vector.shape_cast %get3A_287 : vector<1x16xf32> to vector<16xf32>
      %get3A_289 = arith.index_cast %scan3A_202 : i32 to index
      %get3A_290 = arith.constant 96 : index
      %get3A_291 = tpu.vector_load %arg10[%get3A_289, %get3A_290] {strides = array<i32>} : memref<64x256xf32, #tpu.memory_space<vmem>>, vector<1x16xf32>,
      %get3A_292 = vector.shape_cast %get3A_291 : vector<1x16xf32> to vector<16xf32>
      %add3A_293 = arith.addf %get3A_288, %get3A_292 : vector<16xf32>
      %swap3A_294 = arith.index_cast %scan3A_202 : i32 to index
      %swap3A_295 = arith.constant 96 : index
      %swap3A_296 = tpu.vector_load %arg8[%swap3A_294, %swap3A_295] {strides = array<i32>} : memref<64x256xf32, #tpu.memory_space<vmem>>, vector<1x16xf32>,
      %swap3A_297 = vector.shape_cast %swap3A_296 : vector<1x16xf32> to vector<16xf32>
      %swap3A_298 = vector.shape_cast %add3A_293 : vector<16xf32> to vector<1x16xf32>
      tpu.vector_store %arg8[%swap3A_294, %swap3A_295], %swap3A_298 {strides = array<i32>} : memref<64x256xf32, #tpu.memory_space<vmem>>, vector<1x16xf32>,
      %get3A_299 = arith.index_cast %scan3A_202 : i32 to index
      %get3A_300 = arith.constant 112 : index
      %get3A_301 = tpu.vector_load %arg8[%get3A_299, %get3A_300] {strides = array<i32>} : memref<64x256xf32, #tpu.memory_space<vmem>>, vector<1x16xf32>,
      %get3A_302 = vector.shape_cast %get3A_301 : vector<1x16xf32> to vector<16xf32>
      %get3A_303 = arith.index_cast %scan3A_202 : i32 to index
      %get3A_304 = arith.constant 112 : index
      %get3A_305 = tpu.vector_load %arg10[%get3A_303, %get3A_304] {strides = array<i32>} : memref<64x256xf32, #tpu.memory_space<vmem>>, vector<1x16xf32>,
      %get3A_306 = vector.shape_cast %get3A_305 : vector<1x16xf32> to vector<16xf32>
      %add3A_307 = arith.addf %get3A_302, %get3A_306 : vector<16xf32>
      %swap3A_308 = arith.index_cast %scan3A_202 : i32 to index
      %swap3A_309 = arith.constant 112 : index
      %swap3A_310 = tpu.vector_load %arg8[%swap3A_308, %swap3A_309] {strides = array<i32>} : memref<64x256xf32, #tpu.memory_space<vmem>>, vector<1x16xf32>,
      %swap3A_311 = vector.shape_cast %swap3A_310 : vector<1x16xf32> to vector<16xf32>
      %swap3A_312 = vector.shape_cast %add3A_307 : vector<16xf32> to vector<1x16xf32>
      tpu.vector_store %arg8[%swap3A_308, %swap3A_309], %swap3A_312 {strides = array<i32>} : memref<64x256xf32, #tpu.memory_space<vmem>>, vector<1x16xf32>,
      %get3A_313 = arith.index_cast %scan3A_202 : i32 to index
      %get3A_314 = arith.constant 128 : index
      %get3A_315 = tpu.vector_load %arg8[%get3A_313, %get3A_314] {strides = array<i32>} : memref<64x256xf32, #tpu.memory_space<vmem>>, vector<1x16xf32>,
      %get3A_316 = vector.shape_cast %get3A_315 : vector<1x16xf32> to vector<16xf32>
      %get3A_317 = arith.index_cast %scan3A_202 : i32 to index
      %get3A_318 = arith.constant 128 : index
      %get3A_319 = tpu.vector_load %arg10[%get3A_317, %get3A_318] {strides = array<i32>} : memref<64x256xf32, #tpu.memory_space<vmem>>, vector<1x16xf32>,
      %get3A_320 = vector.shape_cast %get3A_319 : vector<1x16xf32> to vector<16xf32>
      %add3A_321 = arith.addf %get3A_316, %get3A_320 : vector<16xf32>
      %swap3A_322 = arith.index_cast %scan3A_202 : i32 to index
      %swap3A_323 = arith.constant 128 : index
      %swap3A_324 = tpu.vector_load %arg8[%swap3A_322, %swap3A_323] {strides = array<i32>} : memref<64x256xf32, #tpu.memory_space<vmem>>, vector<1x16xf32>,
      %swap3A_325 = vector.shape_cast %swap3A_324 : vector<1x16xf32> to vector<16xf32>
      %swap3A_326 = vector.shape_cast %add3A_321 : vector<16xf32> to vector<1x16xf32>
      tpu.vector_store %arg8[%swap3A_322, %swap3A_323], %swap3A_326 {strides = array<i32>} : memref<64x256xf32, #tpu.memory_space<vmem>>, vector<1x16xf32>,
      %get3A_327 = arith.index_cast %scan3A_202 : i32 to index
      %get3A_328 = arith.constant 144 : index
      %get3A_329 = tpu.vector_load %arg8[%get3A_327, %get3A_328] {strides = array<i32>} : memref<64x256xf32, #tpu.memory_space<vmem>>, vector<1x16xf32>,
      %get3A_330 = vector.shape_cast %get3A_329 : vector<1x16xf32> to vector<16xf32>
      %get3A_331 = arith.index_cast %scan3A_202 : i32 to index
      %get3A_332 = arith.constant 144 : index
      %get3A_333 = tpu.vector_load %arg10[%get3A_331, %get3A_332] {strides = array<i32>} : memref<64x256xf32, #tpu.memory_space<vmem>>, vector<1x16xf32>,
      %get3A_334 = vector.shape_cast %get3A_333 : vector<1x16xf32> to vector<16xf32>
      %add3A_335 = arith.addf %get3A_330, %get3A_334 : vector<16xf32>
      %swap3A_336 = arith.index_cast %scan3A_202 : i32 to index
      %swap3A_337 = arith.constant 144 : index
      %swap3A_338 = tpu.vector_load %arg8[%swap3A_336, %swap3A_337] {strides = array<i32>} : memref<64x256xf32, #tpu.memory_space<vmem>>, vector<1x16xf32>,
      %swap3A_339 = vector.shape_cast %swap3A_338 : vector<1x16xf32> to vector<16xf32>
      %swap3A_340 = vector.shape_cast %add3A_335 : vector<16xf32> to vector<1x16xf32>
      tpu.vector_store %arg8[%swap3A_336, %swap3A_337], %swap3A_340 {strides = array<i32>} : memref<64x256xf32, #tpu.memory_space<vmem>>, vector<1x16xf32>,
      %get3A_341 = arith.index_cast %scan3A_202 : i32 to index
      %get3A_342 = arith.constant 160 : index
      %get3A_343 = tpu.vector_load %arg8[%get3A_341, %get3A_342] {strides = array<i32>} : memref<64x256xf32, #tpu.memory_space<vmem>>, vector<1x16xf32>,
      %get3A_344 = vector.shape_cast %get3A_343 : vector<1x16xf32> to vector<16xf32>
      %get3A_345 = arith.index_cast %scan3A_202 : i32 to index
      %get3A_346 = arith.constant 160 : index
      %get3A_347 = tpu.vector_load %arg10[%get3A_345, %get3A_346] {strides = array<i32>} : memref<64x256xf32, #tpu.memory_space<vmem>>, vector<1x16xf32>,
      %get3A_348 = vector.shape_cast %get3A_347 : vector<1x16xf32> to vector<16xf32>
      %add3A_349 = arith.addf %get3A_344, %get3A_348 : vector<16xf32>
      %swap3A_350 = arith.index_cast %scan3A_202 : i32 to index
      %swap3A_351 = arith.constant 160 : index
      %swap3A_352 = tpu.vector_load %arg8[%swap3A_350, %swap3A_351] {strides = array<i32>} : memref<64x256xf32, #tpu.memory_space<vmem>>, vector<1x16xf32>,
      %swap3A_353 = vector.shape_cast %swap3A_352 : vector<1x16xf32> to vector<16xf32>
      %swap3A_354 = vector.shape_cast %add3A_349 : vector<16xf32> to vector<1x16xf32>
      tpu.vector_store %arg8[%swap3A_350, %swap3A_351], %swap3A_354 {strides = array<i32>} : memref<64x256xf32, #tpu.memory_space<vmem>>, vector<1x16xf32>,
      %get3A_355 = arith.index_cast %scan3A_202 : i32 to index
      %get3A_356 = arith.constant 176 : index
      %get3A_357 = tpu.vector_load %arg8[%get3A_355, %get3A_356] {strides = array<i32>} : memref<64x256xf32, #tpu.memory_space<vmem>>, vector<1x16xf32>,
      %get3A_358 = vector.shape_cast %get3A_357 : vector<1x16xf32> to vector<16xf32>
      %get3A_359 = arith.index_cast %scan3A_202 : i32 to index
      %get3A_360 = arith.constant 176 : index
      %get3A_361 = tpu.vector_load %arg10[%get3A_359, %get3A_360] {strides = array<i32>} : memref<64x256xf32, #tpu.memory_space<vmem>>, vector<1x16xf32>,
      %get3A_362 = vector.shape_cast %get3A_361 : vector<1x16xf32> to vector<16xf32>
      %add3A_363 = arith.addf %get3A_358, %get3A_362 : vector<16xf32>
      %swap3A_364 = arith.index_cast %scan3A_202 : i32 to index
      %swap3A_365 = arith.constant 176 : index
      %swap3A_366 = tpu.vector_load %arg8[%swap3A_364, %swap3A_365] {strides = array<i32>} : memref<64x256xf32, #tpu.memory_space<vmem>>, vector<1x16xf32>,
      %swap3A_367 = vector.shape_cast %swap3A_366 : vector<1x16xf32> to vector<16xf32>
      %swap3A_368 = vector.shape_cast %add3A_363 : vector<16xf32> to vector<1x16xf32>
      tpu.vector_store %arg8[%swap3A_364, %swap3A_365], %swap3A_368 {strides = array<i32>} : memref<64x256xf32, #tpu.memory_space<vmem>>, vector<1x16xf32>,
      %get3A_369 = arith.index_cast %scan3A_202 : i32 to index
      %get3A_370 = arith.constant 192 : index
      %get3A_371 = tpu.vector_load %arg8[%get3A_369, %get3A_370] {strides = array<i32>} : memref<64x256xf32, #tpu.memory_space<vmem>>, vector<1x16xf32>,
      %get3A_372 = vector.shape_cast %get3A_371 : vector<1x16xf32> to vector<16xf32>
      %get3A_373 = arith.index_cast %scan3A_202 : i32 to index
      %get3A_374 = arith.constant 192 : index
      %get3A_375 = tpu.vector_load %arg10[%get3A_373, %get3A_374] {strides = array<i32>} : memref<64x256xf32, #tpu.memory_space<vmem>>, vector<1x16xf32>,
      %get3A_376 = vector.shape_cast %get3A_375 : vector<1x16xf32> to vector<16xf32>
      %add3A_377 = arith.addf %get3A_372, %get3A_376 : vector<16xf32>
      %swap3A_378 = arith.index_cast %scan3A_202 : i32 to index
      %swap3A_379 = arith.constant 192 : index
      %swap3A_380 = tpu.vector_load %arg8[%swap3A_378, %swap3A_379] {strides = array<i32>} : memref<64x256xf32, #tpu.memory_space<vmem>>, vector<1x16xf32>,
      %swap3A_381 = vector.shape_cast %swap3A_380 : vector<1x16xf32> to vector<16xf32>
      %swap3A_382 = vector.shape_cast %add3A_377 : vector<16xf32> to vector<1x16xf32>
      tpu.vector_store %arg8[%swap3A_378, %swap3A_379], %swap3A_382 {strides = array<i32>} : memref<64x256xf32, #tpu.memory_space<vmem>>, vector<1x16xf32>,
      %get3A_383 = arith.index_cast %scan3A_202 : i32 to index
      %get3A_384 = arith.constant 208 : index
      %get3A_385 = tpu.vector_load %arg8[%get3A_383, %get3A_384] {strides = array<i32>} : memref<64x256xf32, #tpu.memory_space<vmem>>, vector<1x16xf32>,
      %get3A_386 = vector.shape_cast %get3A_385 : vector<1x16xf32> to vector<16xf32>
      %get3A_387 = arith.index_cast %scan3A_202 : i32 to index
      %get3A_388 = arith.constant 208 : index
      %get3A_389 = tpu.vector_load %arg10[%get3A_387, %get3A_388] {strides = array<i32>} : memref<64x256xf32, #tpu.memory_space<vmem>>, vector<1x16xf32>,
      %get3A_390 = vector.shape_cast %get3A_389 : vector<1x16xf32> to vector<16xf32>
      %add3A_391 = arith.addf %get3A_386, %get3A_390 : vector<16xf32>
      %swap3A_392 = arith.index_cast %scan3A_202 : i32 to index
      %swap3A_393 = arith.constant 208 : index
      %swap3A_394 = tpu.vector_load %arg8[%swap3A_392, %swap3A_393] {strides = array<i32>} : memref<64x256xf32, #tpu.memory_space<vmem>>, vector<1x16xf32>,
      %swap3A_395 = vector.shape_cast %swap3A_394 : vector<1x16xf32> to vector<16xf32>
      %swap3A_396 = vector.shape_cast %add3A_391 : vector<16xf32> to vector<1x16xf32>
      tpu.vector_store %arg8[%swap3A_392, %swap3A_393], %swap3A_396 {strides = array<i32>} : memref<64x256xf32, #tpu.memory_space<vmem>>, vector<1x16xf32>,
      %get3A_397 = arith.index_cast %scan3A_202 : i32 to index
      %get3A_398 = arith.constant 224 : index
      %get3A_399 = tpu.vector_load %arg8[%get3A_397, %get3A_398] {strides = array<i32>} : memref<64x256xf32, #tpu.memory_space<vmem>>, vector<1x16xf32>,
      %get3A_400 = vector.shape_cast %get3A_399 : vector<1x16xf32> to vector<16xf32>
      %get3A_401 = arith.index_cast %scan3A_202 : i32 to index
      %get3A_402 = arith.constant 224 : index
      %get3A_403 = tpu.vector_load %arg10[%get3A_401, %get3A_402] {strides = array<i32>} : memref<64x256xf32, #tpu.memory_space<vmem>>, vector<1x16xf32>,
      %get3A_404 = vector.shape_cast %get3A_403 : vector<1x16xf32> to vector<16xf32>
      %add3A_405 = arith.addf %get3A_400, %get3A_404 : vector<16xf32>
      %swap3A_406 = arith.index_cast %scan3A_202 : i32 to index
      %swap3A_407 = arith.constant 224 : index
      %swap3A_408 = tpu.vector_load %arg8[%swap3A_406, %swap3A_407] {strides = array<i32>} : memref<64x256xf32, #tpu.memory_space<vmem>>, vector<1x16xf32>,
      %swap3A_409 = vector.shape_cast %swap3A_408 : vector<1x16xf32> to vector<16xf32>
      %swap3A_410 = vector.shape_cast %add3A_405 : vector<16xf32> to vector<1x16xf32>
      tpu.vector_store %arg8[%swap3A_406, %swap3A_407], %swap3A_410 {strides = array<i32>} : memref<64x256xf32, #tpu.memory_space<vmem>>, vector<1x16xf32>,
      %get3A_411 = arith.index_cast %scan3A_202 : i32 to index
      %get3A_412 = arith.constant 240 : index
      %get3A_413 = tpu.vector_load %arg8[%get3A_411, %get3A_412] {strides = array<i32>} : memref<64x256xf32, #tpu.memory_space<vmem>>, vector<1x16xf32>,
      %get3A_414 = vector.shape_cast %get3A_413 : vector<1x16xf32> to vector<16xf32>
      %get3A_415 = arith.index_cast %scan3A_202 : i32 to index
      %get3A_416 = arith.constant 240 : index
      %get3A_417 = tpu.vector_load %arg10[%get3A_415, %get3A_416] {strides = array<i32>} : memref<64x256xf32, #tpu.memory_space<vmem>>, vector<1x16xf32>,
      %get3A_418 = vector.shape_cast %get3A_417 : vector<1x16xf32> to vector<16xf32>
      %add3A_419 = arith.addf %get3A_414, %get3A_418 : vector<16xf32>
      %swap3A_420 = arith.index_cast %scan3A_202 : i32 to index
      %swap3A_421 = arith.constant 240 : index
      %swap3A_422 = tpu.vector_load %arg8[%swap3A_420, %swap3A_421] {strides = array<i32>} : memref<64x256xf32, #tpu.memory_space<vmem>>, vector<1x16xf32>,
      %swap3A_423 = vector.shape_cast %swap3A_422 : vector<1x16xf32> to vector<16xf32>
      %swap3A_424 = vector.shape_cast %add3A_419 : vector<16xf32> to vector<1x16xf32>
      tpu.vector_store %arg8[%swap3A_420, %swap3A_421], %swap3A_424 {strides = array<i32>} : memref<64x256xf32, #tpu.memory_space<vmem>>, vector<1x16xf32>,
    }
    %scan3A_65 = arith.constant 64 : i32
    %dma_start3A_66 = arith.constant 1 : i32
    %dma_start3A_67 = arith.constant 0 : i32
    %dma_start3A_68 = tpu.memref_slice %arg11[%dma_start3A_66, %dma_start3A_67] : memref<2x64xi32, #tpu.memory_space<vmem>> -> memref<1x64xi32, #tpu.memory_space<vmem>>
    %dma_start3A_69 = tpu.memref_squeeze %dma_start3A_68 : memref<1x64xi32, #tpu.memory_space<vmem>> -> memref<64xi32, #tpu.memory_space<vmem>>
    %dma_start3A_70 = arith.constant 0 : i32
    %dma_start3A_71 = arith.constant 0 : i32
    %dma_start3A_72 = tpu.memref_slice %arg2[%dma_start3A_70, %dma_start3A_71] : memref<262144x256xf32, #tpu.memory_space<hbm>> -> memref<262144x256xf32, #tpu.memory_space<hbm>>
    tpu.enqueue_indirect_dma source(%dma_start3A_72 : memref<262144x256xf32, #tpu.memory_space<hbm>>) target(%arg9 : memref<64x256xf32, #tpu.memory_space<vmem>>) offsets(%dma_start3A_69 : memref<64xi32, #tpu.memory_space<vmem>>) semaphore(%arg20 : memref<!tpu.dma_semaphore, #tpu.memory_space<semaphore_mem>>)
    %dma_wait3A_73 = arith.constant 1 : i32
    %dma_wait3A_74 = arith.constant 0 : i32
    %dma_wait3A_75 = tpu.memref_slice %arg11[%dma_wait3A_73, %dma_wait3A_74] : memref<2x64xi32, #tpu.memory_space<vmem>> -> memref<1x64xi32, #tpu.memory_space<vmem>>
    %dma_wait3A_76 = tpu.memref_squeeze %dma_wait3A_75 : memref<1x64xi32, #tpu.memory_space<vmem>> -> memref<64xi32, #tpu.memory_space<vmem>>
    %dma_wait3A_77 = arith.constant 0 : i32
    %dma_wait3A_78 = arith.constant 0 : i32
    %dma_wait3A_79 = tpu.memref_slice %arg2[%dma_wait3A_77, %dma_wait3A_78] : memref<262144x256xf32, #tpu.memory_space<hbm>> -> memref<262144x256xf32, #tpu.memory_space<hbm>>
    tpu.wait_indirect_dma semaphore(%arg20 : memref<!tpu.dma_semaphore, #tpu.memory_space<semaphore_mem>>) src(%dma_wait3A_79 : memref<262144x256xf32, #tpu.memory_space<hbm>>) dst(%arg9 : memref<64x256xf32, #tpu.memory_space<vmem>>)
    %mul3A_80 = arith.constant 128 : i32
    %mul3A_81 = arith.muli %add3A, %mul3A_80 : i32
    %add3A_82 = arith.constant 64 : i32
    %add3A_83 = arith.addi %mul3A_81, %add3A_82 : i32
    "tpu.region"() ({
      %run_scoped3A = tpu.sem_alloc : memref<!tpu.dma_semaphore, #tpu.memory_space<semaphore_mem>>
      %dma_start3A_202 = arith.constant 0 : i32
      %dma_start3A_203 = tpu.memref_slice %arg3[%add3A_83, %dma_start3A_202] : memref<4096x256xf32, #tpu.memory_space<hbm>> -> memref<64x256xf32, #tpu.memory_space<hbm>>
      %dma_start3A_204 = arith.constant 0 : i32
      %dma_start3A_205 = tpu.memref_slice %arg3[%add3A_83, %dma_start3A_204] : memref<4096x256xf32, #tpu.memory_space<hbm>> -> memref<64x256xf32, #tpu.memory_space<hbm>>
      tpu.enqueue_dma source(%dma_start3A_205 : memref<64x256xf32, #tpu.memory_space<hbm>>) target(%arg10 : memref<64x256xf32, #tpu.memory_space<vmem>>) target_semaphore(%run_scoped3A : memref<!tpu.dma_semaphore, #tpu.memory_space<semaphore_mem>>)
      %dma_wait3A_206 = arith.constant 0 : i32
      %dma_wait3A_207 = tpu.memref_slice %arg3[%add3A_83, %dma_wait3A_206] : memref<4096x256xf32, #tpu.memory_space<hbm>> -> memref<64x256xf32, #tpu.memory_space<hbm>>
      %dma_wait3A_208 = arith.constant 0 : i32
      %dma_wait3A_209 = tpu.memref_slice %arg3[%add3A_83, %dma_wait3A_208] : memref<4096x256xf32, #tpu.memory_space<hbm>> -> memref<64x256xf32, #tpu.memory_space<hbm>>
      tpu.wait_dma2 semaphore(%run_scoped3A : memref<!tpu.dma_semaphore, #tpu.memory_space<semaphore_mem>>) src(%dma_wait3A_209 : memref<64x256xf32, #tpu.memory_space<hbm>>) dst(%arg10 : memref<64x256xf32, #tpu.memory_space<vmem>>)
      tpu.yield
    }) : () -> ()
    %scan3A_84 = arith.constant 0 : i32
    %scan3A_85 = arith.constant 0 : i32
    %scan3A_86 = arith.constant 64 : i32
    %scan3A_87 = arith.addi %scan3A_85, %scan3A_86 : i32
    %scan3A_88 = arith.constant 1 : i32
    scf.for %scan3A_202 = %scan3A_85 to %scan3A_87 step %scan3A_88  : i32 {
      %get3A = arith.index_cast %scan3A_202 : i32 to index
      %get3A_203 = arith.constant 0 : index
      %get3A_204 = tpu.vector_load %arg9[%get3A, %get3A_203] {strides = array<i32>} : memref<64x256xf32, #tpu.memory_space<vmem>>, vector<1x16xf32>,
      %get3A_205 = vector.shape_cast %get3A_204 : vector<1x16xf32> to vector<16xf32>
      %get3A_206 = arith.index_cast %scan3A_202 : i32 to index
      %get3A_207 = arith.constant 0 : index
      %get3A_208 = tpu.vector_load %arg10[%get3A_206, %get3A_207] {strides = array<i32>} : memref<64x256xf32, #tpu.memory_space<vmem>>, vector<1x16xf32>,
      %get3A_209 = vector.shape_cast %get3A_208 : vector<1x16xf32> to vector<16xf32>
      %sub3A = arith.constant 1.000000e+00 : f32
      %sub3A_210 = vector.broadcast %sub3A : f32 to vector<16xf32>
      %sub3A_211 = arith.subf %sub3A_210, %get3A_209 : vector<16xf32>
      %mul3A_212 = arith.mulf %get3A_205, %sub3A_211 : vector<16xf32>
      %swap3A = arith.index_cast %scan3A_202 : i32 to index
      %swap3A_213 = arith.constant 0 : index
      %swap3A_214 = tpu.vector_load %arg9[%swap3A, %swap3A_213] {strides = array<i32>} : memref<64x256xf32, #tpu.memory_space<vmem>>, vector<1x16xf32>,
      %swap3A_215 = vector.shape_cast %swap3A_214 : vector<1x16xf32> to vector<16xf32>
      %swap3A_216 = vector.shape_cast %mul3A_212 : vector<16xf32> to vector<1x16xf32>
      tpu.vector_store %arg9[%swap3A, %swap3A_213], %swap3A_216 {strides = array<i32>} : memref<64x256xf32, #tpu.memory_space<vmem>>, vector<1x16xf32>,
      %get3A_217 = arith.index_cast %scan3A_202 : i32 to index
      %get3A_218 = arith.constant 16 : index
      %get3A_219 = tpu.vector_load %arg9[%get3A_217, %get3A_218] {strides = array<i32>} : memref<64x256xf32, #tpu.memory_space<vmem>>, vector<1x16xf32>,
      %get3A_220 = vector.shape_cast %get3A_219 : vector<1x16xf32> to vector<16xf32>
      %get3A_221 = arith.index_cast %scan3A_202 : i32 to index
      %get3A_222 = arith.constant 16 : index
      %get3A_223 = tpu.vector_load %arg10[%get3A_221, %get3A_222] {strides = array<i32>} : memref<64x256xf32, #tpu.memory_space<vmem>>, vector<1x16xf32>,
      %get3A_224 = vector.shape_cast %get3A_223 : vector<1x16xf32> to vector<16xf32>
      %sub3A_225 = arith.constant 1.000000e+00 : f32
      %sub3A_226 = vector.broadcast %sub3A_225 : f32 to vector<16xf32>
      %sub3A_227 = arith.subf %sub3A_226, %get3A_224 : vector<16xf32>
      %mul3A_228 = arith.mulf %get3A_220, %sub3A_227 : vector<16xf32>
      %swap3A_229 = arith.index_cast %scan3A_202 : i32 to index
      %swap3A_230 = arith.constant 16 : index
      %swap3A_231 = tpu.vector_load %arg9[%swap3A_229, %swap3A_230] {strides = array<i32>} : memref<64x256xf32, #tpu.memory_space<vmem>>, vector<1x16xf32>,
      %swap3A_232 = vector.shape_cast %swap3A_231 : vector<1x16xf32> to vector<16xf32>
      %swap3A_233 = vector.shape_cast %mul3A_228 : vector<16xf32> to vector<1x16xf32>
      tpu.vector_store %arg9[%swap3A_229, %swap3A_230], %swap3A_233 {strides = array<i32>} : memref<64x256xf32, #tpu.memory_space<vmem>>, vector<1x16xf32>,
      %get3A_234 = arith.index_cast %scan3A_202 : i32 to index
      %get3A_235 = arith.constant 32 : index
      %get3A_236 = tpu.vector_load %arg9[%get3A_234, %get3A_235] {strides = array<i32>} : memref<64x256xf32, #tpu.memory_space<vmem>>, vector<1x16xf32>,
      %get3A_237 = vector.shape_cast %get3A_236 : vector<1x16xf32> to vector<16xf32>
      %get3A_238 = arith.index_cast %scan3A_202 : i32 to index
      %get3A_239 = arith.constant 32 : index
      %get3A_240 = tpu.vector_load %arg10[%get3A_238, %get3A_239] {strides = array<i32>} : memref<64x256xf32, #tpu.memory_space<vmem>>, vector<1x16xf32>,
      %get3A_241 = vector.shape_cast %get3A_240 : vector<1x16xf32> to vector<16xf32>
      %sub3A_242 = arith.constant 1.000000e+00 : f32
      %sub3A_243 = vector.broadcast %sub3A_242 : f32 to vector<16xf32>
      %sub3A_244 = arith.subf %sub3A_243, %get3A_241 : vector<16xf32>
      %mul3A_245 = arith.mulf %get3A_237, %sub3A_244 : vector<16xf32>
      %swap3A_246 = arith.index_cast %scan3A_202 : i32 to index
      %swap3A_247 = arith.constant 32 : index
      %swap3A_248 = tpu.vector_load %arg9[%swap3A_246, %swap3A_247] {strides = array<i32>} : memref<64x256xf32, #tpu.memory_space<vmem>>, vector<1x16xf32>,
      %swap3A_249 = vector.shape_cast %swap3A_248 : vector<1x16xf32> to vector<16xf32>
      %swap3A_250 = vector.shape_cast %mul3A_245 : vector<16xf32> to vector<1x16xf32>
      tpu.vector_store %arg9[%swap3A_246, %swap3A_247], %swap3A_250 {strides = array<i32>} : memref<64x256xf32, #tpu.memory_space<vmem>>, vector<1x16xf32>,
      %get3A_251 = arith.index_cast %scan3A_202 : i32 to index
      %get3A_252 = arith.constant 48 : index
      %get3A_253 = tpu.vector_load %arg9[%get3A_251, %get3A_252] {strides = array<i32>} : memref<64x256xf32, #tpu.memory_space<vmem>>, vector<1x16xf32>,
      %get3A_254 = vector.shape_cast %get3A_253 : vector<1x16xf32> to vector<16xf32>
      %get3A_255 = arith.index_cast %scan3A_202 : i32 to index
      %get3A_256 = arith.constant 48 : index
      %get3A_257 = tpu.vector_load %arg10[%get3A_255, %get3A_256] {strides = array<i32>} : memref<64x256xf32, #tpu.memory_space<vmem>>, vector<1x16xf32>,
      %get3A_258 = vector.shape_cast %get3A_257 : vector<1x16xf32> to vector<16xf32>
      %sub3A_259 = arith.constant 1.000000e+00 : f32
      %sub3A_260 = vector.broadcast %sub3A_259 : f32 to vector<16xf32>
      %sub3A_261 = arith.subf %sub3A_260, %get3A_258 : vector<16xf32>
      %mul3A_262 = arith.mulf %get3A_254, %sub3A_261 : vector<16xf32>
      %swap3A_263 = arith.index_cast %scan3A_202 : i32 to index
      %swap3A_264 = arith.constant 48 : index
      %swap3A_265 = tpu.vector_load %arg9[%swap3A_263, %swap3A_264] {strides = array<i32>} : memref<64x256xf32, #tpu.memory_space<vmem>>, vector<1x16xf32>,
      %swap3A_266 = vector.shape_cast %swap3A_265 : vector<1x16xf32> to vector<16xf32>
      %swap3A_267 = vector.shape_cast %mul3A_262 : vector<16xf32> to vector<1x16xf32>
      tpu.vector_store %arg9[%swap3A_263, %swap3A_264], %swap3A_267 {strides = array<i32>} : memref<64x256xf32, #tpu.memory_space<vmem>>, vector<1x16xf32>,
      %get3A_268 = arith.index_cast %scan3A_202 : i32 to index
      %get3A_269 = arith.constant 64 : index
      %get3A_270 = tpu.vector_load %arg9[%get3A_268, %get3A_269] {strides = array<i32>} : memref<64x256xf32, #tpu.memory_space<vmem>>, vector<1x16xf32>,
      %get3A_271 = vector.shape_cast %get3A_270 : vector<1x16xf32> to vector<16xf32>
      %get3A_272 = arith.index_cast %scan3A_202 : i32 to index
      %get3A_273 = arith.constant 64 : index
      %get3A_274 = tpu.vector_load %arg10[%get3A_272, %get3A_273] {strides = array<i32>} : memref<64x256xf32, #tpu.memory_space<vmem>>, vector<1x16xf32>,
      %get3A_275 = vector.shape_cast %get3A_274 : vector<1x16xf32> to vector<16xf32>
      %sub3A_276 = arith.constant 1.000000e+00 : f32
      %sub3A_277 = vector.broadcast %sub3A_276 : f32 to vector<16xf32>
      %sub3A_278 = arith.subf %sub3A_277, %get3A_275 : vector<16xf32>
      %mul3A_279 = arith.mulf %get3A_271, %sub3A_278 : vector<16xf32>
      %swap3A_280 = arith.index_cast %scan3A_202 : i32 to index
      %swap3A_281 = arith.constant 64 : index
      %swap3A_282 = tpu.vector_load %arg9[%swap3A_280, %swap3A_281] {strides = array<i32>} : memref<64x256xf32, #tpu.memory_space<vmem>>, vector<1x16xf32>,
      %swap3A_283 = vector.shape_cast %swap3A_282 : vector<1x16xf32> to vector<16xf32>
      %swap3A_284 = vector.shape_cast %mul3A_279 : vector<16xf32> to vector<1x16xf32>
      tpu.vector_store %arg9[%swap3A_280, %swap3A_281], %swap3A_284 {strides = array<i32>} : memref<64x256xf32, #tpu.memory_space<vmem>>, vector<1x16xf32>,
      %get3A_285 = arith.index_cast %scan3A_202 : i32 to index
      %get3A_286 = arith.constant 80 : index
      %get3A_287 = tpu.vector_load %arg9[%get3A_285, %get3A_286] {strides = array<i32>} : memref<64x256xf32, #tpu.memory_space<vmem>>, vector<1x16xf32>,
      %get3A_288 = vector.shape_cast %get3A_287 : vector<1x16xf32> to vector<16xf32>
      %get3A_289 = arith.index_cast %scan3A_202 : i32 to index
      %get3A_290 = arith.constant 80 : index
      %get3A_291 = tpu.vector_load %arg10[%get3A_289, %get3A_290] {strides = array<i32>} : memref<64x256xf32, #tpu.memory_space<vmem>>, vector<1x16xf32>,
      %get3A_292 = vector.shape_cast %get3A_291 : vector<1x16xf32> to vector<16xf32>
      %sub3A_293 = arith.constant 1.000000e+00 : f32
      %sub3A_294 = vector.broadcast %sub3A_293 : f32 to vector<16xf32>
      %sub3A_295 = arith.subf %sub3A_294, %get3A_292 : vector<16xf32>
      %mul3A_296 = arith.mulf %get3A_288, %sub3A_295 : vector<16xf32>
      %swap3A_297 = arith.index_cast %scan3A_202 : i32 to index
      %swap3A_298 = arith.constant 80 : index
      %swap3A_299 = tpu.vector_load %arg9[%swap3A_297, %swap3A_298] {strides = array<i32>} : memref<64x256xf32, #tpu.memory_space<vmem>>, vector<1x16xf32>,
      %swap3A_300 = vector.shape_cast %swap3A_299 : vector<1x16xf32> to vector<16xf32>
      %swap3A_301 = vector.shape_cast %mul3A_296 : vector<16xf32> to vector<1x16xf32>
      tpu.vector_store %arg9[%swap3A_297, %swap3A_298], %swap3A_301 {strides = array<i32>} : memref<64x256xf32, #tpu.memory_space<vmem>>, vector<1x16xf32>,
      %get3A_302 = arith.index_cast %scan3A_202 : i32 to index
      %get3A_303 = arith.constant 96 : index
      %get3A_304 = tpu.vector_load %arg9[%get3A_302, %get3A_303] {strides = array<i32>} : memref<64x256xf32, #tpu.memory_space<vmem>>, vector<1x16xf32>,
      %get3A_305 = vector.shape_cast %get3A_304 : vector<1x16xf32> to vector<16xf32>
      %get3A_306 = arith.index_cast %scan3A_202 : i32 to index
      %get3A_307 = arith.constant 96 : index
      %get3A_308 = tpu.vector_load %arg10[%get3A_306, %get3A_307] {strides = array<i32>} : memref<64x256xf32, #tpu.memory_space<vmem>>, vector<1x16xf32>,
      %get3A_309 = vector.shape_cast %get3A_308 : vector<1x16xf32> to vector<16xf32>
      %sub3A_310 = arith.constant 1.000000e+00 : f32
      %sub3A_311 = vector.broadcast %sub3A_310 : f32 to vector<16xf32>
      %sub3A_312 = arith.subf %sub3A_311, %get3A_309 : vector<16xf32>
      %mul3A_313 = arith.mulf %get3A_305, %sub3A_312 : vector<16xf32>
      %swap3A_314 = arith.index_cast %scan3A_202 : i32 to index
      %swap3A_315 = arith.constant 96 : index
      %swap3A_316 = tpu.vector_load %arg9[%swap3A_314, %swap3A_315] {strides = array<i32>} : memref<64x256xf32, #tpu.memory_space<vmem>>, vector<1x16xf32>,
      %swap3A_317 = vector.shape_cast %swap3A_316 : vector<1x16xf32> to vector<16xf32>
      %swap3A_318 = vector.shape_cast %mul3A_313 : vector<16xf32> to vector<1x16xf32>
      tpu.vector_store %arg9[%swap3A_314, %swap3A_315], %swap3A_318 {strides = array<i32>} : memref<64x256xf32, #tpu.memory_space<vmem>>, vector<1x16xf32>,
      %get3A_319 = arith.index_cast %scan3A_202 : i32 to index
      %get3A_320 = arith.constant 112 : index
      %get3A_321 = tpu.vector_load %arg9[%get3A_319, %get3A_320] {strides = array<i32>} : memref<64x256xf32, #tpu.memory_space<vmem>>, vector<1x16xf32>,
      %get3A_322 = vector.shape_cast %get3A_321 : vector<1x16xf32> to vector<16xf32>
      %get3A_323 = arith.index_cast %scan3A_202 : i32 to index
      %get3A_324 = arith.constant 112 : index
      %get3A_325 = tpu.vector_load %arg10[%get3A_323, %get3A_324] {strides = array<i32>} : memref<64x256xf32, #tpu.memory_space<vmem>>, vector<1x16xf32>,
      %get3A_326 = vector.shape_cast %get3A_325 : vector<1x16xf32> to vector<16xf32>
      %sub3A_327 = arith.constant 1.000000e+00 : f32
      %sub3A_328 = vector.broadcast %sub3A_327 : f32 to vector<16xf32>
      %sub3A_329 = arith.subf %sub3A_328, %get3A_326 : vector<16xf32>
      %mul3A_330 = arith.mulf %get3A_322, %sub3A_329 : vector<16xf32>
      %swap3A_331 = arith.index_cast %scan3A_202 : i32 to index
      %swap3A_332 = arith.constant 112 : index
      %swap3A_333 = tpu.vector_load %arg9[%swap3A_331, %swap3A_332] {strides = array<i32>} : memref<64x256xf32, #tpu.memory_space<vmem>>, vector<1x16xf32>,
      %swap3A_334 = vector.shape_cast %swap3A_333 : vector<1x16xf32> to vector<16xf32>
      %swap3A_335 = vector.shape_cast %mul3A_330 : vector<16xf32> to vector<1x16xf32>
      tpu.vector_store %arg9[%swap3A_331, %swap3A_332], %swap3A_335 {strides = array<i32>} : memref<64x256xf32, #tpu.memory_space<vmem>>, vector<1x16xf32>,
      %get3A_336 = arith.index_cast %scan3A_202 : i32 to index
      %get3A_337 = arith.constant 128 : index
      %get3A_338 = tpu.vector_load %arg9[%get3A_336, %get3A_337] {strides = array<i32>} : memref<64x256xf32, #tpu.memory_space<vmem>>, vector<1x16xf32>,
      %get3A_339 = vector.shape_cast %get3A_338 : vector<1x16xf32> to vector<16xf32>
      %get3A_340 = arith.index_cast %scan3A_202 : i32 to index
      %get3A_341 = arith.constant 128 : index
      %get3A_342 = tpu.vector_load %arg10[%get3A_340, %get3A_341] {strides = array<i32>} : memref<64x256xf32, #tpu.memory_space<vmem>>, vector<1x16xf32>,
      %get3A_343 = vector.shape_cast %get3A_342 : vector<1x16xf32> to vector<16xf32>
      %sub3A_344 = arith.constant 1.000000e+00 : f32
      %sub3A_345 = vector.broadcast %sub3A_344 : f32 to vector<16xf32>
      %sub3A_346 = arith.subf %sub3A_345, %get3A_343 : vector<16xf32>
      %mul3A_347 = arith.mulf %get3A_339, %sub3A_346 : vector<16xf32>
      %swap3A_348 = arith.index_cast %scan3A_202 : i32 to index
      %swap3A_349 = arith.constant 128 : index
      %swap3A_350 = tpu.vector_load %arg9[%swap3A_348, %swap3A_349] {strides = array<i32>} : memref<64x256xf32, #tpu.memory_space<vmem>>, vector<1x16xf32>,
      %swap3A_351 = vector.shape_cast %swap3A_350 : vector<1x16xf32> to vector<16xf32>
      %swap3A_352 = vector.shape_cast %mul3A_347 : vector<16xf32> to vector<1x16xf32>
      tpu.vector_store %arg9[%swap3A_348, %swap3A_349], %swap3A_352 {strides = array<i32>} : memref<64x256xf32, #tpu.memory_space<vmem>>, vector<1x16xf32>,
      %get3A_353 = arith.index_cast %scan3A_202 : i32 to index
      %get3A_354 = arith.constant 144 : index
      %get3A_355 = tpu.vector_load %arg9[%get3A_353, %get3A_354] {strides = array<i32>} : memref<64x256xf32, #tpu.memory_space<vmem>>, vector<1x16xf32>,
      %get3A_356 = vector.shape_cast %get3A_355 : vector<1x16xf32> to vector<16xf32>
      %get3A_357 = arith.index_cast %scan3A_202 : i32 to index
      %get3A_358 = arith.constant 144 : index
      %get3A_359 = tpu.vector_load %arg10[%get3A_357, %get3A_358] {strides = array<i32>} : memref<64x256xf32, #tpu.memory_space<vmem>>, vector<1x16xf32>,
      %get3A_360 = vector.shape_cast %get3A_359 : vector<1x16xf32> to vector<16xf32>
      %sub3A_361 = arith.constant 1.000000e+00 : f32
      %sub3A_362 = vector.broadcast %sub3A_361 : f32 to vector<16xf32>
      %sub3A_363 = arith.subf %sub3A_362, %get3A_360 : vector<16xf32>
      %mul3A_364 = arith.mulf %get3A_356, %sub3A_363 : vector<16xf32>
      %swap3A_365 = arith.index_cast %scan3A_202 : i32 to index
      %swap3A_366 = arith.constant 144 : index
      %swap3A_367 = tpu.vector_load %arg9[%swap3A_365, %swap3A_366] {strides = array<i32>} : memref<64x256xf32, #tpu.memory_space<vmem>>, vector<1x16xf32>,
      %swap3A_368 = vector.shape_cast %swap3A_367 : vector<1x16xf32> to vector<16xf32>
      %swap3A_369 = vector.shape_cast %mul3A_364 : vector<16xf32> to vector<1x16xf32>
      tpu.vector_store %arg9[%swap3A_365, %swap3A_366], %swap3A_369 {strides = array<i32>} : memref<64x256xf32, #tpu.memory_space<vmem>>, vector<1x16xf32>,
      %get3A_370 = arith.index_cast %scan3A_202 : i32 to index
      %get3A_371 = arith.constant 160 : index
      %get3A_372 = tpu.vector_load %arg9[%get3A_370, %get3A_371] {strides = array<i32>} : memref<64x256xf32, #tpu.memory_space<vmem>>, vector<1x16xf32>,
      %get3A_373 = vector.shape_cast %get3A_372 : vector<1x16xf32> to vector<16xf32>
      %get3A_374 = arith.index_cast %scan3A_202 : i32 to index
      %get3A_375 = arith.constant 160 : index
      %get3A_376 = tpu.vector_load %arg10[%get3A_374, %get3A_375] {strides = array<i32>} : memref<64x256xf32, #tpu.memory_space<vmem>>, vector<1x16xf32>,
      %get3A_377 = vector.shape_cast %get3A_376 : vector<1x16xf32> to vector<16xf32>
      %sub3A_378 = arith.constant 1.000000e+00 : f32
      %sub3A_379 = vector.broadcast %sub3A_378 : f32 to vector<16xf32>
      %sub3A_380 = arith.subf %sub3A_379, %get3A_377 : vector<16xf32>
      %mul3A_381 = arith.mulf %get3A_373, %sub3A_380 : vector<16xf32>
      %swap3A_382 = arith.index_cast %scan3A_202 : i32 to index
      %swap3A_383 = arith.constant 160 : index
      %swap3A_384 = tpu.vector_load %arg9[%swap3A_382, %swap3A_383] {strides = array<i32>} : memref<64x256xf32, #tpu.memory_space<vmem>>, vector<1x16xf32>,
      %swap3A_385 = vector.shape_cast %swap3A_384 : vector<1x16xf32> to vector<16xf32>
      %swap3A_386 = vector.shape_cast %mul3A_381 : vector<16xf32> to vector<1x16xf32>
      tpu.vector_store %arg9[%swap3A_382, %swap3A_383], %swap3A_386 {strides = array<i32>} : memref<64x256xf32, #tpu.memory_space<vmem>>, vector<1x16xf32>,
      %get3A_387 = arith.index_cast %scan3A_202 : i32 to index
      %get3A_388 = arith.constant 176 : index
      %get3A_389 = tpu.vector_load %arg9[%get3A_387, %get3A_388] {strides = array<i32>} : memref<64x256xf32, #tpu.memory_space<vmem>>, vector<1x16xf32>,
      %get3A_390 = vector.shape_cast %get3A_389 : vector<1x16xf32> to vector<16xf32>
      %get3A_391 = arith.index_cast %scan3A_202 : i32 to index
      %get3A_392 = arith.constant 176 : index
      %get3A_393 = tpu.vector_load %arg10[%get3A_391, %get3A_392] {strides = array<i32>} : memref<64x256xf32, #tpu.memory_space<vmem>>, vector<1x16xf32>,
      %get3A_394 = vector.shape_cast %get3A_393 : vector<1x16xf32> to vector<16xf32>
      %sub3A_395 = arith.constant 1.000000e+00 : f32
      %sub3A_396 = vector.broadcast %sub3A_395 : f32 to vector<16xf32>
      %sub3A_397 = arith.subf %sub3A_396, %get3A_394 : vector<16xf32>
      %mul3A_398 = arith.mulf %get3A_390, %sub3A_397 : vector<16xf32>
      %swap3A_399 = arith.index_cast %scan3A_202 : i32 to index
      %swap3A_400 = arith.constant 176 : index
      %swap3A_401 = tpu.vector_load %arg9[%swap3A_399, %swap3A_400] {strides = array<i32>} : memref<64x256xf32, #tpu.memory_space<vmem>>, vector<1x16xf32>,
      %swap3A_402 = vector.shape_cast %swap3A_401 : vector<1x16xf32> to vector<16xf32>
      %swap3A_403 = vector.shape_cast %mul3A_398 : vector<16xf32> to vector<1x16xf32>
      tpu.vector_store %arg9[%swap3A_399, %swap3A_400], %swap3A_403 {strides = array<i32>} : memref<64x256xf32, #tpu.memory_space<vmem>>, vector<1x16xf32>,
      %get3A_404 = arith.index_cast %scan3A_202 : i32 to index
      %get3A_405 = arith.constant 192 : index
      %get3A_406 = tpu.vector_load %arg9[%get3A_404, %get3A_405] {strides = array<i32>} : memref<64x256xf32, #tpu.memory_space<vmem>>, vector<1x16xf32>,
      %get3A_407 = vector.shape_cast %get3A_406 : vector<1x16xf32> to vector<16xf32>
      %get3A_408 = arith.index_cast %scan3A_202 : i32 to index
      %get3A_409 = arith.constant 192 : index
      %get3A_410 = tpu.vector_load %arg10[%get3A_408, %get3A_409] {strides = array<i32>} : memref<64x256xf32, #tpu.memory_space<vmem>>, vector<1x16xf32>,
      %get3A_411 = vector.shape_cast %get3A_410 : vector<1x16xf32> to vector<16xf32>
      %sub3A_412 = arith.constant 1.000000e+00 : f32
      %sub3A_413 = vector.broadcast %sub3A_412 : f32 to vector<16xf32>
      %sub3A_414 = arith.subf %sub3A_413, %get3A_411 : vector<16xf32>
      %mul3A_415 = arith.mulf %get3A_407, %sub3A_414 : vector<16xf32>
      %swap3A_416 = arith.index_cast %scan3A_202 : i32 to index
      %swap3A_417 = arith.constant 192 : index
      %swap3A_418 = tpu.vector_load %arg9[%swap3A_416, %swap3A_417] {strides = array<i32>} : memref<64x256xf32, #tpu.memory_space<vmem>>, vector<1x16xf32>,
      %swap3A_419 = vector.shape_cast %swap3A_418 : vector<1x16xf32> to vector<16xf32>
      %swap3A_420 = vector.shape_cast %mul3A_415 : vector<16xf32> to vector<1x16xf32>
      tpu.vector_store %arg9[%swap3A_416, %swap3A_417], %swap3A_420 {strides = array<i32>} : memref<64x256xf32, #tpu.memory_space<vmem>>, vector<1x16xf32>,
      %get3A_421 = arith.index_cast %scan3A_202 : i32 to index
      %get3A_422 = arith.constant 208 : index
      %get3A_423 = tpu.vector_load %arg9[%get3A_421, %get3A_422] {strides = array<i32>} : memref<64x256xf32, #tpu.memory_space<vmem>>, vector<1x16xf32>,
      %get3A_424 = vector.shape_cast %get3A_423 : vector<1x16xf32> to vector<16xf32>
      %get3A_425 = arith.index_cast %scan3A_202 : i32 to index
      %get3A_426 = arith.constant 208 : index
      %get3A_427 = tpu.vector_load %arg10[%get3A_425, %get3A_426] {strides = array<i32>} : memref<64x256xf32, #tpu.memory_space<vmem>>, vector<1x16xf32>,
      %get3A_428 = vector.shape_cast %get3A_427 : vector<1x16xf32> to vector<16xf32>
      %sub3A_429 = arith.constant 1.000000e+00 : f32
      %sub3A_430 = vector.broadcast %sub3A_429 : f32 to vector<16xf32>
      %sub3A_431 = arith.subf %sub3A_430, %get3A_428 : vector<16xf32>
      %mul3A_432 = arith.mulf %get3A_424, %sub3A_431 : vector<16xf32>
      %swap3A_433 = arith.index_cast %scan3A_202 : i32 to index
      %swap3A_434 = arith.constant 208 : index
      %swap3A_435 = tpu.vector_load %arg9[%swap3A_433, %swap3A_434] {strides = array<i32>} : memref<64x256xf32, #tpu.memory_space<vmem>>, vector<1x16xf32>,
      %swap3A_436 = vector.shape_cast %swap3A_435 : vector<1x16xf32> to vector<16xf32>
      %swap3A_437 = vector.shape_cast %mul3A_432 : vector<16xf32> to vector<1x16xf32>
      tpu.vector_store %arg9[%swap3A_433, %swap3A_434], %swap3A_437 {strides = array<i32>} : memref<64x256xf32, #tpu.memory_space<vmem>>, vector<1x16xf32>,
      %get3A_438 = arith.index_cast %scan3A_202 : i32 to index
      %get3A_439 = arith.constant 224 : index
      %get3A_440 = tpu.vector_load %arg9[%get3A_438, %get3A_439] {strides = array<i32>} : memref<64x256xf32, #tpu.memory_space<vmem>>, vector<1x16xf32>,
      %get3A_441 = vector.shape_cast %get3A_440 : vector<1x16xf32> to vector<16xf32>
      %get3A_442 = arith.index_cast %scan3A_202 : i32 to index
      %get3A_443 = arith.constant 224 : index
      %get3A_444 = tpu.vector_load %arg10[%get3A_442, %get3A_443] {strides = array<i32>} : memref<64x256xf32, #tpu.memory_space<vmem>>, vector<1x16xf32>,
      %get3A_445 = vector.shape_cast %get3A_444 : vector<1x16xf32> to vector<16xf32>
      %sub3A_446 = arith.constant 1.000000e+00 : f32
      %sub3A_447 = vector.broadcast %sub3A_446 : f32 to vector<16xf32>
      %sub3A_448 = arith.subf %sub3A_447, %get3A_445 : vector<16xf32>
      %mul3A_449 = arith.mulf %get3A_441, %sub3A_448 : vector<16xf32>
      %swap3A_450 = arith.index_cast %scan3A_202 : i32 to index
      %swap3A_451 = arith.constant 224 : index
      %swap3A_452 = tpu.vector_load %arg9[%swap3A_450, %swap3A_451] {strides = array<i32>} : memref<64x256xf32, #tpu.memory_space<vmem>>, vector<1x16xf32>,
      %swap3A_453 = vector.shape_cast %swap3A_452 : vector<1x16xf32> to vector<16xf32>
      %swap3A_454 = vector.shape_cast %mul3A_449 : vector<16xf32> to vector<1x16xf32>
      tpu.vector_store %arg9[%swap3A_450, %swap3A_451], %swap3A_454 {strides = array<i32>} : memref<64x256xf32, #tpu.memory_space<vmem>>, vector<1x16xf32>,
      %get3A_455 = arith.index_cast %scan3A_202 : i32 to index
      %get3A_456 = arith.constant 240 : index
      %get3A_457 = tpu.vector_load %arg9[%get3A_455, %get3A_456] {strides = array<i32>} : memref<64x256xf32, #tpu.memory_space<vmem>>, vector<1x16xf32>,
      %get3A_458 = vector.shape_cast %get3A_457 : vector<1x16xf32> to vector<16xf32>
      %get3A_459 = arith.index_cast %scan3A_202 : i32 to index
      %get3A_460 = arith.constant 240 : index
      %get3A_461 = tpu.vector_load %arg10[%get3A_459, %get3A_460] {strides = array<i32>} : memref<64x256xf32, #tpu.memory_space<vmem>>, vector<1x16xf32>,
      %get3A_462 = vector.shape_cast %get3A_461 : vector<1x16xf32> to vector<16xf32>
      %sub3A_463 = arith.constant 1.000000e+00 : f32
      %sub3A_464 = vector.broadcast %sub3A_463 : f32 to vector<16xf32>
      %sub3A_465 = arith.subf %sub3A_464, %get3A_462 : vector<16xf32>
      %mul3A_466 = arith.mulf %get3A_458, %sub3A_465 : vector<16xf32>
      %swap3A_467 = arith.index_cast %scan3A_202 : i32 to index
      %swap3A_468 = arith.constant 240 : index
      %swap3A_469 = tpu.vector_load %arg9[%swap3A_467, %swap3A_468] {strides = array<i32>} : memref<64x256xf32, #tpu.memory_space<vmem>>, vector<1x16xf32>,
      %swap3A_470 = vector.shape_cast %swap3A_469 : vector<1x16xf32> to vector<16xf32>
      %swap3A_471 = vector.shape_cast %mul3A_466 : vector<16xf32> to vector<1x16xf32>
      tpu.vector_store %arg9[%swap3A_467, %swap3A_468], %swap3A_471 {strides = array<i32>} : memref<64x256xf32, #tpu.memory_space<vmem>>, vector<1x16xf32>,
    }
    %scan3A_89 = arith.constant 64 : i32
    "tpu.region"() ({
      %run_scoped3A = tpu.sem_alloc : memref<!tpu.dma_semaphore, #tpu.memory_space<semaphore_mem>>
      %dma_start3A_202 = arith.constant 0 : i32
      %dma_start3A_203 = tpu.memref_slice %arg4[%add3A_83, %dma_start3A_202] : memref<4096x256xf32, #tpu.memory_space<hbm>> -> memref<64x256xf32, #tpu.memory_space<hbm>>
      %dma_start3A_204 = arith.constant 0 : i32
      %dma_start3A_205 = tpu.memref_slice %arg4[%add3A_83, %dma_start3A_204] : memref<4096x256xf32, #tpu.memory_space<hbm>> -> memref<64x256xf32, #tpu.memory_space<hbm>>
      tpu.enqueue_dma source(%dma_start3A_205 : memref<64x256xf32, #tpu.memory_space<hbm>>) target(%arg10 : memref<64x256xf32, #tpu.memory_space<vmem>>) target_semaphore(%run_scoped3A : memref<!tpu.dma_semaphore, #tpu.memory_space<semaphore_mem>>)
      %dma_wait3A_206 = arith.constant 0 : i32
      %dma_wait3A_207 = tpu.memref_slice %arg4[%add3A_83, %dma_wait3A_206] : memref<4096x256xf32, #tpu.memory_space<hbm>> -> memref<64x256xf32, #tpu.memory_space<hbm>>
      %dma_wait3A_208 = arith.constant 0 : i32
      %dma_wait3A_209 = tpu.memref_slice %arg4[%add3A_83, %dma_wait3A_208] : memref<4096x256xf32, #tpu.memory_space<hbm>> -> memref<64x256xf32, #tpu.memory_space<hbm>>
      tpu.wait_dma2 semaphore(%run_scoped3A : memref<!tpu.dma_semaphore, #tpu.memory_space<semaphore_mem>>) src(%dma_wait3A_209 : memref<64x256xf32, #tpu.memory_space<hbm>>) dst(%arg10 : memref<64x256xf32, #tpu.memory_space<vmem>>)
      tpu.yield
    }) : () -> ()
    %scan3A_90 = arith.constant 0 : i32
    %scan3A_91 = arith.constant 0 : i32
    %scan3A_92 = arith.constant 64 : i32
    %scan3A_93 = arith.addi %scan3A_91, %scan3A_92 : i32
    %scan3A_94 = arith.constant 1 : i32
    scf.for %scan3A_202 = %scan3A_91 to %scan3A_93 step %scan3A_94  : i32 {
      %get3A = arith.index_cast %scan3A_202 : i32 to index
      %get3A_203 = arith.constant 0 : index
      %get3A_204 = tpu.vector_load %arg9[%get3A, %get3A_203] {strides = array<i32>} : memref<64x256xf32, #tpu.memory_space<vmem>>, vector<1x16xf32>,
      %get3A_205 = vector.shape_cast %get3A_204 : vector<1x16xf32> to vector<16xf32>
      %get3A_206 = arith.index_cast %scan3A_202 : i32 to index
      %get3A_207 = arith.constant 0 : index
      %get3A_208 = tpu.vector_load %arg10[%get3A_206, %get3A_207] {strides = array<i32>} : memref<64x256xf32, #tpu.memory_space<vmem>>, vector<1x16xf32>,
      %get3A_209 = vector.shape_cast %get3A_208 : vector<1x16xf32> to vector<16xf32>
      %add3A_210 = arith.addf %get3A_205, %get3A_209 : vector<16xf32>
      %swap3A = arith.index_cast %scan3A_202 : i32 to index
      %swap3A_211 = arith.constant 0 : index
      %swap3A_212 = tpu.vector_load %arg9[%swap3A, %swap3A_211] {strides = array<i32>} : memref<64x256xf32, #tpu.memory_space<vmem>>, vector<1x16xf32>,
      %swap3A_213 = vector.shape_cast %swap3A_212 : vector<1x16xf32> to vector<16xf32>
      %swap3A_214 = vector.shape_cast %add3A_210 : vector<16xf32> to vector<1x16xf32>
      tpu.vector_store %arg9[%swap3A, %swap3A_211], %swap3A_214 {strides = array<i32>} : memref<64x256xf32, #tpu.memory_space<vmem>>, vector<1x16xf32>,
      %get3A_215 = arith.index_cast %scan3A_202 : i32 to index
      %get3A_216 = arith.constant 16 : index
      %get3A_217 = tpu.vector_load %arg9[%get3A_215, %get3A_216] {strides = array<i32>} : memref<64x256xf32, #tpu.memory_space<vmem>>, vector<1x16xf32>,
      %get3A_218 = vector.shape_cast %get3A_217 : vector<1x16xf32> to vector<16xf32>
      %get3A_219 = arith.index_cast %scan3A_202 : i32 to index
      %get3A_220 = arith.constant 16 : index
      %get3A_221 = tpu.vector_load %arg10[%get3A_219, %get3A_220] {strides = array<i32>} : memref<64x256xf32, #tpu.memory_space<vmem>>, vector<1x16xf32>,
      %get3A_222 = vector.shape_cast %get3A_221 : vector<1x16xf32> to vector<16xf32>
      %add3A_223 = arith.addf %get3A_218, %get3A_222 : vector<16xf32>
      %swap3A_224 = arith.index_cast %scan3A_202 : i32 to index
      %swap3A_225 = arith.constant 16 : index
      %swap3A_226 = tpu.vector_load %arg9[%swap3A_224, %swap3A_225] {strides = array<i32>} : memref<64x256xf32, #tpu.memory_space<vmem>>, vector<1x16xf32>,
      %swap3A_227 = vector.shape_cast %swap3A_226 : vector<1x16xf32> to vector<16xf32>
      %swap3A_228 = vector.shape_cast %add3A_223 : vector<16xf32> to vector<1x16xf32>
      tpu.vector_store %arg9[%swap3A_224, %swap3A_225], %swap3A_228 {strides = array<i32>} : memref<64x256xf32, #tpu.memory_space<vmem>>, vector<1x16xf32>,
      %get3A_229 = arith.index_cast %scan3A_202 : i32 to index
      %get3A_230 = arith.constant 32 : index
      %get3A_231 = tpu.vector_load %arg9[%get3A_229, %get3A_230] {strides = array<i32>} : memref<64x256xf32, #tpu.memory_space<vmem>>, vector<1x16xf32>,
      %get3A_232 = vector.shape_cast %get3A_231 : vector<1x16xf32> to vector<16xf32>
      %get3A_233 = arith.index_cast %scan3A_202 : i32 to index
      %get3A_234 = arith.constant 32 : index
      %get3A_235 = tpu.vector_load %arg10[%get3A_233, %get3A_234] {strides = array<i32>} : memref<64x256xf32, #tpu.memory_space<vmem>>, vector<1x16xf32>,
      %get3A_236 = vector.shape_cast %get3A_235 : vector<1x16xf32> to vector<16xf32>
      %add3A_237 = arith.addf %get3A_232, %get3A_236 : vector<16xf32>
      %swap3A_238 = arith.index_cast %scan3A_202 : i32 to index
      %swap3A_239 = arith.constant 32 : index
      %swap3A_240 = tpu.vector_load %arg9[%swap3A_238, %swap3A_239] {strides = array<i32>} : memref<64x256xf32, #tpu.memory_space<vmem>>, vector<1x16xf32>,
      %swap3A_241 = vector.shape_cast %swap3A_240 : vector<1x16xf32> to vector<16xf32>
      %swap3A_242 = vector.shape_cast %add3A_237 : vector<16xf32> to vector<1x16xf32>
      tpu.vector_store %arg9[%swap3A_238, %swap3A_239], %swap3A_242 {strides = array<i32>} : memref<64x256xf32, #tpu.memory_space<vmem>>, vector<1x16xf32>,
      %get3A_243 = arith.index_cast %scan3A_202 : i32 to index
      %get3A_244 = arith.constant 48 : index
      %get3A_245 = tpu.vector_load %arg9[%get3A_243, %get3A_244] {strides = array<i32>} : memref<64x256xf32, #tpu.memory_space<vmem>>, vector<1x16xf32>,
      %get3A_246 = vector.shape_cast %get3A_245 : vector<1x16xf32> to vector<16xf32>
      %get3A_247 = arith.index_cast %scan3A_202 : i32 to index
      %get3A_248 = arith.constant 48 : index
      %get3A_249 = tpu.vector_load %arg10[%get3A_247, %get3A_248] {strides = array<i32>} : memref<64x256xf32, #tpu.memory_space<vmem>>, vector<1x16xf32>,
      %get3A_250 = vector.shape_cast %get3A_249 : vector<1x16xf32> to vector<16xf32>
      %add3A_251 = arith.addf %get3A_246, %get3A_250 : vector<16xf32>
      %swap3A_252 = arith.index_cast %scan3A_202 : i32 to index
      %swap3A_253 = arith.constant 48 : index
      %swap3A_254 = tpu.vector_load %arg9[%swap3A_252, %swap3A_253] {strides = array<i32>} : memref<64x256xf32, #tpu.memory_space<vmem>>, vector<1x16xf32>,
      %swap3A_255 = vector.shape_cast %swap3A_254 : vector<1x16xf32> to vector<16xf32>
      %swap3A_256 = vector.shape_cast %add3A_251 : vector<16xf32> to vector<1x16xf32>
      tpu.vector_store %arg9[%swap3A_252, %swap3A_253], %swap3A_256 {strides = array<i32>} : memref<64x256xf32, #tpu.memory_space<vmem>>, vector<1x16xf32>,
      %get3A_257 = arith.index_cast %scan3A_202 : i32 to index
      %get3A_258 = arith.constant 64 : index
      %get3A_259 = tpu.vector_load %arg9[%get3A_257, %get3A_258] {strides = array<i32>} : memref<64x256xf32, #tpu.memory_space<vmem>>, vector<1x16xf32>,
      %get3A_260 = vector.shape_cast %get3A_259 : vector<1x16xf32> to vector<16xf32>
      %get3A_261 = arith.index_cast %scan3A_202 : i32 to index
      %get3A_262 = arith.constant 64 : index
      %get3A_263 = tpu.vector_load %arg10[%get3A_261, %get3A_262] {strides = array<i32>} : memref<64x256xf32, #tpu.memory_space<vmem>>, vector<1x16xf32>,
      %get3A_264 = vector.shape_cast %get3A_263 : vector<1x16xf32> to vector<16xf32>
      %add3A_265 = arith.addf %get3A_260, %get3A_264 : vector<16xf32>
      %swap3A_266 = arith.index_cast %scan3A_202 : i32 to index
      %swap3A_267 = arith.constant 64 : index
      %swap3A_268 = tpu.vector_load %arg9[%swap3A_266, %swap3A_267] {strides = array<i32>} : memref<64x256xf32, #tpu.memory_space<vmem>>, vector<1x16xf32>,
      %swap3A_269 = vector.shape_cast %swap3A_268 : vector<1x16xf32> to vector<16xf32>
      %swap3A_270 = vector.shape_cast %add3A_265 : vector<16xf32> to vector<1x16xf32>
      tpu.vector_store %arg9[%swap3A_266, %swap3A_267], %swap3A_270 {strides = array<i32>} : memref<64x256xf32, #tpu.memory_space<vmem>>, vector<1x16xf32>,
      %get3A_271 = arith.index_cast %scan3A_202 : i32 to index
      %get3A_272 = arith.constant 80 : index
      %get3A_273 = tpu.vector_load %arg9[%get3A_271, %get3A_272] {strides = array<i32>} : memref<64x256xf32, #tpu.memory_space<vmem>>, vector<1x16xf32>,
      %get3A_274 = vector.shape_cast %get3A_273 : vector<1x16xf32> to vector<16xf32>
      %get3A_275 = arith.index_cast %scan3A_202 : i32 to index
      %get3A_276 = arith.constant 80 : index
      %get3A_277 = tpu.vector_load %arg10[%get3A_275, %get3A_276] {strides = array<i32>} : memref<64x256xf32, #tpu.memory_space<vmem>>, vector<1x16xf32>,
      %get3A_278 = vector.shape_cast %get3A_277 : vector<1x16xf32> to vector<16xf32>
      %add3A_279 = arith.addf %get3A_274, %get3A_278 : vector<16xf32>
      %swap3A_280 = arith.index_cast %scan3A_202 : i32 to index
      %swap3A_281 = arith.constant 80 : index
      %swap3A_282 = tpu.vector_load %arg9[%swap3A_280, %swap3A_281] {strides = array<i32>} : memref<64x256xf32, #tpu.memory_space<vmem>>, vector<1x16xf32>,
      %swap3A_283 = vector.shape_cast %swap3A_282 : vector<1x16xf32> to vector<16xf32>
      %swap3A_284 = vector.shape_cast %add3A_279 : vector<16xf32> to vector<1x16xf32>
      tpu.vector_store %arg9[%swap3A_280, %swap3A_281], %swap3A_284 {strides = array<i32>} : memref<64x256xf32, #tpu.memory_space<vmem>>, vector<1x16xf32>,
      %get3A_285 = arith.index_cast %scan3A_202 : i32 to index
      %get3A_286 = arith.constant 96 : index
      %get3A_287 = tpu.vector_load %arg9[%get3A_285, %get3A_286] {strides = array<i32>} : memref<64x256xf32, #tpu.memory_space<vmem>>, vector<1x16xf32>,
      %get3A_288 = vector.shape_cast %get3A_287 : vector<1x16xf32> to vector<16xf32>
      %get3A_289 = arith.index_cast %scan3A_202 : i32 to index
      %get3A_290 = arith.constant 96 : index
      %get3A_291 = tpu.vector_load %arg10[%get3A_289, %get3A_290] {strides = array<i32>} : memref<64x256xf32, #tpu.memory_space<vmem>>, vector<1x16xf32>,
      %get3A_292 = vector.shape_cast %get3A_291 : vector<1x16xf32> to vector<16xf32>
      %add3A_293 = arith.addf %get3A_288, %get3A_292 : vector<16xf32>
      %swap3A_294 = arith.index_cast %scan3A_202 : i32 to index
      %swap3A_295 = arith.constant 96 : index
      %swap3A_296 = tpu.vector_load %arg9[%swap3A_294, %swap3A_295] {strides = array<i32>} : memref<64x256xf32, #tpu.memory_space<vmem>>, vector<1x16xf32>,
      %swap3A_297 = vector.shape_cast %swap3A_296 : vector<1x16xf32> to vector<16xf32>
      %swap3A_298 = vector.shape_cast %add3A_293 : vector<16xf32> to vector<1x16xf32>
      tpu.vector_store %arg9[%swap3A_294, %swap3A_295], %swap3A_298 {strides = array<i32>} : memref<64x256xf32, #tpu.memory_space<vmem>>, vector<1x16xf32>,
      %get3A_299 = arith.index_cast %scan3A_202 : i32 to index
      %get3A_300 = arith.constant 112 : index
      %get3A_301 = tpu.vector_load %arg9[%get3A_299, %get3A_300] {strides = array<i32>} : memref<64x256xf32, #tpu.memory_space<vmem>>, vector<1x16xf32>,
      %get3A_302 = vector.shape_cast %get3A_301 : vector<1x16xf32> to vector<16xf32>
      %get3A_303 = arith.index_cast %scan3A_202 : i32 to index
      %get3A_304 = arith.constant 112 : index
      %get3A_305 = tpu.vector_load %arg10[%get3A_303, %get3A_304] {strides = array<i32>} : memref<64x256xf32, #tpu.memory_space<vmem>>, vector<1x16xf32>,
      %get3A_306 = vector.shape_cast %get3A_305 : vector<1x16xf32> to vector<16xf32>
      %add3A_307 = arith.addf %get3A_302, %get3A_306 : vector<16xf32>
      %swap3A_308 = arith.index_cast %scan3A_202 : i32 to index
      %swap3A_309 = arith.constant 112 : index
      %swap3A_310 = tpu.vector_load %arg9[%swap3A_308, %swap3A_309] {strides = array<i32>} : memref<64x256xf32, #tpu.memory_space<vmem>>, vector<1x16xf32>,
      %swap3A_311 = vector.shape_cast %swap3A_310 : vector<1x16xf32> to vector<16xf32>
      %swap3A_312 = vector.shape_cast %add3A_307 : vector<16xf32> to vector<1x16xf32>
      tpu.vector_store %arg9[%swap3A_308, %swap3A_309], %swap3A_312 {strides = array<i32>} : memref<64x256xf32, #tpu.memory_space<vmem>>, vector<1x16xf32>,
      %get3A_313 = arith.index_cast %scan3A_202 : i32 to index
      %get3A_314 = arith.constant 128 : index
      %get3A_315 = tpu.vector_load %arg9[%get3A_313, %get3A_314] {strides = array<i32>} : memref<64x256xf32, #tpu.memory_space<vmem>>, vector<1x16xf32>,
      %get3A_316 = vector.shape_cast %get3A_315 : vector<1x16xf32> to vector<16xf32>
      %get3A_317 = arith.index_cast %scan3A_202 : i32 to index
      %get3A_318 = arith.constant 128 : index
      %get3A_319 = tpu.vector_load %arg10[%get3A_317, %get3A_318] {strides = array<i32>} : memref<64x256xf32, #tpu.memory_space<vmem>>, vector<1x16xf32>,
      %get3A_320 = vector.shape_cast %get3A_319 : vector<1x16xf32> to vector<16xf32>
      %add3A_321 = arith.addf %get3A_316, %get3A_320 : vector<16xf32>
      %swap3A_322 = arith.index_cast %scan3A_202 : i32 to index
      %swap3A_323 = arith.constant 128 : index
      %swap3A_324 = tpu.vector_load %arg9[%swap3A_322, %swap3A_323] {strides = array<i32>} : memref<64x256xf32, #tpu.memory_space<vmem>>, vector<1x16xf32>,
      %swap3A_325 = vector.shape_cast %swap3A_324 : vector<1x16xf32> to vector<16xf32>
      %swap3A_326 = vector.shape_cast %add3A_321 : vector<16xf32> to vector<1x16xf32>
      tpu.vector_store %arg9[%swap3A_322, %swap3A_323], %swap3A_326 {strides = array<i32>} : memref<64x256xf32, #tpu.memory_space<vmem>>, vector<1x16xf32>,
      %get3A_327 = arith.index_cast %scan3A_202 : i32 to index
      %get3A_328 = arith.constant 144 : index
      %get3A_329 = tpu.vector_load %arg9[%get3A_327, %get3A_328] {strides = array<i32>} : memref<64x256xf32, #tpu.memory_space<vmem>>, vector<1x16xf32>,
      %get3A_330 = vector.shape_cast %get3A_329 : vector<1x16xf32> to vector<16xf32>
      %get3A_331 = arith.index_cast %scan3A_202 : i32 to index
      %get3A_332 = arith.constant 144 : index
      %get3A_333 = tpu.vector_load %arg10[%get3A_331, %get3A_332] {strides = array<i32>} : memref<64x256xf32, #tpu.memory_space<vmem>>, vector<1x16xf32>,
      %get3A_334 = vector.shape_cast %get3A_333 : vector<1x16xf32> to vector<16xf32>
      %add3A_335 = arith.addf %get3A_330, %get3A_334 : vector<16xf32>
      %swap3A_336 = arith.index_cast %scan3A_202 : i32 to index
      %swap3A_337 = arith.constant 144 : index
      %swap3A_338 = tpu.vector_load %arg9[%swap3A_336, %swap3A_337] {strides = array<i32>} : memref<64x256xf32, #tpu.memory_space<vmem>>, vector<1x16xf32>,
      %swap3A_339 = vector.shape_cast %swap3A_338 : vector<1x16xf32> to vector<16xf32>
      %swap3A_340 = vector.shape_cast %add3A_335 : vector<16xf32> to vector<1x16xf32>
      tpu.vector_store %arg9[%swap3A_336, %swap3A_337], %swap3A_340 {strides = array<i32>} : memref<64x256xf32, #tpu.memory_space<vmem>>, vector<1x16xf32>,
      %get3A_341 = arith.index_cast %scan3A_202 : i32 to index
      %get3A_342 = arith.constant 160 : index
      %get3A_343 = tpu.vector_load %arg9[%get3A_341, %get3A_342] {strides = array<i32>} : memref<64x256xf32, #tpu.memory_space<vmem>>, vector<1x16xf32>,
      %get3A_344 = vector.shape_cast %get3A_343 : vector<1x16xf32> to vector<16xf32>
      %get3A_345 = arith.index_cast %scan3A_202 : i32 to index
      %get3A_346 = arith.constant 160 : index
      %get3A_347 = tpu.vector_load %arg10[%get3A_345, %get3A_346] {strides = array<i32>} : memref<64x256xf32, #tpu.memory_space<vmem>>, vector<1x16xf32>,
      %get3A_348 = vector.shape_cast %get3A_347 : vector<1x16xf32> to vector<16xf32>
      %add3A_349 = arith.addf %get3A_344, %get3A_348 : vector<16xf32>
      %swap3A_350 = arith.index_cast %scan3A_202 : i32 to index
      %swap3A_351 = arith.constant 160 : index
      %swap3A_352 = tpu.vector_load %arg9[%swap3A_350, %swap3A_351] {strides = array<i32>} : memref<64x256xf32, #tpu.memory_space<vmem>>, vector<1x16xf32>,
      %swap3A_353 = vector.shape_cast %swap3A_352 : vector<1x16xf32> to vector<16xf32>
      %swap3A_354 = vector.shape_cast %add3A_349 : vector<16xf32> to vector<1x16xf32>
      tpu.vector_store %arg9[%swap3A_350, %swap3A_351], %swap3A_354 {strides = array<i32>} : memref<64x256xf32, #tpu.memory_space<vmem>>, vector<1x16xf32>,
      %get3A_355 = arith.index_cast %scan3A_202 : i32 to index
      %get3A_356 = arith.constant 176 : index
      %get3A_357 = tpu.vector_load %arg9[%get3A_355, %get3A_356] {strides = array<i32>} : memref<64x256xf32, #tpu.memory_space<vmem>>, vector<1x16xf32>,
      %get3A_358 = vector.shape_cast %get3A_357 : vector<1x16xf32> to vector<16xf32>
      %get3A_359 = arith.index_cast %scan3A_202 : i32 to index
      %get3A_360 = arith.constant 176 : index
      %get3A_361 = tpu.vector_load %arg10[%get3A_359, %get3A_360] {strides = array<i32>} : memref<64x256xf32, #tpu.memory_space<vmem>>, vector<1x16xf32>,
      %get3A_362 = vector.shape_cast %get3A_361 : vector<1x16xf32> to vector<16xf32>
      %add3A_363 = arith.addf %get3A_358, %get3A_362 : vector<16xf32>
      %swap3A_364 = arith.index_cast %scan3A_202 : i32 to index
      %swap3A_365 = arith.constant 176 : index
      %swap3A_366 = tpu.vector_load %arg9[%swap3A_364, %swap3A_365] {strides = array<i32>} : memref<64x256xf32, #tpu.memory_space<vmem>>, vector<1x16xf32>,
      %swap3A_367 = vector.shape_cast %swap3A_366 : vector<1x16xf32> to vector<16xf32>
      %swap3A_368 = vector.shape_cast %add3A_363 : vector<16xf32> to vector<1x16xf32>
      tpu.vector_store %arg9[%swap3A_364, %swap3A_365], %swap3A_368 {strides = array<i32>} : memref<64x256xf32, #tpu.memory_space<vmem>>, vector<1x16xf32>,
      %get3A_369 = arith.index_cast %scan3A_202 : i32 to index
      %get3A_370 = arith.constant 192 : index
      %get3A_371 = tpu.vector_load %arg9[%get3A_369, %get3A_370] {strides = array<i32>} : memref<64x256xf32, #tpu.memory_space<vmem>>, vector<1x16xf32>,
      %get3A_372 = vector.shape_cast %get3A_371 : vector<1x16xf32> to vector<16xf32>
      %get3A_373 = arith.index_cast %scan3A_202 : i32 to index
      %get3A_374 = arith.constant 192 : index
      %get3A_375 = tpu.vector_load %arg10[%get3A_373, %get3A_374] {strides = array<i32>} : memref<64x256xf32, #tpu.memory_space<vmem>>, vector<1x16xf32>,
      %get3A_376 = vector.shape_cast %get3A_375 : vector<1x16xf32> to vector<16xf32>
      %add3A_377 = arith.addf %get3A_372, %get3A_376 : vector<16xf32>
      %swap3A_378 = arith.index_cast %scan3A_202 : i32 to index
      %swap3A_379 = arith.constant 192 : index
      %swap3A_380 = tpu.vector_load %arg9[%swap3A_378, %swap3A_379] {strides = array<i32>} : memref<64x256xf32, #tpu.memory_space<vmem>>, vector<1x16xf32>,
      %swap3A_381 = vector.shape_cast %swap3A_380 : vector<1x16xf32> to vector<16xf32>
      %swap3A_382 = vector.shape_cast %add3A_377 : vector<16xf32> to vector<1x16xf32>
      tpu.vector_store %arg9[%swap3A_378, %swap3A_379], %swap3A_382 {strides = array<i32>} : memref<64x256xf32, #tpu.memory_space<vmem>>, vector<1x16xf32>,
      %get3A_383 = arith.index_cast %scan3A_202 : i32 to index
      %get3A_384 = arith.constant 208 : index
      %get3A_385 = tpu.vector_load %arg9[%get3A_383, %get3A_384] {strides = array<i32>} : memref<64x256xf32, #tpu.memory_space<vmem>>, vector<1x16xf32>,
      %get3A_386 = vector.shape_cast %get3A_385 : vector<1x16xf32> to vector<16xf32>
      %get3A_387 = arith.index_cast %scan3A_202 : i32 to index
      %get3A_388 = arith.constant 208 : index
      %get3A_389 = tpu.vector_load %arg10[%get3A_387, %get3A_388] {strides = array<i32>} : memref<64x256xf32, #tpu.memory_space<vmem>>, vector<1x16xf32>,
      %get3A_390 = vector.shape_cast %get3A_389 : vector<1x16xf32> to vector<16xf32>
      %add3A_391 = arith.addf %get3A_386, %get3A_390 : vector<16xf32>
      %swap3A_392 = arith.index_cast %scan3A_202 : i32 to index
      %swap3A_393 = arith.constant 208 : index
      %swap3A_394 = tpu.vector_load %arg9[%swap3A_392, %swap3A_393] {strides = array<i32>} : memref<64x256xf32, #tpu.memory_space<vmem>>, vector<1x16xf32>,
      %swap3A_395 = vector.shape_cast %swap3A_394 : vector<1x16xf32> to vector<16xf32>
      %swap3A_396 = vector.shape_cast %add3A_391 : vector<16xf32> to vector<1x16xf32>
      tpu.vector_store %arg9[%swap3A_392, %swap3A_393], %swap3A_396 {strides = array<i32>} : memref<64x256xf32, #tpu.memory_space<vmem>>, vector<1x16xf32>,
      %get3A_397 = arith.index_cast %scan3A_202 : i32 to index
      %get3A_398 = arith.constant 224 : index
      %get3A_399 = tpu.vector_load %arg9[%get3A_397, %get3A_398] {strides = array<i32>} : memref<64x256xf32, #tpu.memory_space<vmem>>, vector<1x16xf32>,
      %get3A_400 = vector.shape_cast %get3A_399 : vector<1x16xf32> to vector<16xf32>
      %get3A_401 = arith.index_cast %scan3A_202 : i32 to index
      %get3A_402 = arith.constant 224 : index
      %get3A_403 = tpu.vector_load %arg10[%get3A_401, %get3A_402] {strides = array<i32>} : memref<64x256xf32, #tpu.memory_space<vmem>>, vector<1x16xf32>,
      %get3A_404 = vector.shape_cast %get3A_403 : vector<1x16xf32> to vector<16xf32>
      %add3A_405 = arith.addf %get3A_400, %get3A_404 : vector<16xf32>
      %swap3A_406 = arith.index_cast %scan3A_202 : i32 to index
      %swap3A_407 = arith.constant 224 : index
      %swap3A_408 = tpu.vector_load %arg9[%swap3A_406, %swap3A_407] {strides = array<i32>} : memref<64x256xf32, #tpu.memory_space<vmem>>, vector<1x16xf32>,
      %swap3A_409 = vector.shape_cast %swap3A_408 : vector<1x16xf32> to vector<16xf32>
      %swap3A_410 = vector.shape_cast %add3A_405 : vector<16xf32> to vector<1x16xf32>
      tpu.vector_store %arg9[%swap3A_406, %swap3A_407], %swap3A_410 {strides = array<i32>} : memref<64x256xf32, #tpu.memory_space<vmem>>, vector<1x16xf32>,
      %get3A_411 = arith.index_cast %scan3A_202 : i32 to index
      %get3A_412 = arith.constant 240 : index
      %get3A_413 = tpu.vector_load %arg9[%get3A_411, %get3A_412] {strides = array<i32>} : memref<64x256xf32, #tpu.memory_space<vmem>>, vector<1x16xf32>,
      %get3A_414 = vector.shape_cast %get3A_413 : vector<1x16xf32> to vector<16xf32>
      %get3A_415 = arith.index_cast %scan3A_202 : i32 to index
      %get3A_416 = arith.constant 240 : index
      %get3A_417 = tpu.vector_load %arg10[%get3A_415, %get3A_416] {strides = array<i32>} : memref<64x256xf32, #tpu.memory_space<vmem>>, vector<1x16xf32>,
      %get3A_418 = vector.shape_cast %get3A_417 : vector<1x16xf32> to vector<16xf32>
      %add3A_419 = arith.addf %get3A_414, %get3A_418 : vector<16xf32>
      %swap3A_420 = arith.index_cast %scan3A_202 : i32 to index
      %swap3A_421 = arith.constant 240 : index
      %swap3A_422 = tpu.vector_load %arg9[%swap3A_420, %swap3A_421] {strides = array<i32>} : memref<64x256xf32, #tpu.memory_space<vmem>>, vector<1x16xf32>,
      %swap3A_423 = vector.shape_cast %swap3A_422 : vector<1x16xf32> to vector<16xf32>
      %swap3A_424 = vector.shape_cast %add3A_419 : vector<16xf32> to vector<1x16xf32>
      tpu.vector_store %arg9[%swap3A_420, %swap3A_421], %swap3A_424 {strides = array<i32>} : memref<64x256xf32, #tpu.memory_space<vmem>>, vector<1x16xf32>,
    }
    %scan3A_95 = arith.constant 64 : i32
    %scan3A_96 = arith.constant 0 : i32
    %scan3A_97 = arith.constant 0 : i32
    %scan3A_98 = arith.constant 32 : i32
    %scan3A_99 = arith.addi %scan3A_97, %scan3A_98 : i32
    %scan3A_100 = arith.constant 1 : i32
    scf.for %scan3A_202 = %scan3A_97 to %scan3A_99 step %scan3A_100  : i32 {
      %mul3A_203 = arith.constant 4 : i32
      %mul3A_204 = arith.muli %scan3A_202, %mul3A_203 : i32
      %add3A_205 = arith.constant 0 : i32
      %add3A_206 = arith.addi %mul3A_204, %add3A_205 : i32
      %gt3A = arith.constant 0 : i32
      %gt3A_207 = arith.cmpi sgt, %scan3A_202, %gt3A : i32
      %convert_element_type3A = arith.extui %gt3A_207 : i1 to i32
      %cond3A = arith.constant 0 : i32
      %cond3A_208 = arith.cmpi ne, %convert_element_type3A, %cond3A : i32
      scf.if %cond3A_208 {
        %sub3A_293 = arith.constant 4 : i32
        %sub3A_294 = arith.subi %add3A_206, %sub3A_293 : i32
        %mul3A_295 = arith.constant 64 : i32
        %mul3A_296 = arith.muli %sub3A_294, %mul3A_295 : i32
        %add3A_297 = arith.addi %mul3A_2, %mul3A_296 : i32
        %dma_wait3A_298 = arith.constant 0 : i32
        %dma_wait3A_299 = arith.constant 0 : i32
        %dma_wait3A_300 = tpu.memref_slice %arg6[%add3A_297, %dma_wait3A_299] : memref<262144x256xf32, #tpu.memory_space<hbm>> -> memref<64x256xf32, #tpu.memory_space<hbm>>
        %dma_wait3A_301 = arith.constant 0 : i32
        %dma_wait3A_302 = arith.constant 0 : i32
        %dma_wait3A_303 = tpu.memref_slice %arg7[%arg1, %dma_wait3A_298, %dma_wait3A_301, %dma_wait3A_302] : memref<16x4x64x256xf32, #tpu.memory_space<vmem_shared>> -> memref<1x1x64x256xf32, #tpu.memory_space<vmem_shared>>
        %dma_wait3A_304 = tpu.memref_squeeze %dma_wait3A_303 : memref<1x1x64x256xf32, #tpu.memory_space<vmem_shared>> -> memref<64x256xf32, #tpu.memory_space<vmem_shared>>
        tpu.wait_dma2 semaphore(%arg16 : memref<!tpu.dma_semaphore, #tpu.memory_space<semaphore_mem>>) src(%dma_wait3A_304 : memref<64x256xf32, #tpu.memory_space<vmem_shared>>) dst(%dma_wait3A_300 : memref<64x256xf32, #tpu.memory_space<hbm>>)
        %mul3A_305 = arith.constant 64 : i32
        %mul3A_306 = arith.muli %add3A_206, %mul3A_305 : i32
        %add3A_307 = arith.addi %mul3A_2, %mul3A_306 : i32
        %dma_start3A_308 = arith.constant 0 : i32
        %dma_start3A_309 = arith.constant 0 : i32
        %dma_start3A_310 = arith.constant 0 : i32
        %dma_start3A_311 = tpu.memref_slice %arg7[%arg1, %dma_start3A_308, %dma_start3A_309, %dma_start3A_310] : memref<16x4x64x256xf32, #tpu.memory_space<vmem_shared>> -> memref<1x1x64x256xf32, #tpu.memory_space<vmem_shared>>
        %dma_start3A_312 = tpu.memref_squeeze %dma_start3A_311 : memref<1x1x64x256xf32, #tpu.memory_space<vmem_shared>> -> memref<64x256xf32, #tpu.memory_space<vmem_shared>>
        %dma_start3A_313 = arith.constant 0 : i32
        %dma_start3A_314 = tpu.memref_slice %arg2[%add3A_307, %dma_start3A_313] : memref<262144x256xf32, #tpu.memory_space<hbm>> -> memref<64x256xf32, #tpu.memory_space<hbm>>
        tpu.enqueue_dma source(%dma_start3A_314 : memref<64x256xf32, #tpu.memory_space<hbm>>) target(%dma_start3A_312 : memref<64x256xf32, #tpu.memory_space<vmem_shared>>) target_semaphore(%arg12 : memref<!tpu.dma_semaphore, #tpu.memory_space<semaphore_mem>>)
      } else {
      }
      %gt3A_209 = arith.constant 0 : i32
      %gt3A_210 = arith.cmpi sgt, %scan3A_202, %gt3A_209 : i32
      %convert_element_type3A_211 = arith.extui %gt3A_210 : i1 to i32
      %cond3A_212 = arith.constant 0 : i32
      %cond3A_213 = arith.cmpi ne, %convert_element_type3A_211, %cond3A_212 : i32
      scf.if %cond3A_213 {
        %sub3A_293 = arith.constant 2 : i32
        %sub3A_294 = arith.subi %add3A_206, %sub3A_293 : i32
        %mul3A_295 = arith.constant 64 : i32
        %mul3A_296 = arith.muli %sub3A_294, %mul3A_295 : i32
        %add3A_297 = arith.addi %mul3A_2, %mul3A_296 : i32
        %dma_wait3A_298 = arith.constant 2 : i32
        %dma_wait3A_299 = arith.constant 0 : i32
        %dma_wait3A_300 = arith.constant 0 : i32
        %dma_wait3A_301 = tpu.memref_slice %arg7[%arg1, %dma_wait3A_298, %dma_wait3A_299, %dma_wait3A_300] : memref<16x4x64x256xf32, #tpu.memory_space<vmem_shared>> -> memref<1x1x64x256xf32, #tpu.memory_space<vmem_shared>>
        %dma_wait3A_302 = tpu.memref_squeeze %dma_wait3A_301 : memref<1x1x64x256xf32, #tpu.memory_space<vmem_shared>> -> memref<64x256xf32, #tpu.memory_space<vmem_shared>>
        %dma_wait3A_303 = arith.constant 0 : i32
        %dma_wait3A_304 = tpu.memref_slice %arg2[%add3A_297, %dma_wait3A_303] : memref<262144x256xf32, #tpu.memory_space<hbm>> -> memref<64x256xf32, #tpu.memory_space<hbm>>
        tpu.wait_dma2 semaphore(%arg14 : memref<!tpu.dma_semaphore, #tpu.memory_space<semaphore_mem>>) src(%dma_wait3A_304 : memref<64x256xf32, #tpu.memory_space<hbm>>) dst(%dma_wait3A_302 : memref<64x256xf32, #tpu.memory_space<vmem_shared>>)
        %sub3A_305 = arith.constant 2 : i32
        %sub3A_306 = arith.subi %add3A_206, %sub3A_305 : i32
        %mul3A_307 = arith.constant 64 : i32
        %mul3A_308 = arith.muli %sub3A_306, %mul3A_307 : i32
        %add3A_309 = arith.addi %mul3A_2, %mul3A_308 : i32
        %dma_start3A_310 = arith.constant 2 : i32
        %dma_start3A_311 = arith.constant 0 : i32
        %dma_start3A_312 = tpu.memref_slice %arg6[%add3A_309, %dma_start3A_311] : memref<262144x256xf32, #tpu.memory_space<hbm>> -> memref<64x256xf32, #tpu.memory_space<hbm>>
        %dma_start3A_313 = arith.constant 0 : i32
        %dma_start3A_314 = arith.constant 0 : i32
        %dma_start3A_315 = tpu.memref_slice %arg7[%arg1, %dma_start3A_310, %dma_start3A_313, %dma_start3A_314] : memref<16x4x64x256xf32, #tpu.memory_space<vmem_shared>> -> memref<1x1x64x256xf32, #tpu.memory_space<vmem_shared>>
        %dma_start3A_316 = tpu.memref_squeeze %dma_start3A_315 : memref<1x1x64x256xf32, #tpu.memory_space<vmem_shared>> -> memref<64x256xf32, #tpu.memory_space<vmem_shared>>
        tpu.enqueue_dma source(%dma_start3A_316 : memref<64x256xf32, #tpu.memory_space<vmem_shared>>) target(%dma_start3A_312 : memref<64x256xf32, #tpu.memory_space<hbm>>) target_semaphore(%arg18 : memref<!tpu.dma_semaphore, #tpu.memory_space<semaphore_mem>>)
      } else {
      }
      %mul3A_214 = arith.constant 4 : i32
      %mul3A_215 = arith.muli %scan3A_202, %mul3A_214 : i32
      %add3A_216 = arith.constant 1 : i32
      %add3A_217 = arith.addi %mul3A_215, %add3A_216 : i32
      %gt3A_218 = arith.constant 0 : i32
      %gt3A_219 = arith.cmpi sgt, %scan3A_202, %gt3A_218 : i32
      %convert_element_type3A_220 = arith.extui %gt3A_219 : i1 to i32
      %cond3A_221 = arith.constant 0 : i32
      %cond3A_222 = arith.cmpi ne, %convert_element_type3A_220, %cond3A_221 : i32
      scf.if %cond3A_222 {
        %sub3A_293 = arith.constant 4 : i32
        %sub3A_294 = arith.subi %add3A_217, %sub3A_293 : i32
        %mul3A_295 = arith.constant 64 : i32
        %mul3A_296 = arith.muli %sub3A_294, %mul3A_295 : i32
        %add3A_297 = arith.addi %mul3A_2, %mul3A_296 : i32
        %dma_wait3A_298 = arith.constant 1 : i32
        %dma_wait3A_299 = arith.constant 0 : i32
        %dma_wait3A_300 = tpu.memref_slice %arg6[%add3A_297, %dma_wait3A_299] : memref<262144x256xf32, #tpu.memory_space<hbm>> -> memref<64x256xf32, #tpu.memory_space<hbm>>
        %dma_wait3A_301 = arith.constant 0 : i32
        %dma_wait3A_302 = arith.constant 0 : i32
        %dma_wait3A_303 = tpu.memref_slice %arg7[%arg1, %dma_wait3A_298, %dma_wait3A_301, %dma_wait3A_302] : memref<16x4x64x256xf32, #tpu.memory_space<vmem_shared>> -> memref<1x1x64x256xf32, #tpu.memory_space<vmem_shared>>
        %dma_wait3A_304 = tpu.memref_squeeze %dma_wait3A_303 : memref<1x1x64x256xf32, #tpu.memory_space<vmem_shared>> -> memref<64x256xf32, #tpu.memory_space<vmem_shared>>
        tpu.wait_dma2 semaphore(%arg17 : memref<!tpu.dma_semaphore, #tpu.memory_space<semaphore_mem>>) src(%dma_wait3A_304 : memref<64x256xf32, #tpu.memory_space<vmem_shared>>) dst(%dma_wait3A_300 : memref<64x256xf32, #tpu.memory_space<hbm>>)
        %mul3A_305 = arith.constant 64 : i32
        %mul3A_306 = arith.muli %add3A_217, %mul3A_305 : i32
        %add3A_307 = arith.addi %mul3A_2, %mul3A_306 : i32
        %dma_start3A_308 = arith.constant 1 : i32
        %dma_start3A_309 = arith.constant 0 : i32
        %dma_start3A_310 = arith.constant 0 : i32
        %dma_start3A_311 = tpu.memref_slice %arg7[%arg1, %dma_start3A_308, %dma_start3A_309, %dma_start3A_310] : memref<16x4x64x256xf32, #tpu.memory_space<vmem_shared>> -> memref<1x1x64x256xf32, #tpu.memory_space<vmem_shared>>
        %dma_start3A_312 = tpu.memref_squeeze %dma_start3A_311 : memref<1x1x64x256xf32, #tpu.memory_space<vmem_shared>> -> memref<64x256xf32, #tpu.memory_space<vmem_shared>>
        %dma_start3A_313 = arith.constant 0 : i32
        %dma_start3A_314 = tpu.memref_slice %arg2[%add3A_307, %dma_start3A_313] : memref<262144x256xf32, #tpu.memory_space<hbm>> -> memref<64x256xf32, #tpu.memory_space<hbm>>
        tpu.enqueue_dma source(%dma_start3A_314 : memref<64x256xf32, #tpu.memory_space<hbm>>) target(%dma_start3A_312 : memref<64x256xf32, #tpu.memory_space<vmem_shared>>) target_semaphore(%arg13 : memref<!tpu.dma_semaphore, #tpu.memory_space<semaphore_mem>>)
      } else {
      }
      %gt3A_223 = arith.constant 0 : i32
      %gt3A_224 = arith.cmpi sgt, %scan3A_202, %gt3A_223 : i32
      %convert_element_type3A_225 = arith.extui %gt3A_224 : i1 to i32
      %cond3A_226 = arith.constant 0 : i32
      %cond3A_227 = arith.cmpi ne, %convert_element_type3A_225, %cond3A_226 : i32
      scf.if %cond3A_227 {
        %sub3A_293 = arith.constant 2 : i32
        %sub3A_294 = arith.subi %add3A_217, %sub3A_293 : i32
        %mul3A_295 = arith.constant 64 : i32
        %mul3A_296 = arith.muli %sub3A_294, %mul3A_295 : i32
        %add3A_297 = arith.addi %mul3A_2, %mul3A_296 : i32
        %dma_wait3A_298 = arith.constant 3 : i32
        %dma_wait3A_299 = arith.constant 0 : i32
        %dma_wait3A_300 = arith.constant 0 : i32
        %dma_wait3A_301 = tpu.memref_slice %arg7[%arg1, %dma_wait3A_298, %dma_wait3A_299, %dma_wait3A_300] : memref<16x4x64x256xf32, #tpu.memory_space<vmem_shared>> -> memref<1x1x64x256xf32, #tpu.memory_space<vmem_shared>>
        %dma_wait3A_302 = tpu.memref_squeeze %dma_wait3A_301 : memref<1x1x64x256xf32, #tpu.memory_space<vmem_shared>> -> memref<64x256xf32, #tpu.memory_space<vmem_shared>>
        %dma_wait3A_303 = arith.constant 0 : i32
        %dma_wait3A_304 = tpu.memref_slice %arg2[%add3A_297, %dma_wait3A_303] : memref<262144x256xf32, #tpu.memory_space<hbm>> -> memref<64x256xf32, #tpu.memory_space<hbm>>
        tpu.wait_dma2 semaphore(%arg15 : memref<!tpu.dma_semaphore, #tpu.memory_space<semaphore_mem>>) src(%dma_wait3A_304 : memref<64x256xf32, #tpu.memory_space<hbm>>) dst(%dma_wait3A_302 : memref<64x256xf32, #tpu.memory_space<vmem_shared>>)
        %sub3A_305 = arith.constant 2 : i32
        %sub3A_306 = arith.subi %add3A_217, %sub3A_305 : i32
        %mul3A_307 = arith.constant 64 : i32
        %mul3A_308 = arith.muli %sub3A_306, %mul3A_307 : i32
        %add3A_309 = arith.addi %mul3A_2, %mul3A_308 : i32
        %dma_start3A_310 = arith.constant 3 : i32
        %dma_start3A_311 = arith.constant 0 : i32
        %dma_start3A_312 = tpu.memref_slice %arg6[%add3A_309, %dma_start3A_311] : memref<262144x256xf32, #tpu.memory_space<hbm>> -> memref<64x256xf32, #tpu.memory_space<hbm>>
        %dma_start3A_313 = arith.constant 0 : i32
        %dma_start3A_314 = arith.constant 0 : i32
        %dma_start3A_315 = tpu.memref_slice %arg7[%arg1, %dma_start3A_310, %dma_start3A_313, %dma_start3A_314] : memref<16x4x64x256xf32, #tpu.memory_space<vmem_shared>> -> memref<1x1x64x256xf32, #tpu.memory_space<vmem_shared>>
        %dma_start3A_316 = tpu.memref_squeeze %dma_start3A_315 : memref<1x1x64x256xf32, #tpu.memory_space<vmem_shared>> -> memref<64x256xf32, #tpu.memory_space<vmem_shared>>
        tpu.enqueue_dma source(%dma_start3A_316 : memref<64x256xf32, #tpu.memory_space<vmem_shared>>) target(%dma_start3A_312 : memref<64x256xf32, #tpu.memory_space<hbm>>) target_semaphore(%arg19 : memref<!tpu.dma_semaphore, #tpu.memory_space<semaphore_mem>>)
      } else {
      }
      %mul3A_228 = arith.constant 4 : i32
      %mul3A_229 = arith.muli %scan3A_202, %mul3A_228 : i32
      %add3A_230 = arith.constant 2 : i32
      %add3A_231 = arith.addi %mul3A_229, %add3A_230 : i32
      %gt3A_232 = arith.constant 0 : i32
      %gt3A_233 = arith.cmpi sgt, %scan3A_202, %gt3A_232 : i32
      %convert_element_type3A_234 = arith.extui %gt3A_233 : i1 to i32
      %cond3A_235 = arith.constant 0 : i32
      %cond3A_236 = arith.cmpi ne, %convert_element_type3A_234, %cond3A_235 : i32
      scf.if %cond3A_236 {
        %sub3A_293 = arith.constant 4 : i32
        %sub3A_294 = arith.subi %add3A_231, %sub3A_293 : i32
        %mul3A_295 = arith.constant 64 : i32
        %mul3A_296 = arith.muli %sub3A_294, %mul3A_295 : i32
        %add3A_297 = arith.addi %mul3A_2, %mul3A_296 : i32
        %dma_wait3A_298 = arith.constant 2 : i32
        %dma_wait3A_299 = arith.constant 0 : i32
        %dma_wait3A_300 = tpu.memref_slice %arg6[%add3A_297, %dma_wait3A_299] : memref<262144x256xf32, #tpu.memory_space<hbm>> -> memref<64x256xf32, #tpu.memory_space<hbm>>
        %dma_wait3A_301 = arith.constant 0 : i32
        %dma_wait3A_302 = arith.constant 0 : i32
        %dma_wait3A_303 = tpu.memref_slice %arg7[%arg1, %dma_wait3A_298, %dma_wait3A_301, %dma_wait3A_302] : memref<16x4x64x256xf32, #tpu.memory_space<vmem_shared>> -> memref<1x1x64x256xf32, #tpu.memory_space<vmem_shared>>
        %dma_wait3A_304 = tpu.memref_squeeze %dma_wait3A_303 : memref<1x1x64x256xf32, #tpu.memory_space<vmem_shared>> -> memref<64x256xf32, #tpu.memory_space<vmem_shared>>
        tpu.wait_dma2 semaphore(%arg18 : memref<!tpu.dma_semaphore, #tpu.memory_space<semaphore_mem>>) src(%dma_wait3A_304 : memref<64x256xf32, #tpu.memory_space<vmem_shared>>) dst(%dma_wait3A_300 : memref<64x256xf32, #tpu.memory_space<hbm>>)
        %mul3A_305 = arith.constant 64 : i32
        %mul3A_306 = arith.muli %add3A_231, %mul3A_305 : i32
        %add3A_307 = arith.addi %mul3A_2, %mul3A_306 : i32
        %dma_start3A_308 = arith.constant 2 : i32
        %dma_start3A_309 = arith.constant 0 : i32
        %dma_start3A_310 = arith.constant 0 : i32
        %dma_start3A_311 = tpu.memref_slice %arg7[%arg1, %dma_start3A_308, %dma_start3A_309, %dma_start3A_310] : memref<16x4x64x256xf32, #tpu.memory_space<vmem_shared>> -> memref<1x1x64x256xf32, #tpu.memory_space<vmem_shared>>
        %dma_start3A_312 = tpu.memref_squeeze %dma_start3A_311 : memref<1x1x64x256xf32, #tpu.memory_space<vmem_shared>> -> memref<64x256xf32, #tpu.memory_space<vmem_shared>>
        %dma_start3A_313 = arith.constant 0 : i32
        %dma_start3A_314 = tpu.memref_slice %arg2[%add3A_307, %dma_start3A_313] : memref<262144x256xf32, #tpu.memory_space<hbm>> -> memref<64x256xf32, #tpu.memory_space<hbm>>
        tpu.enqueue_dma source(%dma_start3A_314 : memref<64x256xf32, #tpu.memory_space<hbm>>) target(%dma_start3A_312 : memref<64x256xf32, #tpu.memory_space<vmem_shared>>) target_semaphore(%arg14 : memref<!tpu.dma_semaphore, #tpu.memory_space<semaphore_mem>>)
      } else {
      }
      %sub3A = arith.constant 2 : i32
      %sub3A_237 = arith.subi %add3A_231, %sub3A : i32
      %mul3A_238 = arith.constant 64 : i32
      %mul3A_239 = arith.muli %sub3A_237, %mul3A_238 : i32
      %add3A_240 = arith.addi %mul3A_2, %mul3A_239 : i32
      %dma_wait3A_241 = arith.constant 0 : i32
      %dma_wait3A_242 = arith.constant 0 : i32
      %dma_wait3A_243 = arith.constant 0 : i32
      %dma_wait3A_244 = tpu.memref_slice %arg7[%arg1, %dma_wait3A_241, %dma_wait3A_242, %dma_wait3A_243] : memref<16x4x64x256xf32, #tpu.memory_space<vmem_shared>> -> memref<1x1x64x256xf32, #tpu.memory_space<vmem_shared>>
      %dma_wait3A_245 = tpu.memref_squeeze %dma_wait3A_244 : memref<1x1x64x256xf32, #tpu.memory_space<vmem_shared>> -> memref<64x256xf32, #tpu.memory_space<vmem_shared>>
      %dma_wait3A_246 = arith.constant 0 : i32
      %dma_wait3A_247 = tpu.memref_slice %arg2[%add3A_240, %dma_wait3A_246] : memref<262144x256xf32, #tpu.memory_space<hbm>> -> memref<64x256xf32, #tpu.memory_space<hbm>>
      tpu.wait_dma2 semaphore(%arg12 : memref<!tpu.dma_semaphore, #tpu.memory_space<semaphore_mem>>) src(%dma_wait3A_247 : memref<64x256xf32, #tpu.memory_space<hbm>>) dst(%dma_wait3A_245 : memref<64x256xf32, #tpu.memory_space<vmem_shared>>)
      %sub3A_248 = arith.constant 2 : i32
      %sub3A_249 = arith.subi %add3A_231, %sub3A_248 : i32
      %mul3A_250 = arith.constant 64 : i32
      %mul3A_251 = arith.muli %sub3A_249, %mul3A_250 : i32
      %add3A_252 = arith.addi %mul3A_2, %mul3A_251 : i32
      %dma_start3A_253 = arith.constant 0 : i32
      %dma_start3A_254 = arith.constant 0 : i32
      %dma_start3A_255 = tpu.memref_slice %arg6[%add3A_252, %dma_start3A_254] : memref<262144x256xf32, #tpu.memory_space<hbm>> -> memref<64x256xf32, #tpu.memory_space<hbm>>
      %dma_start3A_256 = arith.constant 0 : i32
      %dma_start3A_257 = arith.constant 0 : i32
      %dma_start3A_258 = tpu.memref_slice %arg7[%arg1, %dma_start3A_253, %dma_start3A_256, %dma_start3A_257] : memref<16x4x64x256xf32, #tpu.memory_space<vmem_shared>> -> memref<1x1x64x256xf32, #tpu.memory_space<vmem_shared>>
      %dma_start3A_259 = tpu.memref_squeeze %dma_start3A_258 : memref<1x1x64x256xf32, #tpu.memory_space<vmem_shared>> -> memref<64x256xf32, #tpu.memory_space<vmem_shared>>
      tpu.enqueue_dma source(%dma_start3A_259 : memref<64x256xf32, #tpu.memory_space<vmem_shared>>) target(%dma_start3A_255 : memref<64x256xf32, #tpu.memory_space<hbm>>) target_semaphore(%arg16 : memref<!tpu.dma_semaphore, #tpu.memory_space<semaphore_mem>>)
      %mul3A_260 = arith.constant 4 : i32
      %mul3A_261 = arith.muli %scan3A_202, %mul3A_260 : i32
      %add3A_262 = arith.constant 3 : i32
      %add3A_263 = arith.addi %mul3A_261, %add3A_262 : i32
      %gt3A_264 = arith.constant 0 : i32
      %gt3A_265 = arith.cmpi sgt, %scan3A_202, %gt3A_264 : i32
      %convert_element_type3A_266 = arith.extui %gt3A_265 : i1 to i32
      %cond3A_267 = arith.constant 0 : i32
      %cond3A_268 = arith.cmpi ne, %convert_element_type3A_266, %cond3A_267 : i32
      scf.if %cond3A_268 {
        %sub3A_293 = arith.constant 4 : i32
        %sub3A_294 = arith.subi %add3A_263, %sub3A_293 : i32
        %mul3A_295 = arith.constant 64 : i32
        %mul3A_296 = arith.muli %sub3A_294, %mul3A_295 : i32
        %add3A_297 = arith.addi %mul3A_2, %mul3A_296 : i32
        %dma_wait3A_298 = arith.constant 3 : i32
        %dma_wait3A_299 = arith.constant 0 : i32
        %dma_wait3A_300 = tpu.memref_slice %arg6[%add3A_297, %dma_wait3A_299] : memref<262144x256xf32, #tpu.memory_space<hbm>> -> memref<64x256xf32, #tpu.memory_space<hbm>>
        %dma_wait3A_301 = arith.constant 0 : i32
        %dma_wait3A_302 = arith.constant 0 : i32
        %dma_wait3A_303 = tpu.memref_slice %arg7[%arg1, %dma_wait3A_298, %dma_wait3A_301, %dma_wait3A_302] : memref<16x4x64x256xf32, #tpu.memory_space<vmem_shared>> -> memref<1x1x64x256xf32, #tpu.memory_space<vmem_shared>>
        %dma_wait3A_304 = tpu.memref_squeeze %dma_wait3A_303 : memref<1x1x64x256xf32, #tpu.memory_space<vmem_shared>> -> memref<64x256xf32, #tpu.memory_space<vmem_shared>>
        tpu.wait_dma2 semaphore(%arg19 : memref<!tpu.dma_semaphore, #tpu.memory_space<semaphore_mem>>) src(%dma_wait3A_304 : memref<64x256xf32, #tpu.memory_space<vmem_shared>>) dst(%dma_wait3A_300 : memref<64x256xf32, #tpu.memory_space<hbm>>)
        %mul3A_305 = arith.constant 64 : i32
        %mul3A_306 = arith.muli %add3A_263, %mul3A_305 : i32
        %add3A_307 = arith.addi %mul3A_2, %mul3A_306 : i32
        %dma_start3A_308 = arith.constant 3 : i32
        %dma_start3A_309 = arith.constant 0 : i32
        %dma_start3A_310 = arith.constant 0 : i32
        %dma_start3A_311 = tpu.memref_slice %arg7[%arg1, %dma_start3A_308, %dma_start3A_309, %dma_start3A_310] : memref<16x4x64x256xf32, #tpu.memory_space<vmem_shared>> -> memref<1x1x64x256xf32, #tpu.memory_space<vmem_shared>>
        %dma_start3A_312 = tpu.memref_squeeze %dma_start3A_311 : memref<1x1x64x256xf32, #tpu.memory_space<vmem_shared>> -> memref<64x256xf32, #tpu.memory_space<vmem_shared>>
        %dma_start3A_313 = arith.constant 0 : i32
        %dma_start3A_314 = tpu.memref_slice %arg2[%add3A_307, %dma_start3A_313] : memref<262144x256xf32, #tpu.memory_space<hbm>> -> memref<64x256xf32, #tpu.memory_space<hbm>>
        tpu.enqueue_dma source(%dma_start3A_314 : memref<64x256xf32, #tpu.memory_space<hbm>>) target(%dma_start3A_312 : memref<64x256xf32, #tpu.memory_space<vmem_shared>>) target_semaphore(%arg15 : memref<!tpu.dma_semaphore, #tpu.memory_space<semaphore_mem>>)
      } else {
      }
      %sub3A_269 = arith.constant 2 : i32
      %sub3A_270 = arith.subi %add3A_263, %sub3A_269 : i32
      %mul3A_271 = arith.constant 64 : i32
      %mul3A_272 = arith.muli %sub3A_270, %mul3A_271 : i32
      %add3A_273 = arith.addi %mul3A_2, %mul3A_272 : i32
      %dma_wait3A_274 = arith.constant 1 : i32
      %dma_wait3A_275 = arith.constant 0 : i32
      %dma_wait3A_276 = arith.constant 0 : i32
      %dma_wait3A_277 = tpu.memref_slice %arg7[%arg1, %dma_wait3A_274, %dma_wait3A_275, %dma_wait3A_276] : memref<16x4x64x256xf32, #tpu.memory_space<vmem_shared>> -> memref<1x1x64x256xf32, #tpu.memory_space<vmem_shared>>
      %dma_wait3A_278 = tpu.memref_squeeze %dma_wait3A_277 : memref<1x1x64x256xf32, #tpu.memory_space<vmem_shared>> -> memref<64x256xf32, #tpu.memory_space<vmem_shared>>
      %dma_wait3A_279 = arith.constant 0 : i32
      %dma_wait3A_280 = tpu.memref_slice %arg2[%add3A_273, %dma_wait3A_279] : memref<262144x256xf32, #tpu.memory_space<hbm>> -> memref<64x256xf32, #tpu.memory_space<hbm>>
      tpu.wait_dma2 semaphore(%arg13 : memref<!tpu.dma_semaphore, #tpu.memory_space<semaphore_mem>>) src(%dma_wait3A_280 : memref<64x256xf32, #tpu.memory_space<hbm>>) dst(%dma_wait3A_278 : memref<64x256xf32, #tpu.memory_space<vmem_shared>>)
      %sub3A_281 = arith.constant 2 : i32
      %sub3A_282 = arith.subi %add3A_263, %sub3A_281 : i32
      %mul3A_283 = arith.constant 64 : i32
      %mul3A_284 = arith.muli %sub3A_282, %mul3A_283 : i32
      %add3A_285 = arith.addi %mul3A_2, %mul3A_284 : i32
      %dma_start3A_286 = arith.constant 1 : i32
      %dma_start3A_287 = arith.constant 0 : i32
      %dma_start3A_288 = tpu.memref_slice %arg6[%add3A_285, %dma_start3A_287] : memref<262144x256xf32, #tpu.memory_space<hbm>> -> memref<64x256xf32, #tpu.memory_space<hbm>>
      %dma_start3A_289 = arith.constant 0 : i32
      %dma_start3A_290 = arith.constant 0 : i32
      %dma_start3A_291 = tpu.memref_slice %arg7[%arg1, %dma_start3A_286, %dma_start3A_289, %dma_start3A_290] : memref<16x4x64x256xf32, #tpu.memory_space<vmem_shared>> -> memref<1x1x64x256xf32, #tpu.memory_space<vmem_shared>>
      %dma_start3A_292 = tpu.memref_squeeze %dma_start3A_291 : memref<1x1x64x256xf32, #tpu.memory_space<vmem_shared>> -> memref<64x256xf32, #tpu.memory_space<vmem_shared>>
      tpu.enqueue_dma source(%dma_start3A_292 : memref<64x256xf32, #tpu.memory_space<vmem_shared>>) target(%dma_start3A_288 : memref<64x256xf32, #tpu.memory_space<hbm>>) target_semaphore(%arg17 : memref<!tpu.dma_semaphore, #tpu.memory_space<semaphore_mem>>)
    }
    %scan3A_101 = arith.constant 32 : i32
    %add3A_102 = arith.constant 8064 : i32
    %add3A_103 = arith.addi %mul3A_2, %add3A_102 : i32
    %dma_wait3A_104 = arith.constant 2 : i32
    %dma_wait3A_105 = arith.constant 0 : i32
    %dma_wait3A_106 = arith.constant 0 : i32
    %dma_wait3A_107 = tpu.memref_slice %arg7[%arg1, %dma_wait3A_104, %dma_wait3A_105, %dma_wait3A_106] : memref<16x4x64x256xf32, #tpu.memory_space<vmem_shared>> -> memref<1x1x64x256xf32, #tpu.memory_space<vmem_shared>>
    %dma_wait3A_108 = tpu.memref_squeeze %dma_wait3A_107 : memref<1x1x64x256xf32, #tpu.memory_space<vmem_shared>> -> memref<64x256xf32, #tpu.memory_space<vmem_shared>>
    %dma_wait3A_109 = arith.constant 0 : i32
    %dma_wait3A_110 = tpu.memref_slice %arg2[%add3A_103, %dma_wait3A_109] : memref<262144x256xf32, #tpu.memory_space<hbm>> -> memref<64x256xf32, #tpu.memory_space<hbm>>
    tpu.wait_dma2 semaphore(%arg14 : memref<!tpu.dma_semaphore, #tpu.memory_space<semaphore_mem>>) src(%dma_wait3A_110 : memref<64x256xf32, #tpu.memory_space<hbm>>) dst(%dma_wait3A_108 : memref<64x256xf32, #tpu.memory_space<vmem_shared>>)
    %add3A_111 = arith.constant 8064 : i32
    %add3A_112 = arith.addi %mul3A_2, %add3A_111 : i32
    %dma_start3A_113 = arith.constant 2 : i32
    %dma_start3A_114 = arith.constant 0 : i32
    %dma_start3A_115 = tpu.memref_slice %arg6[%add3A_112, %dma_start3A_114] : memref<262144x256xf32, #tpu.memory_space<hbm>> -> memref<64x256xf32, #tpu.memory_space<hbm>>
    %dma_start3A_116 = arith.constant 0 : i32
    %dma_start3A_117 = arith.constant 0 : i32
    %dma_start3A_118 = tpu.memref_slice %arg7[%arg1, %dma_start3A_113, %dma_start3A_116, %dma_start3A_117] : memref<16x4x64x256xf32, #tpu.memory_space<vmem_shared>> -> memref<1x1x64x256xf32, #tpu.memory_space<vmem_shared>>
    %dma_start3A_119 = tpu.memref_squeeze %dma_start3A_118 : memref<1x1x64x256xf32, #tpu.memory_space<vmem_shared>> -> memref<64x256xf32, #tpu.memory_space<vmem_shared>>
    tpu.enqueue_dma source(%dma_start3A_119 : memref<64x256xf32, #tpu.memory_space<vmem_shared>>) target(%dma_start3A_115 : memref<64x256xf32, #tpu.memory_space<hbm>>) target_semaphore(%arg18 : memref<!tpu.dma_semaphore, #tpu.memory_space<semaphore_mem>>)
    %add3A_120 = arith.constant 8128 : i32
    %add3A_121 = arith.addi %mul3A_2, %add3A_120 : i32
    %dma_wait3A_122 = arith.constant 3 : i32
    %dma_wait3A_123 = arith.constant 0 : i32
    %dma_wait3A_124 = arith.constant 0 : i32
    %dma_wait3A_125 = tpu.memref_slice %arg7[%arg1, %dma_wait3A_122, %dma_wait3A_123, %dma_wait3A_124] : memref<16x4x64x256xf32, #tpu.memory_space<vmem_shared>> -> memref<1x1x64x256xf32, #tpu.memory_space<vmem_shared>>
    %dma_wait3A_126 = tpu.memref_squeeze %dma_wait3A_125 : memref<1x1x64x256xf32, #tpu.memory_space<vmem_shared>> -> memref<64x256xf32, #tpu.memory_space<vmem_shared>>
    %dma_wait3A_127 = arith.constant 0 : i32
    %dma_wait3A_128 = tpu.memref_slice %arg2[%add3A_121, %dma_wait3A_127] : memref<262144x256xf32, #tpu.memory_space<hbm>> -> memref<64x256xf32, #tpu.memory_space<hbm>>
    tpu.wait_dma2 semaphore(%arg15 : memref<!tpu.dma_semaphore, #tpu.memory_space<semaphore_mem>>) src(%dma_wait3A_128 : memref<64x256xf32, #tpu.memory_space<hbm>>) dst(%dma_wait3A_126 : memref<64x256xf32, #tpu.memory_space<vmem_shared>>)
    %add3A_129 = arith.constant 8128 : i32
    %add3A_130 = arith.addi %mul3A_2, %add3A_129 : i32
    %dma_start3A_131 = arith.constant 3 : i32
    %dma_start3A_132 = arith.constant 0 : i32
    %dma_start3A_133 = tpu.memref_slice %arg6[%add3A_130, %dma_start3A_132] : memref<262144x256xf32, #tpu.memory_space<hbm>> -> memref<64x256xf32, #tpu.memory_space<hbm>>
    %dma_start3A_134 = arith.constant 0 : i32
    %dma_start3A_135 = arith.constant 0 : i32
    %dma_start3A_136 = tpu.memref_slice %arg7[%arg1, %dma_start3A_131, %dma_start3A_134, %dma_start3A_135] : memref<16x4x64x256xf32, #tpu.memory_space<vmem_shared>> -> memref<1x1x64x256xf32, #tpu.memory_space<vmem_shared>>
    %dma_start3A_137 = tpu.memref_squeeze %dma_start3A_136 : memref<1x1x64x256xf32, #tpu.memory_space<vmem_shared>> -> memref<64x256xf32, #tpu.memory_space<vmem_shared>>
    tpu.enqueue_dma source(%dma_start3A_137 : memref<64x256xf32, #tpu.memory_space<vmem_shared>>) target(%dma_start3A_133 : memref<64x256xf32, #tpu.memory_space<hbm>>) target_semaphore(%arg19 : memref<!tpu.dma_semaphore, #tpu.memory_space<semaphore_mem>>)
    %add3A_138 = arith.constant 0 : i32
    %add3A_139 = arith.addi %mul3A_2, %add3A_138 : i32
    %dma_wait3A_140 = arith.constant 0 : i32
    %dma_wait3A_141 = arith.constant 0 : i32
    %dma_wait3A_142 = tpu.memref_slice %arg6[%add3A_139, %dma_wait3A_141] : memref<262144x256xf32, #tpu.memory_space<hbm>> -> memref<64x256xf32, #tpu.memory_space<hbm>>
    %dma_wait3A_143 = arith.constant 0 : i32
    %dma_wait3A_144 = arith.constant 0 : i32
    %dma_wait3A_145 = tpu.memref_slice %arg7[%arg1, %dma_wait3A_140, %dma_wait3A_143, %dma_wait3A_144] : memref<16x4x64x256xf32, #tpu.memory_space<vmem_shared>> -> memref<1x1x64x256xf32, #tpu.memory_space<vmem_shared>>
    %dma_wait3A_146 = tpu.memref_squeeze %dma_wait3A_145 : memref<1x1x64x256xf32, #tpu.memory_space<vmem_shared>> -> memref<64x256xf32, #tpu.memory_space<vmem_shared>>
    tpu.wait_dma2 semaphore(%arg16 : memref<!tpu.dma_semaphore, #tpu.memory_space<semaphore_mem>>) src(%dma_wait3A_146 : memref<64x256xf32, #tpu.memory_space<vmem_shared>>) dst(%dma_wait3A_142 : memref<64x256xf32, #tpu.memory_space<hbm>>)
    %add3A_147 = arith.constant 0 : i32
    %add3A_148 = arith.addi %mul3A_2, %add3A_147 : i32
    %dma_wait3A_149 = arith.constant 1 : i32
    %dma_wait3A_150 = arith.constant 0 : i32
    %dma_wait3A_151 = tpu.memref_slice %arg6[%add3A_148, %dma_wait3A_150] : memref<262144x256xf32, #tpu.memory_space<hbm>> -> memref<64x256xf32, #tpu.memory_space<hbm>>
    %dma_wait3A_152 = arith.constant 0 : i32
    %dma_wait3A_153 = arith.constant 0 : i32
    %dma_wait3A_154 = tpu.memref_slice %arg7[%arg1, %dma_wait3A_149, %dma_wait3A_152, %dma_wait3A_153] : memref<16x4x64x256xf32, #tpu.memory_space<vmem_shared>> -> memref<1x1x64x256xf32, #tpu.memory_space<vmem_shared>>
    %dma_wait3A_155 = tpu.memref_squeeze %dma_wait3A_154 : memref<1x1x64x256xf32, #tpu.memory_space<vmem_shared>> -> memref<64x256xf32, #tpu.memory_space<vmem_shared>>
    tpu.wait_dma2 semaphore(%arg17 : memref<!tpu.dma_semaphore, #tpu.memory_space<semaphore_mem>>) src(%dma_wait3A_155 : memref<64x256xf32, #tpu.memory_space<vmem_shared>>) dst(%dma_wait3A_151 : memref<64x256xf32, #tpu.memory_space<hbm>>)
    %add3A_156 = arith.constant 0 : i32
    %add3A_157 = arith.addi %mul3A_2, %add3A_156 : i32
    %dma_wait3A_158 = arith.constant 2 : i32
    %dma_wait3A_159 = arith.constant 0 : i32
    %dma_wait3A_160 = tpu.memref_slice %arg6[%add3A_157, %dma_wait3A_159] : memref<262144x256xf32, #tpu.memory_space<hbm>> -> memref<64x256xf32, #tpu.memory_space<hbm>>
    %dma_wait3A_161 = arith.constant 0 : i32
    %dma_wait3A_162 = arith.constant 0 : i32
    %dma_wait3A_163 = tpu.memref_slice %arg7[%arg1, %dma_wait3A_158, %dma_wait3A_161, %dma_wait3A_162] : memref<16x4x64x256xf32, #tpu.memory_space<vmem_shared>> -> memref<1x1x64x256xf32, #tpu.memory_space<vmem_shared>>
    %dma_wait3A_164 = tpu.memref_squeeze %dma_wait3A_163 : memref<1x1x64x256xf32, #tpu.memory_space<vmem_shared>> -> memref<64x256xf32, #tpu.memory_space<vmem_shared>>
    tpu.wait_dma2 semaphore(%arg18 : memref<!tpu.dma_semaphore, #tpu.memory_space<semaphore_mem>>) src(%dma_wait3A_164 : memref<64x256xf32, #tpu.memory_space<vmem_shared>>) dst(%dma_wait3A_160 : memref<64x256xf32, #tpu.memory_space<hbm>>)
    %add3A_165 = arith.constant 0 : i32
    %add3A_166 = arith.addi %mul3A_2, %add3A_165 : i32
    %dma_wait3A_167 = arith.constant 3 : i32
    %dma_wait3A_168 = arith.constant 0 : i32
    %dma_wait3A_169 = tpu.memref_slice %arg6[%add3A_166, %dma_wait3A_168] : memref<262144x256xf32, #tpu.memory_space<hbm>> -> memref<64x256xf32, #tpu.memory_space<hbm>>
    %dma_wait3A_170 = arith.constant 0 : i32
    %dma_wait3A_171 = arith.constant 0 : i32
    %dma_wait3A_172 = tpu.memref_slice %arg7[%arg1, %dma_wait3A_167, %dma_wait3A_170, %dma_wait3A_171] : memref<16x4x64x256xf32, #tpu.memory_space<vmem_shared>> -> memref<1x1x64x256xf32, #tpu.memory_space<vmem_shared>>
    %dma_wait3A_173 = tpu.memref_squeeze %dma_wait3A_172 : memref<1x1x64x256xf32, #tpu.memory_space<vmem_shared>> -> memref<64x256xf32, #tpu.memory_space<vmem_shared>>
    tpu.wait_dma2 semaphore(%arg19 : memref<!tpu.dma_semaphore, #tpu.memory_space<semaphore_mem>>) src(%dma_wait3A_173 : memref<64x256xf32, #tpu.memory_space<vmem_shared>>) dst(%dma_wait3A_169 : memref<64x256xf32, #tpu.memory_space<hbm>>)
    %dma_start3A_174 = arith.constant 0 : i32
    %dma_start3A_175 = arith.constant 0 : i32
    %dma_start3A_176 = tpu.memref_slice %arg11[%dma_start3A_174, %dma_start3A_175] : memref<2x64xi32, #tpu.memory_space<vmem>> -> memref<1x64xi32, #tpu.memory_space<vmem>>
    %dma_start3A_177 = tpu.memref_squeeze %dma_start3A_176 : memref<1x64xi32, #tpu.memory_space<vmem>> -> memref<64xi32, #tpu.memory_space<vmem>>
    %dma_start3A_178 = arith.constant 0 : i32
    %dma_start3A_179 = arith.constant 0 : i32
    %dma_start3A_180 = tpu.memref_slice %arg6[%dma_start3A_178, %dma_start3A_179] : memref<262144x256xf32, #tpu.memory_space<hbm>> -> memref<262144x256xf32, #tpu.memory_space<hbm>>
    tpu.enqueue_indirect_dma source(%arg8 : memref<64x256xf32, #tpu.memory_space<vmem>>) target(%dma_start3A_180 : memref<262144x256xf32, #tpu.memory_space<hbm>>) offsets(%dma_start3A_177 : memref<64xi32, #tpu.memory_space<vmem>>) semaphore(%arg20 : memref<!tpu.dma_semaphore, #tpu.memory_space<semaphore_mem>>)
    %dma_start3A_181 = arith.constant 1 : i32
    %dma_start3A_182 = arith.constant 0 : i32
    %dma_start3A_183 = tpu.memref_slice %arg11[%dma_start3A_181, %dma_start3A_182] : memref<2x64xi32, #tpu.memory_space<vmem>> -> memref<1x64xi32, #tpu.memory_space<vmem>>
    %dma_start3A_184 = tpu.memref_squeeze %dma_start3A_183 : memref<1x64xi32, #tpu.memory_space<vmem>> -> memref<64xi32, #tpu.memory_space<vmem>>
    %dma_start3A_185 = arith.constant 0 : i32
    %dma_start3A_186 = arith.constant 0 : i32
    %dma_start3A_187 = tpu.memref_slice %arg6[%dma_start3A_185, %dma_start3A_186] : memref<262144x256xf32, #tpu.memory_space<hbm>> -> memref<262144x256xf32, #tpu.memory_space<hbm>>
    tpu.enqueue_indirect_dma source(%arg9 : memref<64x256xf32, #tpu.memory_space<vmem>>) target(%dma_start3A_187 : memref<262144x256xf32, #tpu.memory_space<hbm>>) offsets(%dma_start3A_184 : memref<64xi32, #tpu.memory_space<vmem>>) semaphore(%arg21 : memref<!tpu.dma_semaphore, #tpu.memory_space<semaphore_mem>>)
    %dma_wait3A_188 = arith.constant 1 : i32
    %dma_wait3A_189 = arith.constant 0 : i32
    %dma_wait3A_190 = tpu.memref_slice %arg11[%dma_wait3A_188, %dma_wait3A_189] : memref<2x64xi32, #tpu.memory_space<vmem>> -> memref<1x64xi32, #tpu.memory_space<vmem>>
    %dma_wait3A_191 = tpu.memref_squeeze %dma_wait3A_190 : memref<1x64xi32, #tpu.memory_space<vmem>> -> memref<64xi32, #tpu.memory_space<vmem>>
    %dma_wait3A_192 = arith.constant 0 : i32
    %dma_wait3A_193 = arith.constant 0 : i32
    %dma_wait3A_194 = tpu.memref_slice %arg6[%dma_wait3A_192, %dma_wait3A_193] : memref<262144x256xf32, #tpu.memory_space<hbm>> -> memref<262144x256xf32, #tpu.memory_space<hbm>>
    tpu.wait_indirect_dma semaphore(%arg21 : memref<!tpu.dma_semaphore, #tpu.memory_space<semaphore_mem>>) src(%arg9 : memref<64x256xf32, #tpu.memory_space<vmem>>) dst(%dma_wait3A_194 : memref<262144x256xf32, #tpu.memory_space<hbm>>)
    %dma_wait3A_195 = arith.constant 0 : i32
    %dma_wait3A_196 = arith.constant 0 : i32
    %dma_wait3A_197 = tpu.memref_slice %arg11[%dma_wait3A_195, %dma_wait3A_196] : memref<2x64xi32, #tpu.memory_space<vmem>> -> memref<1x64xi32, #tpu.memory_space<vmem>>
    %dma_wait3A_198 = tpu.memref_squeeze %dma_wait3A_197 : memref<1x64xi32, #tpu.memory_space<vmem>> -> memref<64xi32, #tpu.memory_space<vmem>>
    %dma_wait3A_199 = arith.constant 0 : i32
    %dma_wait3A_200 = arith.constant 0 : i32
    %dma_wait3A_201 = tpu.memref_slice %arg6[%dma_wait3A_199, %dma_wait3A_200] : memref<262144x256xf32, #tpu.memory_space<hbm>> -> memref<262144x256xf32, #tpu.memory_space<hbm>>
    tpu.wait_indirect_dma semaphore(%arg20 : memref<!tpu.dma_semaphore, #tpu.memory_space<semaphore_mem>>) src(%arg8 : memref<64x256xf32, #tpu.memory_space<vmem>>) dst(%dma_wait3A_201 : memref<262144x256xf32, #tpu.memory_space<hbm>>)
    return
  }
}

module attributes {stable_mosaic.version = 14 : i64} {
  func.func @_proj_kernel(%arg0: memref<4096x256xf32, #tpu.memory_space<vmem>>, %arg1: memref<256x256xf32, #tpu.memory_space<vmem>>, %arg2: memref<1x256xf32, #tpu.memory_space<vmem>>, %arg3: memref<256x256xf32, #tpu.memory_space<vmem>>, %arg4: memref<1x256xf32, #tpu.memory_space<vmem>>, %arg5: memref<256x256xf32, #tpu.memory_space<vmem>>, %arg6: memref<1x256xf32, #tpu.memory_space<vmem>>, %arg7: memref<4096x256xf32, #tpu.memory_space<vmem>>, %arg8: memref<4096x256xf32, #tpu.memory_space<vmem>>, %arg9: memref<4096x256xf32, #tpu.memory_space<vmem>>, %arg10: memref<4096x128xf32, #tpu.memory_space<vmem>>) attributes {dimension_semantics = [], scalar_prefetch = 0 : i64, scratch_operands = 0 : i64, tpu.core_type = #tpu.core_type<tc>} {
    %get3A = arith.constant 0 : index
    %get3A_0 = arith.constant 0 : index
    %get3A_1 = vector.load %arg0[%get3A, %get3A_0] : memref<4096x256xf32, #tpu.memory_space<vmem>>, vector<4096x256xf32>
    %get3A_2 = arith.constant 0 : index
    %get3A_3 = arith.constant 0 : index
    %get3A_4 = vector.load %arg1[%get3A_2, %get3A_3] : memref<256x256xf32, #tpu.memory_space<vmem>>, vector<256x256xf32>
    %dot_general3A = arith.constant dense<0.000000e+00> : vector<4096x256xf32>
    %dot_general3A_5 = tpu.matmul %get3A_1, %get3A_4, %dot_general3A {dimension_numbers = #tpu.dot_dimension_numbers<[1], [1], [0], [0], [0, 0, 1, 0], [], []>, transpose_lhs_hint = false} : vector<4096x256xf32>, vector<256x256xf32>, vector<4096x256xf32> -> vector<4096x256xf32>
    %get3A_6 = arith.constant 0 : index
    %get3A_7 = arith.constant 0 : index
    %get3A_8 = vector.load %arg2[%get3A_6, %get3A_7] : memref<1x256xf32, #tpu.memory_space<vmem>>, vector<1x256xf32>
    %add3A = vector.broadcast %get3A_8 : vector<1x256xf32> to vector<4096x256xf32>
    %add3A_9 = arith.addf %dot_general3A_5, %add3A : vector<4096x256xf32>
    %tanh3A = math.tanh %add3A_9 : vector<4096x256xf32>
    %get3A_10 = arith.constant 0 : index
    %get3A_11 = arith.constant 0 : index
    %get3A_12 = vector.load %arg3[%get3A_10, %get3A_11] : memref<256x256xf32, #tpu.memory_space<vmem>>, vector<256x256xf32>
    %dot_general3A_13 = arith.constant dense<0.000000e+00> : vector<4096x256xf32>
    %dot_general3A_14 = tpu.matmul %get3A_1, %get3A_12, %dot_general3A_13 {dimension_numbers = #tpu.dot_dimension_numbers<[1], [1], [0], [0], [0, 0, 1, 0], [], []>, transpose_lhs_hint = false} : vector<4096x256xf32>, vector<256x256xf32>, vector<4096x256xf32> -> vector<4096x256xf32>
    %get3A_15 = arith.constant 0 : index
    %get3A_16 = arith.constant 0 : index
    %get3A_17 = vector.load %arg4[%get3A_15, %get3A_16] : memref<1x256xf32, #tpu.memory_space<vmem>>, vector<1x256xf32>
    %add3A_18 = vector.broadcast %get3A_17 : vector<1x256xf32> to vector<4096x256xf32>
    %add3A_19 = arith.addf %dot_general3A_14, %add3A_18 : vector<4096x256xf32>
    %tanh3A_20 = math.tanh %add3A_19 : vector<4096x256xf32>
    %get3A_21 = arith.constant 0 : index
    %get3A_22 = arith.constant 0 : index
    %get3A_23 = vector.load %arg5[%get3A_21, %get3A_22] : memref<256x256xf32, #tpu.memory_space<vmem>>, vector<256x256xf32>
    %dot_general3A_24 = arith.constant dense<0.000000e+00> : vector<4096x256xf32>
    %dot_general3A_25 = tpu.matmul %get3A_1, %get3A_23, %dot_general3A_24 {dimension_numbers = #tpu.dot_dimension_numbers<[1], [1], [0], [0], [0, 0, 1, 0], [], []>, transpose_lhs_hint = false} : vector<4096x256xf32>, vector<256x256xf32>, vector<4096x256xf32> -> vector<4096x256xf32>
    %get3A_26 = arith.constant 0 : index
    %get3A_27 = arith.constant 0 : index
    %get3A_28 = vector.load %arg6[%get3A_26, %get3A_27] : memref<1x256xf32, #tpu.memory_space<vmem>>, vector<1x256xf32>
    %add3A_29 = vector.broadcast %get3A_28 : vector<1x256xf32> to vector<4096x256xf32>
    %add3A_30 = arith.addf %dot_general3A_25, %add3A_29 : vector<4096x256xf32>
    %logistic3A = arith.negf %add3A_30 : vector<4096x256xf32>
    %logistic3A_31 = math.exp %logistic3A : vector<4096x256xf32>
    %logistic3A_32 = arith.constant 1.000000e+00 : f32
    %logistic3A_33 = vector.broadcast %logistic3A_32 : f32 to vector<4096x256xf32>
    %logistic3A_34 = arith.addf %logistic3A_33, %logistic3A_31 : vector<4096x256xf32>
    %logistic3A_35 = arith.divf %logistic3A_33, %logistic3A_34 : vector<4096x256xf32>
    %swap3A = arith.constant 0 : index
    %swap3A_36 = arith.constant 0 : index
    %swap3A_37 = vector.load %arg7[%swap3A, %swap3A_36] : memref<4096x256xf32, #tpu.memory_space<vmem>>, vector<4096x256xf32>
    tpu.vector_store %arg7[%swap3A, %swap3A_36], %logistic3A_35 {strides = array<i32>} : memref<4096x256xf32, #tpu.memory_space<vmem>>, vector<4096x256xf32>,
    %mul3A = arith.mulf %tanh3A, %logistic3A_35 : vector<4096x256xf32>
    %swap3A_38 = arith.constant 0 : index
    %swap3A_39 = arith.constant 0 : index
    %swap3A_40 = vector.load %arg8[%swap3A_38, %swap3A_39] : memref<4096x256xf32, #tpu.memory_space<vmem>>, vector<4096x256xf32>
    tpu.vector_store %arg8[%swap3A_38, %swap3A_39], %mul3A {strides = array<i32>} : memref<4096x256xf32, #tpu.memory_space<vmem>>, vector<4096x256xf32>,
    %mul3A_41 = arith.mulf %tanh3A_20, %logistic3A_35 : vector<4096x256xf32>
    %swap3A_42 = arith.constant 0 : index
    %swap3A_43 = arith.constant 0 : index
    %swap3A_44 = vector.load %arg9[%swap3A_42, %swap3A_43] : memref<4096x256xf32, #tpu.memory_space<vmem>>, vector<4096x256xf32>
    tpu.vector_store %arg9[%swap3A_42, %swap3A_43], %mul3A_41 {strides = array<i32>} : memref<4096x256xf32, #tpu.memory_space<vmem>>, vector<4096x256xf32>,
    %slice3A = vector.extract_strided_slice %logistic3A_35 {offsets = [0, 0], sizes = [4096, 128], strides = [1, 1]} : vector<4096x256xf32> to vector<4096x128xf32>
    %swap3A_45 = arith.constant 0 : index
    %swap3A_46 = arith.constant 0 : index
    %swap3A_47 = vector.load %arg10[%swap3A_45, %swap3A_46] : memref<4096x128xf32, #tpu.memory_space<vmem>>, vector<4096x128xf32>
    tpu.vector_store %arg10[%swap3A_45, %swap3A_46], %slice3A {strides = array<i32>} : memref<4096x128xf32, #tpu.memory_space<vmem>>, vector<4096x128xf32>,
    return
  }
}

module attributes {stable_mosaic.version = 14 : i64} {
  func.func @_keys_kernel(%arg0: i32, %arg1: memref<1xi32, #tpu.memory_space<smem>>, %arg2: memref<64x256xf32, #tpu.memory_space<vmem>>, %arg3: memref<64x256xf32, #tpu.memory_space<vmem>>, %arg4: memref<64x64x256xf32, #tpu.memory_space<vmem>>, %arg5: memref<64x64x256xf32, #tpu.memory_space<vmem>>) attributes {dimension_semantics = [#tpu.dimension_semantics<arbitrary>], iteration_bounds = array<i64: 64>, scalar_prefetch = 0 : i64, scratch_operands = 0 : i64, tpu.core_type = #tpu.core_type<tc>, window_params = [{transform_indices = @transform_0, window_bounds = array<i64: 1>}, {transform_indices = @transform_1, window_bounds = array<i64: 64, 256>}, {transform_indices = @transform_2, window_bounds = array<i64: 64, 256>}, {transform_indices = @transform_3, window_bounds = array<i64: 64, 64, 256>}, {transform_indices = @transform_4, window_bounds = array<i64: 64, 64, 256>}]} {
    %get3A = arith.constant 0 : index
    %get3A_0 = memref.load %arg1[%get3A] : memref<1xi32, #tpu.memory_space<smem>>
    %get3A_1 = arith.constant 0 : index
    %get3A_2 = arith.index_cast %get3A_0 : i32 to index
    %get3A_3 = arith.constant 0 : index
    %get3A_4 = vector.load %arg4[%get3A_1, %get3A_2, %get3A_3] : memref<64x64x256xf32, #tpu.memory_space<vmem>>, vector<64x1x256xf32>
    %get3A_5 = vector.shape_cast %get3A_4 : vector<64x1x256xf32> to vector<64x256xf32>
    %get3A_6 = arith.constant 0 : index
    %get3A_7 = arith.constant 0 : index
    %get3A_8 = arith.constant 0 : index
    %get3A_9 = vector.load %arg4[%get3A_6, %get3A_7, %get3A_8] : memref<64x64x256xf32, #tpu.memory_space<vmem>>, vector<64x64x256xf32>
    %swap3A = arith.constant 0 : index
    %swap3A_10 = arith.constant 0 : index
    %swap3A_11 = arith.constant 0 : index
    %swap3A_12 = vector.load %arg5[%swap3A, %swap3A_10, %swap3A_11] : memref<64x64x256xf32, #tpu.memory_space<vmem>>, vector<64x64x256xf32>
    tpu.vector_store %arg5[%swap3A, %swap3A_10, %swap3A_11], %get3A_9 {strides = array<i32>} : memref<64x64x256xf32, #tpu.memory_space<vmem>>, vector<64x64x256xf32>,
    %get3A_13 = arith.constant 0 : index
    %get3A_14 = arith.constant 0 : index
    %get3A_15 = vector.load %arg2[%get3A_13, %get3A_14] : memref<64x256xf32, #tpu.memory_space<vmem>>, vector<64x256xf32>
    %sub3A = arith.constant 1.000000e+00 : f32
    %sub3A_16 = vector.broadcast %sub3A : f32 to vector<64x256xf32>
    %sub3A_17 = arith.subf %sub3A_16, %get3A_15 : vector<64x256xf32>
    %mul3A = arith.mulf %get3A_5, %sub3A_17 : vector<64x256xf32>
    %get3A_18 = arith.constant 0 : index
    %get3A_19 = arith.constant 0 : index
    %get3A_20 = vector.load %arg3[%get3A_18, %get3A_19] : memref<64x256xf32, #tpu.memory_space<vmem>>, vector<64x256xf32>
    %add3A = arith.addf %mul3A, %get3A_20 : vector<64x256xf32>
    %swap3A_21 = arith.constant 0 : index
    %swap3A_22 = arith.index_cast %get3A_0 : i32 to index
    %swap3A_23 = arith.constant 0 : index
    %swap3A_24 = vector.load %arg5[%swap3A_21, %swap3A_22, %swap3A_23] : memref<64x64x256xf32, #tpu.memory_space<vmem>>, vector<64x1x256xf32>
    %swap3A_25 = vector.shape_cast %swap3A_24 : vector<64x1x256xf32> to vector<64x256xf32>
    %swap3A_26 = vector.shape_cast %add3A : vector<64x256xf32> to vector<64x1x256xf32>
    tpu.vector_store %arg5[%swap3A_21, %swap3A_22, %swap3A_23], %swap3A_26 {strides = array<i32>} : memref<64x64x256xf32, #tpu.memory_space<vmem>>, vector<64x1x256xf32>,
    return
  }
  func.func @transform_0(%arg0: i32) -> i32 {
    %c0_i32 = arith.constant 0 : i32
    %c0_i32_0 = arith.constant 0 : i32
    return %c0_i32 : i32
  }
  func.func @transform_1(%arg0: i32) -> (i32, i32) {
    %c0_i32 = arith.constant 0 : i32
    %c0_i32_0 = arith.constant 0 : i32
    return %arg0, %c0_i32 : i32, i32
  }
  func.func @transform_2(%arg0: i32) -> (i32, i32) {
    %c0_i32 = arith.constant 0 : i32
    %c0_i32_0 = arith.constant 0 : i32
    return %arg0, %c0_i32 : i32, i32
  }
  func.func @transform_3(%arg0: i32) -> (i32, i32, i32) {
    %c0_i32 = arith.constant 0 : i32
    %c0_i32_0 = arith.constant 0 : i32
    %c0_i32_1 = arith.constant 0 : i32
    return %arg0, %c0_i32, %c0_i32_0 : i32, i32, i32
  }
  func.func @transform_4(%arg0: i32) -> (i32, i32, i32) {
    %c0_i32 = arith.constant 0 : i32
    %c0_i32_0 = arith.constant 0 : i32
    %c0_i32_1 = arith.constant 0 : i32
    return %arg0, %c0_i32, %c0_i32_0 : i32, i32, i32
  }
}

</mosaic_0001>

<sc_bundles>
// kernel: kernel.5.cloned.1.call-start
scs
__scs_entry_jumppad:
0x0: {  	(pc) =	sbr.rel $0x88, $3  }
0x1: {  	(tag) =	ssettag $0x0;
	lr =	simm.s32 $0x1  }
0x2: {  	[smem:$0x3F97] =	sst lr;
	_ =	strace $0xD0000000  }
0x3: {  	_ = 	snop  }
0x4: {  	_ = 	snop  }
0x5: {  	_ = 	snop  }
0x6: {  	_ = 	snop  }
0x7: {  	_ = 	snop  }
__scs_overlays_trampoline_lowered:
0x8: {  	[smem:$0x3FA6] =	sst s0  }
0x9: {  	[smem:$0x3FA7] =	sst s1  }
0xa: {  	[smem:$0x3FA8] =	sst s2  }
0xb: {  	[smem:$0x3FA9] =	sst s3  }
0xc: {  	[smem:$0x3FAA] =	sst s4  }
0xd: {  	[smem:$0x3FAB] =	sst s5  }
0xe: {  	[smem:$0x3FAC] =	sst s6  }
0xf: {  	[smem:$0x3FAD] =	sst s7  }
0x10: {  	[smem:$0x3FAE] =	sst s8  }
0x11: {  	[smem:$0x3FAF] =	sst s9;
	s0 =	simm.s32 @!p0 $0x0  }
0x12: {  	s1 =	sld [smem:$0x3F95];
	s0 =	simm.s32 @p0 $0x1  }
0x13: {  	[smem:$0x3FB0] =	sst s0;
	s0 =	simm.s32 @!p1 $0x0  }
0x14: {  	s2 =	sld [smem:$0x3F94];
	s0 =	simm.s32 @p1 $0x1  }
0x15: {  	[smem:$0x3FB1] =	sst s0;
	s0 =	simm.s32 @!p2 $0x0  }
0x16: {  	s3 =	sld [smem:$0x3FDB];
	s0 =	simm.s32 @p2 $0x1  }
0x17: {  	s4 =	simm.s32 $0x1BF5;
	[smem:$0x3FB3] =	sst s0  }
0x18: {  	s0 =	sld [smem:$0x3F96];
	_ =	swait.ge [sflag:s4], $0x0  }
0x19: {  	s7 =	sld [smem:$0x3F97]  }
0x1a: {  	s8 =	sadd.s32 $0xFFFFE003, lr  }
0x1b: {  	s9 =	sadd.s32 $0xFFFFFEF7, lr;
	s5 =	simm.s32 $0xFFFFFFFF;
	p2 =	slt.u32 s8, $0xFFFFF086  }
0x1c: {  	p1 =	slt.u32 s9, $0xF7A;
	s5 =	simm.s32 @!p2 $0x0  }
0x1d: {  	s5 =	simm.s32 @p1 $0x1;
	p0 =	seq.s32 s7, s2  }
0x1e: {  	s7 =	smul.u32 @!p0 $0xF7A, s2;
	p2 =	seq.s32 @!p0 s5, $0x0  }
0x1f: {  	s9 =	smul.u32 $0xF7A, s1;
	s8 =	simm.s32 @!p0 $0x1BF5;
	p2 =	por !p2, p0  }
0x20: {  	[sflag:s8] =	ssyncset.s32 @!p0 $0xFFFFF086;
	s6 =	sadd.s32 @!p0 s3, s7;
	s7 =	simm.s32 @!p0 $0x108  }
0x21: {  	s3 =	sadd.s32 s3, s9;
	s6 =	sadd.s32 @!p0 $0x88, s6;
	s7 =	simm.s32 @p2 $0x1082  }
0x22: {  	[simem:s7], [sflag:s8] =	dma.local @!p0 [hbm:s6], $0xF7A  }
0x23: {  	s9 =	sor.u32 $0xD0000000, s2;
	s6 =	simm.s32 $0x108;
	_ =	swait.ge @!p0 [sflag:s8], $0x0  }
0x24: {  	s3 =	sadd.s32 $0x88, s3;
	s6 =	simm.s32 @!p1 $0x1082;
	[sflag:s4] =	ssyncset.s32 $0xFFFFF086  }
0x25: {  	[simem:s6], [sflag:s4] =	dma.local [hbm:s3], $0xF7A  }
0x26: {  	[smem:$0x3F97] =	sst s1;
	(tag) =	ssettag s2;
	_ =	strace s9  }
0x27: {  	s1 =	sld [smem:$0x3FA7]  }
0x28: {  	s2 =	sld [smem:$0x3FA8]  }
0x29: {  	s4 =	sld [smem:$0x3FAA]  }
0x2a: {  	p0 =	seq.s32 s5, $0x0;
	s5 =	sld [smem:$0x3FAB]  }
0x2b: {  	s6 =	sld [smem:$0x3FAC]  }
0x2c: {  	s7 =	sld [smem:$0x3FAD]  }
0x2d: {  	s3 =	simm.s32 $0x108;
	s8 =	sld [smem:$0x3FAE]  }
0x2e: {  	s3 =	simm.s32 @!p0 $0x1082;
	s9 =	sld [smem:$0x3FAF]  }
0x2f: {  	lr =	sadd.s32 s0, s3;
	s0 =	sld [smem:$0x3FA6]  }
0x30: {  	s3 =	sld [smem:$0x3FA9]  }
0x31: {  	[smem:$0x3FB2] =	sst s10  }
0x32: {  	s10 =	sld [smem:$0x3FB0];
	_ =	sdelay $0x3  }
0x33: {  	p0 =	seq.s32 s10, $0x1;
	s10 =	sld [smem:$0x3FB2];
	_ =	sdelay $0x3  }
0x34: {  	[smem:$0x3FB2] =	sst s10  }
0x35: {  	s10 =	sld [smem:$0x3FB1];
	_ =	sdelay $0x3  }
0x36: {  	p1 =	seq.s32 s10, $0x1;
	s10 =	sld [smem:$0x3FB2];
	_ =	sdelay $0x3  }
0x37: {  	[smem:$0x3FB2] =	sst s10  }
0x38: {  	s10 =	sld [smem:$0x3FB3]  }
0x39: {  	_ = 	snop;
	(pc) =	sbr.ind lr, $3  }
0x3a: {  	_ = 	snop  }
0x3b: {  	_ = 	snop  }
0x3c: {  	p2 =	seq.s32 s10, $0x1;
	s10 =	sld [smem:$0x3FB2]  }
0x3d: {  	_ =	shalt  }
0x3e: {  	_ =	shalt  }
0x3f: {  	_ =	shalt  }
0x40: {  	_ =	shalt  }
0x41: {  	_ =	shalt  }
0x42: {  	_ =	shalt  }
0x43: {  	_ =	shalt  }
0x44: {  	_ =	shalt  }
0x45: {  	_ =	shalt  }
0x46: {  	_ =	shalt  }
0x47: {  	_ =	shalt  }
0x48: {  	_ =	shalt  }
0x49: {  	_ =	shalt  }
0x4a: {  	_ =	shalt  }
0x4b: {  	_ =	shalt  }
0x4c: {  	_ =	shalt  }
0x4d: {  	_ =	shalt  }
0x4e: {  	_ =	shalt  }
0x4f: {  	_ =	shalt  }
0x50: {  	_ =	shalt  }
0x51: {  	_ =	shalt  }
0x52: {  	_ =	shalt  }
0x53: {  	_ =	shalt  }
0x54: {  	_ =	shalt  }
0x55: {  	_ =	shalt  }
0x56: {  	_ =	shalt  }
0x57: {  	_ =	shalt  }
0x58: {  	_ =	shalt  }
0x59: {  	_ =	shalt  }
0x5a: {  	_ =	shalt  }
0x5b: {  	_ =	shalt  }
0x5c: {  	_ =	shalt  }
0x5d: {  	_ =	shalt  }
0x5e: {  	_ =	shalt  }
0x5f: {  	_ =	shalt  }
0x60: {  	_ =	shalt  }
0x61: {  	_ =	shalt  }
0x62: {  	_ =	shalt  }
0x63: {  	_ =	shalt  }
0x64: {  	_ =	shalt  }
0x65: {  	_ =	shalt  }
0x66: {  	_ =	shalt  }
0x67: {  	_ =	shalt  }
0x68: {  	_ =	shalt  }
0x69: {  	_ =	shalt  }
0x6a: {  	_ =	shalt  }
0x6b: {  	_ =	shalt  }
0x6c: {  	_ =	shalt  }
0x6d: {  	_ =	shalt  }
0x6e: {  	_ =	shalt  }
0x6f: {  	_ =	shalt  }
0x70: {  	_ =	shalt  }
0x71: {  	_ =	shalt  }
0x72: {  	_ =	shalt  }
0x73: {  	_ =	shalt  }
0x74: {  	_ =	shalt  }
0x75: {  	_ =	shalt  }
0x76: {  	_ =	shalt  }
0x77: {  	_ =	shalt  }
0x78: {  	_ =	shalt  }
0x79: {  	_ =	shalt  }
0x7a: {  	_ =	shalt  }
0x7b: {  	_ =	shalt  }
0x7c: {  	_ =	shalt  }
0x7d: {  	_ =	shalt  }
0x7e: {  	_ =	shalt  }
0x7f: {  	_ =	shalt  }
0x80: {  	_ =	shalt  }
0x81: {  	_ =	shalt  }
0x82: {  	_ =	shalt  }
0x83: {  	_ =	shalt  }
0x84: {  	_ =	shalt  }
0x85: {  	_ =	shalt  }
0x86: {  	_ =	shalt  }
0x87: {  	_ =	shalt  }
.Lfunc_end0:
.L_simem_size_0:
called_computation_lowered:
.L_overlay_start_0:
0x88: {  	s2 =	sld [smem:$0x3FD9]  }
0x89: {  	s3 =	sld [smem:$0x3FFE];
	_ =	sdelay $0x1  }
0x8a: {  	s1 =	srdreg.scid  }
0x8b: {  	s0 =	sand.u32 $0x1, s1  }
0x8c: {  	s14 =	sshll.u32 s0, $0xA;
	s2 =	sadd.s32 s3, s2  }
0x8d: {  	s2 =	sadd.s32 s2, s14  }
0x8e: {  	[smem:$0x3FBE] =	sst s2  }
0x8f: {  	_ = 	snop  }
0x90: {  	s2 =	sld [smem:$0x3FD0];
	_ =	sdelay $0x2  }
0x91: {  	s4 =	simm.s32 $0xA;
	s5 =	simm.s32 $0x10;
	s15 =	sld [smem:$0x3FC7]  }
0x92: {  	[smem:s5], [sflag:s4] =	dma.local [hbm:s2], $0x1  }
0x93: {  	_ =	swait.eq [sflag:s4], $0x1  }
0x94: {  	[sflag:s4] =	ssyncset.done $0x0  }
0x95: {  	[sflag:s4] =	ssyncadd.s32 $0xFFFFFFFF  }
0x96: {  	s16 =	sld [smem:$0x11];
	(tm) =	ssettm $0x1  }
0x97: {  	s17 =	sld [smem:$0x3FFB];
	_ =	sdelay $0x3  }
0x98: {  	_ =	strace s17  }
0x99: {  	s4 =	sld [smem:$0x3FFC];
	_ =	sdelay $0x3  }
0x9a: {  	_ =	strace s4  }
0x9b: {  	s4 =	sld [smem:$0x3FFD];
	_ =	sdelay $0x3  }
0x9c: {  	_ =	strace s4  }
0x9d: {  	_ =	strace $0x8FFFFFFF  }
0x9e: {  	s18 =	sld [smem:$0x3FDB];
	_ =	sdelay $0x1  }
0x9f: {  	s19 =	simm.s32 $_scs_section_size  }
0xa0: {  	s6 =	simm.s32 $_size__tile_overlayer_lowered;
	s7 =	simm.s32 $_tile_overlayer_lowered  }
0xa1: {  	s22 =	simm.s32 $0x1BFF;
	s21 =	sshll.u32 s7, $0x1;
	s4 =	sadd.s32 s19, s18  }
0xa2: {  	s8 =	simm.s32 $0x0;
	s20 =	sshll.u32 s6, $0x1;
	s6 =	sadd.s32 s21, s4  }
0xa3: {  	[timem:s8], [sflag:s22] =	dma.local [hbm:s6], s20  }
0xa4: {  	_ =	swait.ge [sflag:s22], s20  }
0xa5: {  	s5 =	ssub.s32 $0x0, s20;
	[sflag:s22] =	ssyncset.done $0x0  }
0xa6: {  	[sflag:s22] =	ssyncadd.s32 s5;
	_ =	sdelay $0x1  }
0xa7: {  	s23 =	simm.s32 $0x1B8B  }
0xa8: {  	_ =	swait.ge [sflag:s23], $0x1  }
0xa9: {  	[sflag:s23] =	ssyncset.done $0x0  }
0xaa: {  	s25 =	simm.s32 $0x1B8E;
	s24 =	sld [smem:$0x3FFE];
	[sflag:s23] =	ssyncadd.s32 $0xFFFFFFFF  }
0xab: {  	s26 =	simm.s32 $execute0_lowered;
	[smem:$0x3FD2] =	sst s25  }
0xac: {  	s6 =	sshll.u32 s26, $0x1;
	_ =	strace $0x80000046;
	[dreg:$0x1] =	wrdreg $0xFFFFFFFF  }
0xad: {  	s28 =	simm.s32 $_size_execute0_lowered;
	s4 =	sadd.s32 s4, s6;
	[dreg:$0x0] =	wrdreg $0x0  }
0xae: {  	s6 =	sshll.u32 s28, $0x1;
	[dreg:$0x2] =	wrdreg s4  }
0xaf: {  	[dreg:$0x3] =	wrdreg s6  }
0xb0: {  	[dreg:$0x4] =	wrdreg $0xC0  }
0xb1: {  	_ =	task [dreg:s8], $0x5FFFF  }
0xb2: {  	[dreg:$0x1] =	wrdreg $0xFFFFFFFF  }
0xb3: {  	[dreg:$0x0] =	wrdreg $0x60  }
0xb4: {  	[dreg:$0x2] =	wrdreg s15  }
0xb5: {  	[dreg:$0x3] =	wrdreg s24  }
0xb6: {  	[dreg:$0x4] =	wrdreg s16  }
0xb7: {  	[dreg:$0x5] =	wrdreg $0x0  }
0xb8: {  	[dreg:$0x6] =	wrdreg $0x9  }
0xb9: {  	_ =	task.clear_ibuf [dreg:s8], $0x7FFFF;
	_ =	strace $0x90000046  }
0xba: {  	s29 =	simm.s32 $0x9;
	_ =	strace $0x80000048  }
0xbb: {  	_ =	swait.ge [sflag:s29], $0x1  }
0xbc: {  	[sflag:s29] =	ssyncadd.s32 $0xFFFFFFFF  }
0xbd: {  	_ =	strace $0x90000048  }
0xbe: {  	_ =	sfence  }
0xbf: {  	s30 =	sld [smem:$0x0];
	_ =	sdelay $0x2  }
0xc0: {  	s31 =	sshll.u32 s1, $0xD;
	s1 =	sshrl.u32 s1, $0x2  }
0xc1: {  	s3 =	sand.u32 $0x4000, s31;
	s1 =	sadd.s32 s1, s30  }
0xc2: {  	s0 =	sor.u32 s3, s0;
	s1 =	sshll.u32 s1, $0x11  }
0xc3: {  	s0 =	sor.u32 s1, s0  }
0xc4: {  	s0 =	sadd.s32 $0x8F2B, s0  }
0xc5: {  	[sflag:s0] =	ssyncadd.remote.s32 $0x1  }
0xc6: {  	_ =	sfence.sel $0xFFFF  }
0xc7: {  	[dreg:$0x0] =	wrdreg $0xFFFFFFFF;
	(pc) =	sbr.abs _section_cstart, $3  }
0xc8: {  	[dreg:$0x1] =	wrdreg $0xFFFFFFFF  }
0xc9: {  	_ =	task.clear_ibuf [dreg:s8], $0x2FFFF;
	_ =	strace $0x9FFFFFFF  }
0xca: {  	(tm) =	ssettm $0x7FFFFFFF  }
0xcb: {  	_ =	shalt  }
tec
execute0_lowered:
.L_overlay_start_1:
0x0: {  	(tag) =	ssettag $0x1  }
0x1: {  	s1 =	rddreg [dreg:$0x0]  }
0x2: {  	s0 =	rddreg [dreg:$0x1]  }
0x3: {  	s2 =	rddreg [dreg:$0x2]  }
0x4: {  	s3 =	rddreg [dreg:$0x3];
	s4 =	simm.s32 $0x0;
	s5 =	srdreg.scid  }
0x5: {  	s13 =	stileid.u32;
	s28 =	simm.s32 $0x12000;
	s29 =	simm.s32 $0x12800  }
0x6: {  	s30 =	simm.s32 $0x2;
	s31 =	simm.s32 $0x3;
	[smem:$0x7FF] =	sst s4  }
0x7: {  	s5 =	sand.u32 $0x1, s5;
	s6 =	sshll.u32 s13, $0x1;
	s9 =	sadd.s32 $0x1E00, s0  }
0x8: {  	s10 =	sadd.s32 $0x21E00, s0;
	s23 =	sshll.u32 s13, $0x10;
	s24 =	sshll.u32 s13, $0x6  }
0x9: {  	s20 =	sshll.u32 s13, $0x13;
	_ =	strace $0x80000047;
	s6 =	sor.u32 s5, s6  }
0xa: {  	s8 =	ssub.s32 $0x2, s5;
	s3 =	sadd.s32 s23, s3;
	[dreg:$0x19] =	wrdreg s24  }
0xb: {  	s5 =	sshll.u32 s5, $0x12;
	s15 =	sadd.s32 $0x4000, s3;
	[dreg:$0x7] =	wrdreg s3  }
0xc: {  	s7 =	sshll.u32 s6, $0x5;
	s26 =	sadd.s32 $0x8000, s3;
	[dreg:$0x9] =	wrdreg s15  }
0xd: {  	s12 =	sshll.u32 s6, $0x12;
	s3 =	sadd.s32 $0xC000, s3;
	[dreg:$0xb] =	wrdreg s26  }
0xe: {  	s16 =	sshll.u32 s6, $0xC;
	s14 =	sadd.s32 s1, s12;
	[dreg:$0xd] =	wrdreg s3  }
0xf: {  	s22 =	sshrl.u32 s8, $0x1;
	s17 =	sadd.s32 s9, s16;
	[dreg:$0x8] =	wrdreg s14  }
0x10: {  	s0 =	sadd.s32 s7, s0;
	s18 =	sadd.s32 s10, s16;
	[dreg:$0x10] =	wrdreg s17  }
0x11: {  	s11 =	ssub.s32 s8, s22;
	s21 =	sadd.s32 s2, s12;
	[dreg:$0x11] =	wrdreg s18  }
0x12: {  	s8 =	sor.u32 $0x1C01, s24;
	s25 =	sadd.s32 $0x800, s14;
	[dreg:$0x14] =	wrdreg s21  }
0x13: {  	s22 =	sadd.s32 s20, s1;
	s7 =	sadd.s32 $0x1000, s14;
	[dreg:$0xa] =	wrdreg s25  }
0x14: {  	s12 =	simm.s32 $0x0;
	s15 =	sadd.s32 $0x1800, s14;
	[dreg:$0xc] =	wrdreg s7  }
0x15: {  	s0 =	sadd.s32 $0x1A00, s0;
	s23 =	sadd.s32 $0x3F000, s21;
	[dreg:$0xe] =	wrdreg s15  }
0x16: {  	s3 =	sadd.s32 s5, s22;
	s24 =	sadd.s32 $0x3F800, s21;
	[dreg:$0xf] =	wrdreg s0  }
0x17: {  	s26 =	sadd.s32 $0x800, s21;
	s17 =	simm.s32 $0x10800;
	[dreg:$0x15] =	wrdreg s23  }
0x18: {  	s21 =	simm.s32 $0x11800;
	s18 =	simm.s32 $0x1;
	[dreg:$0x5] =	wrdreg s3  }
0x19: {  	s0 =	sor.u32 $0x800, s16;
	[dreg:$0x16] =	wrdreg s24;
	s25 =	smax.u32 s11, $0x1  }
0x1a: {  	[dreg:$0x18] =	wrdreg s26;
	s26 =	simm.s32 $0xB;
	s11 =	simm.s32 $0x10000  }
0x1b: {  	s7 =	simm.s32 $0x9;
	s3 =	simm.s32 $0x4;
	s19 =	sadd.s32 s9, s0  }
0x1c: {  	s0 =	sadd.s32 s10, s0;
	[dreg:$0x17] =	wrdreg s25;
	s25 =	simm.s32 $0x7  }
0x1d: {  	v2 =	vlaneseq.u32;
	s9 =	simm.s32 $0x8;
	[dreg:$0x13] =	wrdreg s0;
	s0 =	sadd.s32 s20, s2  }
0x1e: {  	vm0 =	vmmov $0xffff;
	v1 =	vshrl.u32 v2, $0x3;
	[dreg:$0x12] =	wrdreg s19;
	s20 =	simm.s32 $0x11000;
	s0 =	sadd.s32 s5, s0  }
0x1f: {  	v0 =	vand.u32 $0x7, v2;
	v2 =	vor.u32 $0x8, v2;
	v1 =	vmul.u32 $0x8, v1;
	s19 =	simm.s32 $0x5;
	[dreg:$0x6] =	wrdreg s0;
	s0 =	simm.s32 $0x6  }
.LBB2_1:
0x20: {  	s5 =	rddreg [dreg:$0x7]  }
0x21: {  	s15 =	rddreg [dreg:$0x8];
	s22 =	sshrl.u32 s5, $0x3  }
0x22: {  	[spmem:s22], [sflag:s8] =	dma.local [hbm:s15], $0x800  }
0x23: {  	s6 =	rddreg [dreg:$0x19]  }
0x24: {  	s5 =	rddreg [dreg:$0x9]  }
0x25: {  	s16 =	rddreg [dreg:$0xa];
	s23 =	sor.u32 $0x1C02, s6;
	s15 =	sshrl.u32 s5, $0x3  }
0x26: {  	[spmem:s15], [sflag:s23] =	dma.local [hbm:s16], $0x800  }
0x27: {  	s5 =	rddreg [dreg:$0xb]  }
0x28: {  	s16 =	sor.u32 $0x1C03, s6;
	s24 =	rddreg [dreg:$0xc];
	s14 =	sshrl.u32 s5, $0x3  }
0x29: {  	[spmem:s14], [sflag:s16] =	dma.local [hbm:s24], $0x800  }
0x2a: {  	s5 =	rddreg [dreg:$0xd]  }
0x2b: {  	s24 =	sor.u32 $0x1C04, s6;
	s10 =	rddreg [dreg:$0xe];
	s13 =	sshrl.u32 s5, $0x3  }
0x2c: {  	[spmem:s13], [sflag:s24] =	dma.local [hbm:s10], $0x800  }
0x2d: {  	s6 =	simm.s32 $0x1C000;
	s5 =	rddreg [dreg:$0xf]  }
0x2e: {  	[tilespmem:s6], [sflag:$0xB] =	stream.linear.gather [hbm4b:s5+s4], $0x100, $0x38;
	[tilespmem:$0x1C100] =	vst v63  }
0x2f: {  	_ =	swait.ge [sflag:s26], $0x100  }
0x30: {  	[sflag:s26] =	ssyncset.done $0x0  }
0x31: {  	[sflag:s26] =	ssyncadd.s32 $0xFFFFFF00  }
0x32: {  	v3 =	vld [tilespmem:$0x1C000];
	_ =	sdelay $0x4  }
0x33: {  	v4 =	vshll.u32 v3, $0x1  }
0x34: {  	v3 =	vand.u32 $0x7, v3;
	v4 =	vand.u32 $0xFFFFFFF0, v4  }
0x35: {  	v3 =	vor.u32 v3, v4  }
0x36: {  	v4 =	vperm.xlane v3, v0;
	_ =	sdelay $0x1  }
0x37: {  	v3 =	vperm.xlane v3, v2;
	v4 =	vadd.s32 v1, v4;
	_ =	sdelay $0x1  }
0x38: {  	v3 =	vadd.s32 v1, v3;
	_ =	sdelay $0x2  }
0x39: {  	[tilespmem:s11], [sflag:$0x9] =	stream.indirect_vreg.gather [hbm4b:s1+s4], $0x80, v4, vm0, $0xb8;
	[tilespmem:$0x1C100] =	vst v63  }
0x3a: {  	_ = 	snop  }
0x3b: {  	[tilespmem:s17], [sflag:$0x9] =	stream.indirect_vreg.gather [hbm4b:s1+s4], $0x80, v3, vm0, $0xb8;
	[tilespmem:$0x1C100] =	vst v63  }
0x3c: {  	v3 =	vld [tilespmem:$0x1C010];
	_ =	sdelay $0x4  }
0x3d: {  	v4 =	vshll.u32 v3, $0x1  }
0x3e: {  	v3 =	vand.u32 $0x7, v3;
	v4 =	vand.u32 $0xFFFFFFF0, v4  }
0x3f: {  	v3 =	vor.u32 v3, v4  }
0x40: {  	v4 =	vperm.xlane v3, v0;
	_ =	sdelay $0x1  }
0x41: {  	v3 =	vperm.xlane v3, v2;
	v4 =	vadd.s32 v1, v4;
	_ =	sdelay $0x1  }
0x42: {  	v3 =	vadd.s32 v1, v3;
	_ =	sdelay $0x2  }
0x43: {  	[tilespmem:s20], [sflag:$0x9] =	stream.indirect_vreg.gather [hbm4b:s1+s4], $0x80, v4, vm0, $0xb8;
	[tilespmem:$0x1C100] =	vst v63  }
0x44: {  	_ = 	snop  }
0x45: {  	[tilespmem:s21], [sflag:$0x9] =	stream.indirect_vreg.gather [hbm4b:s1+s4], $0x80, v3, vm0, $0xb8;
	[tilespmem:$0x1C100] =	vst v63  }
0x46: {  	v3 =	vld [tilespmem:$0x1C020];
	_ =	sdelay $0x4  }
0x47: {  	v4 =	vshll.u32 v3, $0x1  }
0x48: {  	v3 =	vand.u32 $0x7, v3;
	v4 =	vand.u32 $0xFFFFFFF0, v4  }
0x49: {  	v3 =	vor.u32 v3, v4  }
0x4a: {  	v4 =	vperm.xlane v3, v0;
	_ =	sdelay $0x1  }
0x4b: {  	v3 =	vperm.xlane v3, v2;
	v4 =	vadd.s32 v1, v4;
	_ =	sdelay $0x1  }
0x4c: {  	v3 =	vadd.s32 v1, v3;
	_ =	sdelay $0x2  }
0x4d: {  	[tilespmem:s28], [sflag:$0x9] =	stream.indirect_vreg.gather [hbm4b:s1+s4], $0x80, v4, vm0, $0xb8;
	[tilespmem:$0x1C100] =	vst v63  }
0x4e: {  	_ = 	snop  }
0x4f: {  	[tilespmem:s29], [sflag:$0x9] =	stream.indirect_vreg.gather [hbm4b:s1+s4], $0x80, v3, vm0, $0xb8;
	[tilespmem:$0x1C100] =	vst v63  }
0x50: {  	v3 =	vld [tilespmem:$0x1C030];
	_ =	sdelay $0x4  }
0x51: {  	v4 =	vshll.u32 v3, $0x1  }
0x52: {  	v3 =	vand.u32 $0x7, v3;
	v4 =	vand.u32 $0xFFFFFFF0, v4  }
0x53: {  	v3 =	vor.u32 v3, v4  }
0x54: {  	v4 =	vperm.xlane v3, v0;
	_ =	sdelay $0x1  }
0x55: {  	v3 =	vperm.xlane v3, v2;
	v4 =	vadd.s32 v1, v4;
	_ =	sdelay $0x1  }
0x56: {  	v3 =	vadd.s32 v1, v3;
	_ =	sdelay $0x1  }
0x57: {  	s10 =	simm.s32 $0x13000  }
0x58: {  	[tilespmem:s10], [sflag:$0x9] =	stream.indirect_vreg.gather [hbm4b:s1+s4], $0x80, v4, vm0, $0xb8;
	[tilespmem:$0x1C100] =	vst v63  }
0x59: {  	s10 =	simm.s32 $0x13800  }
0x5a: {  	[tilespmem:s10], [sflag:$0x9] =	stream.indirect_vreg.gather [hbm4b:s1+s4], $0x80, v3, vm0, $0xb8;
	[tilespmem:$0x1C100] =	vst v63  }
0x5b: {  	_ =	swait.ge [sflag:s7], $0x4000  }
0x5c: {  	[sflag:s7] =	ssyncset.done $0x0  }
0x5d: {  	s17 =	rddreg [dreg:$0x10];
	[sflag:s7] =	ssyncadd.s32 $0xFFFFC000;
	s7 =	simm.s32 $0x18000  }
0x5e: {  	[tilespmem:s7], [sflag:$0xB] =	stream.linear.gather [hbm4b:s17+s4], $0x4000, $0x38;
	[tilespmem:$0x1C100] =	vst v63  }
0x5f: {  	_ =	swait.ge [sflag:s26], $0x4000  }
0x60: {  	s20 =	sand.u32 $0x3800, s4;
	s21 =	sand.u32 $0x380, s4;
	[sflag:s26] =	ssyncset.done $0x0  }
0x61: {  	s17 =	sor.u32 s21, s20;
	[sflag:s26] =	ssyncadd.s32 $0xFFFFC000  }
0x62: {  	v10 =	vld [tilespmem:s17+$0x18000]  }
0x63: {  	v11 =	vld [tilespmem:s17+$0x18010]  }
0x64: {  	v12 =	vld [tilespmem:s17+$0x18020]  }
0x65: {  	v13 =	vld [tilespmem:s17+$0x18030]  }
0x66: {  	v14 =	vld [tilespmem:s17+$0x18040]  }
0x67: {  	v15 =	vld [tilespmem:s17+$0x18050]  }
0x68: {  	v16 =	vld [tilespmem:s17+$0x18060]  }
0x69: {  	v17 =	vld [tilespmem:s17+$0x18070]  }
0x6a: {  	v19 =	vld [tilespmem:s17+$0x18400]  }
0x6b: {  	v9 =	vld [tilespmem:s17+$0x18410]  }
0x6c: {  	v8 =	vld [tilespmem:s17+$0x18420]  }
0x6d: {  	v7 =	vld [tilespmem:s17+$0x18430]  }
0x6e: {  	v6 =	vld [tilespmem:s17+$0x18440]  }
0x6f: {  	v5 =	vld [tilespmem:s17+$0x18450]  }
0x70: {  	v4 =	vld [tilespmem:s17+$0x18460]  }
0x71: {  	v3 =	vld [tilespmem:s17+$0x18470]  }
0x72: {  	v18 =	vld [tilespmem:s17+$0x10000]  }
0x73: {  	v20 =	vld [tilespmem:s17+$0x10010]  }
0x74: {  	v21 =	vld [tilespmem:s17+$0x10020]  }
0x75: {  	v22 =	vld [tilespmem:s17+$0x10030];
	v10 =	vsub.f32 $1.000000000e+00, v10  }
0x76: {  	v23 =	vld [tilespmem:s17+$0x10040];
	v11 =	vsub.f32 $1.000000000e+00, v11  }
0x77: {  	v12 =	vsub.f32 $1.000000000e+00, v12;
	v10 =	vmul.f32 v10, v18;
	v18 =	vld [tilespmem:s17+$0x10050]  }
0x78: {  	v24 =	vld [tilespmem:s17+$0x10060];
	v11 =	vmul.f32 v11, v20;
	v20 =	vsub.f32 $1.000000000e+00, v13  }
0x79: {  	v13 =	vld [tilespmem:s17+$0x10070];
	[tilespmem:s17+$0x10000] =	vst v10;
	v10 =	vmul.f32 v12, v21;
	v12 =	vsub.f32 $1.000000000e+00, v14  }
0x7a: {  	v15 =	vsub.f32 $1.000000000e+00, v15;
	[tilespmem:s17+$0x10010] =	vst v11;
	v11 =	vmul.f32 v20, v22;
	v14 =	vld [tilespmem:s17+$0x10400]  }
0x7b: {  	v16 =	vsub.f32 $1.000000000e+00, v16;
	[tilespmem:s17+$0x10020] =	vst v10;
	v20 =	vmul.f32 v12, v23;
	v12 =	vld [tilespmem:s17+$0x10410]  }
0x7c: {  	[tilespmem:s17+$0x10030] =	vst v11;
	v10 =	vld [tilespmem:s17+$0x10420];
	v15 =	vmul.f32 v15, v18;
	v18 =	vsub.f32 $1.000000000e+00, v17  }
0x7d: {  	s11 =	simm.s32 $0x9;
	s28 =	simm.s32 $0x100;
	s29 =	simm.s32 $0x0;
	v16 =	vmul.f32 v16, v24;
	v11 =	vld [tilespmem:s17+$0x10430];
	v17 =	vsub.f32 $1.000000000e+00, v19;
	[tilespmem:s17+$0x10040] =	vst v20  }
.LBB2_2:
0x7e: {  	p0 =	sne.s32 s28, $0x3F00;
	[tilespmem:s17+$0x10050] =	vst v15;
	v13 =	vmul.f32 v18, v13;
	v9 =	vsub.f32 $1.000000000e+00, v9;
	v15 =	vld [tilespmem:s17+$0x10440]  }
0x7f: {  	v8 =	vsub.f32 $1.000000000e+00, v8;
	s29 =	sadd.s32 $0x80, s29;
	[tilespmem:s17+$0x10060] =	vst v16;
	v14 =	vmul.f32 v17, v14;
	v16 =	vld [tilespmem:s17+$0x10450]  }
0x80: {  	s5 =	sand.u32 $0x3800, s28;
	v7 =	vsub.f32 $1.000000000e+00, v7;
	s6 =	sand.u32 $0x380, s29;
	[tilespmem:s17+$0x10070] =	vst v13;
	v9 =	vmul.f32 v9, v12;
	v12 =	vld [tilespmem:s17+$0x10460]  }
0x81: {  	v6 =	vsub.f32 $1.000000000e+00, v6;
	s5 =	sor.u32 s6, s5;
	[tilespmem:s17+$0x10400] =	vst v14;
	v8 =	vmul.f32 v8, v10;
	v10 =	vld [tilespmem:s17+$0x10470]  }
0x82: {  	v5 =	vsub.f32 $1.000000000e+00, v5;
	v13 =	vld [tilespmem:s5+$0x18000];
	[tilespmem:s17+$0x10410] =	vst v9;
	v7 =	vmul.f32 v7, v11  }
0x83: {  	v4 =	vsub.f32 $1.000000000e+00, v4;
	v11 =	vld [tilespmem:s5+$0x18010];
	[tilespmem:s17+$0x10420] =	vst v8;
	v6 =	vmul.f32 v6, v15  }
0x84: {  	v3 =	vsub.f32 $1.000000000e+00, v3;
	v14 =	vld [tilespmem:s5+$0x18020];
	[tilespmem:s17+$0x10430] =	vst v7;
	v5 =	vmul.f32 v5, v16  }
0x85: {  	v15 =	vld [tilespmem:s5+$0x18030];
	[tilespmem:s17+$0x10440] =	vst v6;
	v4 =	vmul.f32 v4, v12  }
0x86: {  	v12 =	vld [tilespmem:s5+$0x18040];
	[tilespmem:s17+$0x10450] =	vst v5;
	v3 =	vmul.f32 v3, v10  }
0x87: {  	v10 =	vld [tilespmem:s5+$0x18050];
	[tilespmem:s17+$0x10460] =	vst v4  }
0x88: {  	v16 =	vld [tilespmem:s5+$0x18060];
	[tilespmem:s17+$0x10470] =	vst v3;
	s17 =	smov.u32 s5  }
0x89: {  	v17 =	vld [tilespmem:s17+$0x18070]  }
0x8a: {  	v19 =	vld [tilespmem:s17+$0x18400]  }
0x8b: {  	v9 =	vld [tilespmem:s17+$0x18410]  }
0x8c: {  	v8 =	vld [tilespmem:s17+$0x18420]  }
0x8d: {  	v7 =	vld [tilespmem:s17+$0x18430]  }
0x8e: {  	v6 =	vld [tilespmem:s17+$0x18440]  }
0x8f: {  	v5 =	vld [tilespmem:s17+$0x18450]  }
0x90: {  	v4 =	vld [tilespmem:s17+$0x18460]  }
0x91: {  	v3 =	vld [tilespmem:s17+$0x18470]  }
0x92: {  	v18 =	vld [tilespmem:s17+$0x10000]  }
0x93: {  	v20 =	vld [tilespmem:s17+$0x10010]  }
0x94: {  	v21 =	vld [tilespmem:s17+$0x10020]  }
0x95: {  	v13 =	vsub.f32 $1.000000000e+00, v13;
	v22 =	vld [tilespmem:s17+$0x10030]  }
0x96: {  	v11 =	vsub.f32 $1.000000000e+00, v11;
	v23 =	vld [tilespmem:s17+$0x10040]  }
0x97: {  	v14 =	vsub.f32 $1.000000000e+00, v14;
	v13 =	vmul.f32 v13, v18;
	v18 =	vld [tilespmem:s17+$0x10050]  }
0x98: {  	v15 =	vsub.f32 $1.000000000e+00, v15;
	v11 =	vmul.f32 v11, v20;
	v20 =	vld [tilespmem:s17+$0x10060]  }
.Ltmp0:
0x99: {  	v12 =	vsub.f32 $1.000000000e+00, v12;
	[tilespmem:s17+$0x10000] =	vst v13;
	v21 =	vmul.f32 v14, v21;
	v13 =	vld [tilespmem:s17+$0x10070];
	(pc) =	sbr.rel @p0 .LBB2_2-.Ltmp0, $4  }
0x9a: {  	v10 =	vsub.f32 $1.000000000e+00, v10;
	[tilespmem:s17+$0x10010] =	vst v11;
	v11 =	vmul.f32 v15, v22;
	v14 =	vld [tilespmem:s17+$0x10400]  }
0x9b: {  	v16 =	vsub.f32 $1.000000000e+00, v16;
	[tilespmem:s17+$0x10020] =	vst v21;
	v21 =	vmul.f32 v12, v23;
	v12 =	vld [tilespmem:s17+$0x10410]  }
0x9c: {  	[tilespmem:s17+$0x10030] =	vst v11;
	v15 =	vmul.f32 v10, v18;
	v18 =	vsub.f32 $1.000000000e+00, v17;
	v10 =	vld [tilespmem:s17+$0x10420]  }
0x9d: {  	s28 =	sadd.s32 $0x100, s28;
	v17 =	vsub.f32 $1.000000000e+00, v19;
	[tilespmem:s17+$0x10040] =	vst v21;
	v16 =	vmul.f32 v16, v20;
	v11 =	vld [tilespmem:s17+$0x10430]  }
0x9e: {  	[tilespmem:s17+$0x10050] =	vst v15;
	v13 =	vmul.f32 v18, v13;
	v9 =	vsub.f32 $1.000000000e+00, v9;
	v15 =	vld [tilespmem:s17+$0x10440]  }
0x9f: {  	v8 =	vsub.f32 $1.000000000e+00, v8;
	[tilespmem:s17+$0x10060] =	vst v16;
	v14 =	vmul.f32 v17, v14;
	v16 =	vld [tilespmem:s17+$0x10450]  }
0xa0: {  	v7 =	vsub.f32 $1.000000000e+00, v7;
	[tilespmem:s17+$0x10070] =	vst v13;
	v9 =	vmul.f32 v9, v12;
	v12 =	vld [tilespmem:s17+$0x10460]  }
0xa1: {  	v6 =	vsub.f32 $1.000000000e+00, v6;
	[tilespmem:s17+$0x10400] =	vst v14;
	v8 =	vmul.f32 v8, v10;
	v10 =	vld [tilespmem:s17+$0x10470]  }
0xa2: {  	v5 =	vsub.f32 $1.000000000e+00, v5;
	[tilespmem:s17+$0x10410] =	vst v9;
	v7 =	vmul.f32 v7, v11  }
0xa3: {  	v4 =	vsub.f32 $1.000000000e+00, v4;
	[tilespmem:s17+$0x10420] =	vst v8;
	v6 =	vmul.f32 v6, v15  }
0xa4: {  	v3 =	vsub.f32 $1.000000000e+00, v3;
	[tilespmem:s17+$0x10430] =	vst v7;
	v5 =	vmul.f32 v5, v16  }
0xa5: {  	[tilespmem:s17+$0x10440] =	vst v6;
	v4 =	vmul.f32 v4, v12  }
0xa6: {  	[tilespmem:s17+$0x10450] =	vst v5;
	v3 =	vmul.f32 v3, v10  }
0xa7: {  	[tilespmem:s17+$0x10460] =	vst v4  }
0xa8: {  	s5 =	simm.s32 $0x0;
	s6 =	rddreg [dreg:$0x11];
	[tilespmem:s17+$0x10470] =	vst v3  }
0xa9: {  	[tilespmem:s7], [sflag:$0xB] =	stream.linear.gather [hbm4b:s6+s5], $0x4000, $0x38;
	[tilespmem:$0x1C100] =	vst v63  }
0xaa: {  	_ =	swait.ge [sflag:s26], $0x4000  }
0xab: {  	s29 =	sand.u32 $0x3800, s5;
	s5 =	sand.u32 $0x380, s5;
	[sflag:s26] =	ssyncset.done $0x0  }
0xac: {  	s17 =	sor.u32 s5, s29;
	[sflag:s26] =	ssyncadd.s32 $0xFFFFC000  }
0xad: {  	v10 =	vld [tilespmem:s17+$0x18000]  }
0xae: {  	v11 =	vld [tilespmem:s17+$0x18010]  }
0xaf: {  	v12 =	vld [tilespmem:s17+$0x18020]  }
0xb0: {  	v13 =	vld [tilespmem:s17+$0x18030]  }
0xb1: {  	v14 =	vld [tilespmem:s17+$0x18040]  }
0xb2: {  	v15 =	vld [tilespmem:s17+$0x18050]  }
0xb3: {  	v16 =	vld [tilespmem:s17+$0x18060]  }
0xb4: {  	v17 =	vld [tilespmem:s17+$0x18070]  }
0xb5: {  	v18 =	vld [tilespmem:s17+$0x18400]  }
0xb6: {  	v9 =	vld [tilespmem:s17+$0x18410]  }
0xb7: {  	v8 =	vld [tilespmem:s17+$0x18420]  }
0xb8: {  	v7 =	vld [tilespmem:s17+$0x18430]  }
0xb9: {  	v6 =	vld [tilespmem:s17+$0x18440]  }
0xba: {  	v5 =	vld [tilespmem:s17+$0x18450]  }
0xbb: {  	v4 =	vld [tilespmem:s17+$0x18460]  }
0xbc: {  	v3 =	vld [tilespmem:s17+$0x18470]  }
0xbd: {  	v19 =	vld [tilespmem:s17+$0x10000]  }
0xbe: {  	v20 =	vld [tilespmem:s17+$0x10010]  }
0xbf: {  	v21 =	vld [tilespmem:s17+$0x10020]  }
0xc0: {  	v22 =	vld [tilespmem:s17+$0x10030]  }
0xc1: {  	v23 =	vld [tilespmem:s17+$0x10040]  }
0xc2: {  	v10 =	vadd.f32 v10, v19;
	v19 =	vld [tilespmem:s17+$0x10050]  }
0xc3: {  	v61 =	vld [tilespmem:s17+$0x10060];
	v11 =	vadd.f32 v11, v20  }
0xc4: {  	v62 =	vld [tilespmem:s17+$0x10070];
	[tilespmem:s17+$0x10000] =	vst v10;
	v10 =	vadd.f32 v12, v21  }
0xc5: {  	v63 =	vld [tilespmem:s17+$0x10400];
	[tilespmem:s17+$0x10010] =	vst v11;
	v11 =	vadd.f32 v13, v22  }
0xc6: {  	v13 =	vld [tilespmem:s17+$0x10410];
	[tilespmem:s17+$0x10020] =	vst v10;
	v10 =	vadd.f32 v14, v23  }
0xc7: {  	v12 =	vld [tilespmem:s17+$0x10420];
	[tilespmem:s17+$0x10030] =	vst v11;
	v11 =	vadd.f32 v15, v19  }
0xc8: {  	v14 =	vadd.f32 v16, v61;
	[tilespmem:s17+$0x10040] =	vst v10;
	v10 =	vld [tilespmem:s17+$0x10430]  }
0xc9: {  	v16 =	vadd.f32 v17, v62;
	[tilespmem:s17+$0x10050] =	vst v11;
	v11 =	vld [tilespmem:s17+$0x10440]  }
0xca: {  	s28 =	simm.s32 $0x100;
	s5 =	simm.s32 $0x80;
	v15 =	vadd.f32 v18, v63;
	[tilespmem:s17+$0x10060] =	vst v14;
	v14 =	vld [tilespmem:s17+$0x10450]  }
.LBB2_4:
0xcb: {  	s6 =	sand.u32 $0x3800, s28;
	s20 =	sand.u32 $0x380, s5;
	p0 =	sne.s32 s28, $0x3F00;
	[tilespmem:s17+$0x10070] =	vst v16;
	v9 =	vadd.f32 v9, v13;
	v13 =	vld [tilespmem:s17+$0x10460]  }
0xcc: {  	s6 =	sor.u32 s20, s6;
	[tilespmem:s17+$0x10400] =	vst v15;
	v8 =	vadd.f32 v8, v12;
	v12 =	vld [tilespmem:s17+$0x10470]  }
0xcd: {  	v15 =	vld [tilespmem:s6+$0x18000];
	[tilespmem:s17+$0x10410] =	vst v9;
	v7 =	vadd.f32 v7, v10  }
0xce: {  	v10 =	vld [tilespmem:s6+$0x18010];
	[tilespmem:s17+$0x10420] =	vst v8;
	v6 =	vadd.f32 v6, v11  }
0xcf: {  	v11 =	vld [tilespmem:s6+$0x18020];
	[tilespmem:s17+$0x10430] =	vst v7;
	v5 =	vadd.f32 v5, v14  }
0xd0: {  	v14 =	vld [tilespmem:s6+$0x18030];
	[tilespmem:s17+$0x10440] =	vst v6;
	v4 =	vadd.f32 v4, v13  }
0xd1: {  	v13 =	vld [tilespmem:s6+$0x18040];
	[tilespmem:s17+$0x10450] =	vst v5;
	v3 =	vadd.f32 v3, v12  }
0xd2: {  	v12 =	vld [tilespmem:s6+$0x18050];
	[tilespmem:s17+$0x10460] =	vst v4  }
0xd3: {  	v16 =	vld [tilespmem:s6+$0x18060];
	[tilespmem:s17+$0x10470] =	vst v3;
	s17 =	smov.u32 s6  }
0xd4: {  	v17 =	vld [tilespmem:s17+$0x18070]  }
0xd5: {  	v18 =	vld [tilespmem:s17+$0x18400]  }
0xd6: {  	v9 =	vld [tilespmem:s17+$0x18410]  }
0xd7: {  	v8 =	vld [tilespmem:s17+$0x18420]  }
0xd8: {  	v7 =	vld [tilespmem:s17+$0x18430]  }
0xd9: {  	v6 =	vld [tilespmem:s17+$0x18440]  }
0xda: {  	v5 =	vld [tilespmem:s17+$0x18450]  }
0xdb: {  	v4 =	vld [tilespmem:s17+$0x18460]  }
0xdc: {  	v3 =	vld [tilespmem:s17+$0x18470]  }
0xdd: {  	v19 =	vld [tilespmem:s17+$0x10000]  }
0xde: {  	v20 =	vld [tilespmem:s17+$0x10010]  }
0xdf: {  	v21 =	vld [tilespmem:s17+$0x10020]  }
0xe0: {  	v22 =	vld [tilespmem:s17+$0x10030]  }
0xe1: {  	v23 =	vld [tilespmem:s17+$0x10040]  }
0xe2: {  	v15 =	vadd.f32 v15, v19;
	v19 =	vld [tilespmem:s17+$0x10050]  }
0xe3: {  	v10 =	vadd.f32 v10, v20;
	v20 =	vld [tilespmem:s17+$0x10060]  }
0xe4: {  	[tilespmem:s17+$0x10000] =	vst v15;
	v11 =	vadd.f32 v11, v21;
	v15 =	vld [tilespmem:s17+$0x10070]  }
0xe5: {  	[tilespmem:s17+$0x10010] =	vst v10;
	v10 =	vadd.f32 v14, v22;
	v14 =	vld [tilespmem:s17+$0x10400]  }
.Ltmp1:
0xe6: {  	[tilespmem:s17+$0x10020] =	vst v11;
	v11 =	vadd.f32 v13, v23;
	v13 =	vld [tilespmem:s17+$0x10410];
	(pc) =	sbr.rel @p0 .LBB2_4-.Ltmp1, $4  }
0xe7: {  	[tilespmem:s17+$0x10030] =	vst v10;
	v19 =	vadd.f32 v12, v19;
	v12 =	vld [tilespmem:s17+$0x10420]  }
0xe8: {  	[tilespmem:s17+$0x10040] =	vst v11;
	v20 =	vadd.f32 v16, v20;
	v10 =	vld [tilespmem:s17+$0x10430]  }
0xe9: {  	[tilespmem:s17+$0x10050] =	vst v19;
	v16 =	vadd.f32 v17, v15;
	v11 =	vld [tilespmem:s17+$0x10440]  }
0xea: {  	s5 =	sadd.s32 $0x80, s5;
	s28 =	sadd.s32 $0x100, s28;
	[tilespmem:s17+$0x10060] =	vst v20;
	v15 =	vadd.f32 v18, v14;
	v14 =	vld [tilespmem:s17+$0x10450]  }
0xeb: {  	[tilespmem:s17+$0x10070] =	vst v16;
	v9 =	vadd.f32 v9, v13;
	v13 =	vld [tilespmem:s17+$0x10460]  }
0xec: {  	[tilespmem:s17+$0x10400] =	vst v15;
	v8 =	vadd.f32 v8, v12;
	v12 =	vld [tilespmem:s17+$0x10470]  }
0xed: {  	[tilespmem:s17+$0x10410] =	vst v9;
	v7 =	vadd.f32 v7, v10  }
0xee: {  	[tilespmem:s17+$0x10420] =	vst v8;
	v6 =	vadd.f32 v6, v11  }
0xef: {  	[tilespmem:s17+$0x10430] =	vst v7;
	v5 =	vadd.f32 v5, v14  }
0xf0: {  	[tilespmem:s17+$0x10440] =	vst v6;
	v4 =	vadd.f32 v4, v13  }
0xf1: {  	[tilespmem:s17+$0x10450] =	vst v5;
	v3 =	vadd.f32 v3, v12  }
0xf2: {  	[tilespmem:s17+$0x10460] =	vst v4  }
0xf3: {  	[tilespmem:s17+$0x10470] =	vst v3  }
0xf4: {  	v3 =	vld [tilespmem:$0x1C080];
	_ =	sdelay $0x4  }
0xf5: {  	v4 =	vshll.u32 v3, $0x1  }
0xf6: {  	v3 =	vand.u32 $0x7, v3;
	v4 =	vand.u32 $0xFFFFFFF0, v4  }
0xf7: {  	v3 =	vor.u32 v3, v4  }
0xf8: {  	v4 =	vperm.xlane v3, v0;
	_ =	sdelay $0x1  }
0xf9: {  	v3 =	vperm.xlane v3, v2;
	v4 =	vadd.s32 v1, v4;
	_ =	sdelay $0x1  }
0xfa: {  	v3 =	vadd.s32 v1, v3;
	_ =	sdelay $0x1  }
0xfb: {  	s5 =	simm.s32 $0x14000;
	s17 =	simm.s32 $0x0  }
0xfc: {  	[tilespmem:s5], [sflag:$0x9] =	stream.indirect_vreg.gather [hbm4b:s1+s17], $0x80, v4, vm0, $0xb8;
	[tilespmem:$0x1C100] =	vst v63  }
0xfd: {  	s6 =	simm.s32 $0x14800  }
0xfe: {  	[tilespmem:s6], [sflag:$0x9] =	stream.indirect_vreg.gather [hbm4b:s1+s17], $0x80, v3, vm0, $0xb8;
	[tilespmem:$0x1C100] =	vst v63  }
0xff: {  	v3 =	vld [tilespmem:$0x1C090];
	_ =	sdelay $0x4  }
0x100: {  	v4 =	vshll.u32 v3, $0x1  }
0x101: {  	v3 =	vand.u32 $0x7, v3;
	v4 =	vand.u32 $0xFFFFFFF0, v4  }
0x102: {  	v3 =	vor.u32 v3, v4  }
0x103: {  	v4 =	vperm.xlane v3, v0;
	_ =	sdelay $0x1  }
0x104: {  	v3 =	vperm.xlane v3, v2;
	v4 =	vadd.s32 v1, v4;
	_ =	sdelay $0x1  }
0x105: {  	v3 =	vadd.s32 v1, v3;
	_ =	sdelay $0x1  }
0x106: {  	s20 =	simm.s32 $0x15000  }
0x107: {  	[tilespmem:s20], [sflag:$0x9] =	stream.indirect_vreg.gather [hbm4b:s1+s17], $0x80, v4, vm0, $0xb8;
	[tilespmem:$0x1C100] =	vst v63  }
0x108: {  	s21 =	simm.s32 $0x15800  }
0x109: {  	[tilespmem:s21], [sflag:$0x9] =	stream.indirect_vreg.gather [hbm4b:s1+s17], $0x80, v3, vm0, $0xb8;
	[tilespmem:$0x1C100] =	vst v63  }
0x10a: {  	v3 =	vld [tilespmem:$0x1C0A0];
	_ =	sdelay $0x4  }
0x10b: {  	v4 =	vshll.u32 v3, $0x1  }
0x10c: {  	v3 =	vand.u32 $0x7, v3;
	v4 =	vand.u32 $0xFFFFFFF0, v4  }
0x10d: {  	v3 =	vor.u32 v3, v4  }
0x10e: {  	v4 =	vperm.xlane v3, v0;
	_ =	sdelay $0x1  }
0x10f: {  	v3 =	vperm.xlane v3, v2;
	v4 =	vadd.s32 v1, v4;
	_ =	sdelay $0x1  }
0x110: {  	v3 =	vadd.s32 v1, v3;
	_ =	sdelay $0x1  }
0x111: {  	s6 =	simm.s32 $0x16000  }
0x112: {  	[tilespmem:s6], [sflag:$0x9] =	stream.indirect_vreg.gather [hbm4b:s1+s17], $0x80, v4, vm0, $0xb8;
	[tilespmem:$0x1C100] =	vst v63  }
0x113: {  	s20 =	simm.s32 $0x16800  }
0x114: {  	[tilespmem:s20], [sflag:$0x9] =	stream.indirect_vreg.gather [hbm4b:s1+s17], $0x80, v3, vm0, $0xb8;
	[tilespmem:$0x1C100] =	vst v63  }
0x115: {  	v3 =	vld [tilespmem:$0x1C0B0];
	_ =	sdelay $0x4  }
0x116: {  	v4 =	vshll.u32 v3, $0x1  }
0x117: {  	v3 =	vand.u32 $0x7, v3;
	v4 =	vand.u32 $0xFFFFFFF0, v4  }
0x118: {  	v3 =	vor.u32 v3, v4  }
0x119: {  	v4 =	vperm.xlane v3, v0;
	_ =	sdelay $0x1  }
0x11a: {  	v3 =	vperm.xlane v3, v2;
	v4 =	vadd.s32 v1, v4;
	_ =	sdelay $0x1  }
0x11b: {  	v3 =	vadd.s32 v1, v3;
	_ =	sdelay $0x1  }
0x11c: {  	s21 =	simm.s32 $0x17000  }
0x11d: {  	[tilespmem:s21], [sflag:$0x9] =	stream.indirect_vreg.gather [hbm4b:s1+s17], $0x80, v4, vm0, $0xb8;
	[tilespmem:$0x1C100] =	vst v63  }
0x11e: {  	s6 =	simm.s32 $0x17800  }
0x11f: {  	[tilespmem:s6], [sflag:$0x9] =	stream.indirect_vreg.gather [hbm4b:s1+s17], $0x80, v3, vm0, $0xb8;
	[tilespmem:$0x1C100] =	vst v63  }
0x120: {  	_ =	swait.ge [sflag:s11], $0x4000  }
0x121: {  	[sflag:s11] =	ssyncset.done $0x0  }
0x122: {  	s20 =	rddreg [dreg:$0x12];
	[sflag:s11] =	ssyncadd.s32 $0xFFFFC000  }
0x123: {  	[tilespmem:s7], [sflag:$0xB] =	stream.linear.gather [hbm4b:s20+s17], $0x4000, $0x38;
	[tilespmem:$0x1C100] =	vst v63  }
0x124: {  	_ =	swait.ge [sflag:s26], $0x4000  }
0x125: {  	s21 =	sand.u32 $0x3800, s17;
	s6 =	sand.u32 $0x380, s17;
	[sflag:s26] =	ssyncset.done $0x0  }
0x126: {  	s28 =	sor.u32 s6, s21;
	[sflag:s26] =	ssyncadd.s32 $0xFFFFC000  }
0x127: {  	v10 =	vld [tilespmem:s28+$0x18000]  }
0x128: {  	v11 =	vld [tilespmem:s28+$0x18010]  }
0x129: {  	v12 =	vld [tilespmem:s28+$0x18020]  }
0x12a: {  	v13 =	vld [tilespmem:s28+$0x18030]  }
0x12b: {  	v14 =	vld [tilespmem:s28+$0x18040]  }
0x12c: {  	v15 =	vld [tilespmem:s28+$0x18050]  }
0x12d: {  	v16 =	vld [tilespmem:s28+$0x18060]  }
0x12e: {  	v17 =	vld [tilespmem:s28+$0x18070]  }
0x12f: {  	v19 =	vld [tilespmem:s28+$0x18400]  }
0x130: {  	v9 =	vld [tilespmem:s28+$0x18410]  }
0x131: {  	v8 =	vld [tilespmem:s28+$0x18420]  }
0x132: {  	v7 =	vld [tilespmem:s28+$0x18430]  }
0x133: {  	v6 =	vld [tilespmem:s28+$0x18440]  }
0x134: {  	v5 =	vld [tilespmem:s28+$0x18450]  }
0x135: {  	v4 =	vld [tilespmem:s28+$0x18460]  }
0x136: {  	v3 =	vld [tilespmem:s28+$0x18470]  }
0x137: {  	v18 =	vld [tilespmem:s28+$0x14000]  }
0x138: {  	v20 =	vld [tilespmem:s28+$0x14010]  }
0x139: {  	v21 =	vld [tilespmem:s28+$0x14020]  }
0x13a: {  	v22 =	vld [tilespmem:s28+$0x14030];
	v10 =	vsub.f32 $1.000000000e+00, v10  }
0x13b: {  	v23 =	vld [tilespmem:s28+$0x14040];
	v11 =	vsub.f32 $1.000000000e+00, v11  }
0x13c: {  	v12 =	vsub.f32 $1.000000000e+00, v12;
	v10 =	vmul.f32 v10, v18;
	v18 =	vld [tilespmem:s28+$0x14050]  }
0x13d: {  	v24 =	vld [tilespmem:s28+$0x14060];
	v11 =	vmul.f32 v11, v20;
	v20 =	vsub.f32 $1.000000000e+00, v13  }
0x13e: {  	v13 =	vld [tilespmem:s28+$0x14070];
	[tilespmem:s28+$0x14000] =	vst v10;
	v10 =	vmul.f32 v12, v21;
	v12 =	vsub.f32 $1.000000000e+00, v14  }
0x13f: {  	v15 =	vsub.f32 $1.000000000e+00, v15;
	[tilespmem:s28+$0x14010] =	vst v11;
	v11 =	vmul.f32 v20, v22;
	v14 =	vld [tilespmem:s28+$0x14400]  }
0x140: {  	v16 =	vsub.f32 $1.000000000e+00, v16;
	[tilespmem:s28+$0x14020] =	vst v10;
	v20 =	vmul.f32 v12, v23;
	v12 =	vld [tilespmem:s28+$0x14410]  }
0x141: {  	[tilespmem:s28+$0x14030] =	vst v11;
	v10 =	vld [tilespmem:s28+$0x14420];
	v15 =	vmul.f32 v15, v18;
	v18 =	vsub.f32 $1.000000000e+00, v17  }
0x142: {  	s29 =	simm.s32 $0x100;
	v16 =	vmul.f32 v16, v24;
	v11 =	vld [tilespmem:s28+$0x14430];
	v17 =	vsub.f32 $1.000000000e+00, v19;
	[tilespmem:s28+$0x14040] =	vst v20  }
.LBB2_6:
0x143: {  	p0 =	sne.s32 s29, $0x3F00;
	[tilespmem:s28+$0x14050] =	vst v15;
	v13 =	vmul.f32 v18, v13;
	v9 =	vsub.f32 $1.000000000e+00, v9;
	v15 =	vld [tilespmem:s28+$0x14440]  }
0x144: {  	v8 =	vsub.f32 $1.000000000e+00, v8;
	s17 =	sadd.s32 $0x80, s17;
	[tilespmem:s28+$0x14060] =	vst v16;
	v14 =	vmul.f32 v17, v14;
	v16 =	vld [tilespmem:s28+$0x14450]  }
0x145: {  	s5 =	sand.u32 $0x3800, s29;
	v7 =	vsub.f32 $1.000000000e+00, v7;
	s6 =	sand.u32 $0x380, s17;
	[tilespmem:s28+$0x14070] =	vst v13;
	v9 =	vmul.f32 v9, v12;
	v12 =	vld [tilespmem:s28+$0x14460]  }
0x146: {  	v6 =	vsub.f32 $1.000000000e+00, v6;
	s5 =	sor.u32 s6, s5;
	[tilespmem:s28+$0x14400] =	vst v14;
	v8 =	vmul.f32 v8, v10;
	v10 =	vld [tilespmem:s28+$0x14470]  }
0x147: {  	v5 =	vsub.f32 $1.000000000e+00, v5;
	v13 =	vld [tilespmem:s5+$0x18000];
	[tilespmem:s28+$0x14410] =	vst v9;
	v7 =	vmul.f32 v7, v11  }
0x148: {  	v4 =	vsub.f32 $1.000000000e+00, v4;
	v11 =	vld [tilespmem:s5+$0x18010];
	[tilespmem:s28+$0x14420] =	vst v8;
	v6 =	vmul.f32 v6, v15  }
0x149: {  	v3 =	vsub.f32 $1.000000000e+00, v3;
	v14 =	vld [tilespmem:s5+$0x18020];
	[tilespmem:s28+$0x14430] =	vst v7;
	v5 =	vmul.f32 v5, v16  }
0x14a: {  	v15 =	vld [tilespmem:s5+$0x18030];
	[tilespmem:s28+$0x14440] =	vst v6;
	v4 =	vmul.f32 v4, v12  }
0x14b: {  	v12 =	vld [tilespmem:s5+$0x18040];
	[tilespmem:s28+$0x14450] =	vst v5;
	v3 =	vmul.f32 v3, v10  }
0x14c: {  	v10 =	vld [tilespmem:s5+$0x18050];
	[tilespmem:s28+$0x14460] =	vst v4  }
0x14d: {  	v16 =	vld [tilespmem:s5+$0x18060];
	[tilespmem:s28+$0x14470] =	vst v3;
	s28 =	smov.u32 s5  }
0x14e: {  	v17 =	vld [tilespmem:s28+$0x18070]  }
0x14f: {  	v19 =	vld [tilespmem:s28+$0x18400]  }
0x150: {  	v9 =	vld [tilespmem:s28+$0x18410]  }
0x151: {  	v8 =	vld [tilespmem:s28+$0x18420]  }
0x152: {  	v7 =	vld [tilespmem:s28+$0x18430]  }
0x153: {  	v6 =	vld [tilespmem:s28+$0x18440]  }
0x154: {  	v5 =	vld [tilespmem:s28+$0x18450]  }
0x155: {  	v4 =	vld [tilespmem:s28+$0x18460]  }
0x156: {  	v3 =	vld [tilespmem:s28+$0x18470]  }
0x157: {  	v18 =	vld [tilespmem:s28+$0x14000]  }
0x158: {  	v20 =	vld [tilespmem:s28+$0x14010]  }
0x159: {  	v21 =	vld [tilespmem:s28+$0x14020]  }
0x15a: {  	v13 =	vsub.f32 $1.000000000e+00, v13;
	v22 =	vld [tilespmem:s28+$0x14030]  }
0x15b: {  	v11 =	vsub.f32 $1.000000000e+00, v11;
	v23 =	vld [tilespmem:s28+$0x14040]  }
0x15c: {  	v14 =	vsub.f32 $1.000000000e+00, v14;
	v13 =	vmul.f32 v13, v18;
	v18 =	vld [tilespmem:s28+$0x14050]  }
0x15d: {  	v15 =	vsub.f32 $1.000000000e+00, v15;
	v11 =	vmul.f32 v11, v20;
	v20 =	vld [tilespmem:s28+$0x14060]  }
.Ltmp2:
0x15e: {  	v12 =	vsub.f32 $1.000000000e+00, v12;
	[tilespmem:s28+$0x14000] =	vst v13;
	v21 =	vmul.f32 v14, v21;
	v13 =	vld [tilespmem:s28+$0x14070];
	(pc) =	sbr.rel @p0 .LBB2_6-.Ltmp2, $4  }
0x15f: {  	v10 =	vsub.f32 $1.000000000e+00, v10;
	[tilespmem:s28+$0x14010] =	vst v11;
	v11 =	vmul.f32 v15, v22;
	v14 =	vld [tilespmem:s28+$0x14400]  }
0x160: {  	v16 =	vsub.f32 $1.000000000e+00, v16;
	[tilespmem:s28+$0x14020] =	vst v21;
	v21 =	vmul.f32 v12, v23;
	v12 =	vld [tilespmem:s28+$0x14410]  }
0x161: {  	[tilespmem:s28+$0x14030] =	vst v11;
	v15 =	vmul.f32 v10, v18;
	v18 =	vsub.f32 $1.000000000e+00, v17;
	v10 =	vld [tilespmem:s28+$0x14420]  }
0x162: {  	s29 =	sadd.s32 $0x100, s29;
	v17 =	vsub.f32 $1.000000000e+00, v19;
	[tilespmem:s28+$0x14040] =	vst v21;
	v16 =	vmul.f32 v16, v20;
	v11 =	vld [tilespmem:s28+$0x14430]  }
0x163: {  	[tilespmem:s28+$0x14050] =	vst v15;
	v13 =	vmul.f32 v18, v13;
	v9 =	vsub.f32 $1.000000000e+00, v9;
	v15 =	vld [tilespmem:s28+$0x14440]  }
0x164: {  	v8 =	vsub.f32 $1.000000000e+00, v8;
	[tilespmem:s28+$0x14060] =	vst v16;
	v14 =	vmul.f32 v17, v14;
	v16 =	vld [tilespmem:s28+$0x14450]  }
0x165: {  	v7 =	vsub.f32 $1.000000000e+00, v7;
	[tilespmem:s28+$0x14070] =	vst v13;
	v9 =	vmul.f32 v9, v12;
	v12 =	vld [tilespmem:s28+$0x14460]  }
0x166: {  	v6 =	vsub.f32 $1.000000000e+00, v6;
	[tilespmem:s28+$0x14400] =	vst v14;
	v8 =	vmul.f32 v8, v10;
	v10 =	vld [tilespmem:s28+$0x14470]  }
0x167: {  	v5 =	vsub.f32 $1.000000000e+00, v5;
	[tilespmem:s28+$0x14410] =	vst v9;
	v7 =	vmul.f32 v7, v11  }
0x168: {  	v4 =	vsub.f32 $1.000000000e+00, v4;
	[tilespmem:s28+$0x14420] =	vst v8;
	v6 =	vmul.f32 v6, v15  }
0x169: {  	v3 =	vsub.f32 $1.000000000e+00, v3;
	[tilespmem:s28+$0x14430] =	vst v7;
	v5 =	vmul.f32 v5, v16  }
0x16a: {  	[tilespmem:s28+$0x14440] =	vst v6;
	v4 =	vmul.f32 v4, v12  }
0x16b: {  	[tilespmem:s28+$0x14450] =	vst v5;
	v3 =	vmul.f32 v3, v10  }
0x16c: {  	[tilespmem:s28+$0x14460] =	vst v4  }
0x16d: {  	s5 =	simm.s32 $0x0;
	s6 =	rddreg [dreg:$0x13];
	[tilespmem:s28+$0x14470] =	vst v3  }
0x16e: {  	[tilespmem:s7], [sflag:$0xB] =	stream.linear.gather [hbm4b:s6+s5], $0x4000, $0x38;
	[tilespmem:$0x1C100] =	vst v63  }
0x16f: {  	_ =	swait.ge [sflag:s26], $0x4000  }
0x170: {  	s29 =	sand.u32 $0x3800, s5;
	s5 =	sand.u32 $0x380, s5;
	[sflag:s26] =	ssyncset.done $0x0  }
0x171: {  	s17 =	sor.u32 s5, s29;
	[sflag:s26] =	ssyncadd.s32 $0xFFFFC000  }
0x172: {  	v10 =	vld [tilespmem:s17+$0x18000]  }
0x173: {  	v11 =	vld [tilespmem:s17+$0x18010]  }
0x174: {  	v12 =	vld [tilespmem:s17+$0x18020]  }
0x175: {  	v13 =	vld [tilespmem:s17+$0x18030]  }
0x176: {  	v14 =	vld [tilespmem:s17+$0x18040]  }
0x177: {  	v15 =	vld [tilespmem:s17+$0x18050]  }
0x178: {  	v16 =	vld [tilespmem:s17+$0x18060]  }
0x179: {  	v17 =	vld [tilespmem:s17+$0x18070]  }
0x17a: {  	v18 =	vld [tilespmem:s17+$0x18400]  }
0x17b: {  	v9 =	vld [tilespmem:s17+$0x18410]  }
0x17c: {  	v8 =	vld [tilespmem:s17+$0x18420]  }
0x17d: {  	v7 =	vld [tilespmem:s17+$0x18430]  }
0x17e: {  	v6 =	vld [tilespmem:s17+$0x18440]  }
0x17f: {  	v5 =	vld [tilespmem:s17+$0x18450]  }
0x180: {  	v4 =	vld [tilespmem:s17+$0x18460]  }
0x181: {  	v3 =	vld [tilespmem:s17+$0x18470]  }
0x182: {  	v19 =	vld [tilespmem:s17+$0x14000]  }
0x183: {  	v20 =	vld [tilespmem:s17+$0x14010]  }
0x184: {  	v21 =	vld [tilespmem:s17+$0x14020]  }
0x185: {  	v22 =	vld [tilespmem:s17+$0x14030]  }
0x186: {  	v23 =	vld [tilespmem:s17+$0x14040]  }
0x187: {  	v10 =	vadd.f32 v10, v19;
	v19 =	vld [tilespmem:s17+$0x14050]  }
0x188: {  	v61 =	vld [tilespmem:s17+$0x14060];
	v11 =	vadd.f32 v11, v20  }
0x189: {  	v62 =	vld [tilespmem:s17+$0x14070];
	[tilespmem:s17+$0x14000] =	vst v10;
	v10 =	vadd.f32 v12, v21  }
0x18a: {  	v63 =	vld [tilespmem:s17+$0x14400];
	[tilespmem:s17+$0x14010] =	vst v11;
	v11 =	vadd.f32 v13, v22  }
0x18b: {  	v13 =	vld [tilespmem:s17+$0x14410];
	[tilespmem:s17+$0x14020] =	vst v10;
	v10 =	vadd.f32 v14, v23  }
0x18c: {  	v12 =	vld [tilespmem:s17+$0x14420];
	[tilespmem:s17+$0x14030] =	vst v11;
	v11 =	vadd.f32 v15, v19  }
0x18d: {  	v14 =	vadd.f32 v16, v61;
	[tilespmem:s17+$0x14040] =	vst v10;
	v10 =	vld [tilespmem:s17+$0x14430]  }
0x18e: {  	v16 =	vadd.f32 v17, v62;
	[tilespmem:s17+$0x14050] =	vst v11;
	v11 =	vld [tilespmem:s17+$0x14440]  }
0x18f: {  	s28 =	simm.s32 $0x100;
	s5 =	simm.s32 $0x80;
	v15 =	vadd.f32 v18, v63;
	[tilespmem:s17+$0x14060] =	vst v14;
	v14 =	vld [tilespmem:s17+$0x14450]  }
.LBB2_8:
0x190: {  	s6 =	sand.u32 $0x3800, s28;
	s20 =	sand.u32 $0x380, s5;
	p0 =	sne.s32 s28, $0x3F00;
	[tilespmem:s17+$0x14070] =	vst v16;
	v9 =	vadd.f32 v9, v13;
	v13 =	vld [tilespmem:s17+$0x14460]  }
0x191: {  	s6 =	sor.u32 s20, s6;
	[tilespmem:s17+$0x14400] =	vst v15;
	v8 =	vadd.f32 v8, v12;
	v12 =	vld [tilespmem:s17+$0x14470]  }
0x192: {  	v15 =	vld [tilespmem:s6+$0x18000];
	[tilespmem:s17+$0x14410] =	vst v9;
	v7 =	vadd.f32 v7, v10  }
0x193: {  	v10 =	vld [tilespmem:s6+$0x18010];
	[tilespmem:s17+$0x14420] =	vst v8;
	v6 =	vadd.f32 v6, v11  }
0x194: {  	v11 =	vld [tilespmem:s6+$0x18020];
	[tilespmem:s17+$0x14430] =	vst v7;
	v5 =	vadd.f32 v5, v14  }
0x195: {  	v14 =	vld [tilespmem:s6+$0x18030];
	[tilespmem:s17+$0x14440] =	vst v6;
	v4 =	vadd.f32 v4, v13  }
0x196: {  	v13 =	vld [tilespmem:s6+$0x18040];
	[tilespmem:s17+$0x14450] =	vst v5;
	v3 =	vadd.f32 v3, v12  }
0x197: {  	v12 =	vld [tilespmem:s6+$0x18050];
	[tilespmem:s17+$0x14460] =	vst v4  }
0x198: {  	v16 =	vld [tilespmem:s6+$0x18060];
	[tilespmem:s17+$0x14470] =	vst v3;
	s17 =	smov.u32 s6  }
0x199: {  	v17 =	vld [tilespmem:s17+$0x18070]  }
0x19a: {  	v18 =	vld [tilespmem:s17+$0x18400]  }
0x19b: {  	v9 =	vld [tilespmem:s17+$0x18410]  }
0x19c: {  	v8 =	vld [tilespmem:s17+$0x18420]  }
0x19d: {  	v7 =	vld [tilespmem:s17+$0x18430]  }
0x19e: {  	v6 =	vld [tilespmem:s17+$0x18440]  }
0x19f: {  	v5 =	vld [tilespmem:s17+$0x18450]  }
0x1a0: {  	v4 =	vld [tilespmem:s17+$0x18460]  }
0x1a1: {  	v3 =	vld [tilespmem:s17+$0x18470]  }
0x1a2: {  	v19 =	vld [tilespmem:s17+$0x14000]  }
0x1a3: {  	v20 =	vld [tilespmem:s17+$0x14010]  }
0x1a4: {  	v21 =	vld [tilespmem:s17+$0x14020]  }
0x1a5: {  	v22 =	vld [tilespmem:s17+$0x14030]  }
0x1a6: {  	v23 =	vld [tilespmem:s17+$0x14040]  }
0x1a7: {  	v15 =	vadd.f32 v15, v19;
	v19 =	vld [tilespmem:s17+$0x14050]  }
0x1a8: {  	v10 =	vadd.f32 v10, v20;
	v20 =	vld [tilespmem:s17+$0x14060]  }
0x1a9: {  	[tilespmem:s17+$0x14000] =	vst v15;
	v11 =	vadd.f32 v11, v21;
	v15 =	vld [tilespmem:s17+$0x14070]  }
0x1aa: {  	[tilespmem:s17+$0x14010] =	vst v10;
	v10 =	vadd.f32 v14, v22;
	v14 =	vld [tilespmem:s17+$0x14400]  }
.Ltmp3:
0x1ab: {  	[tilespmem:s17+$0x14020] =	vst v11;
	v11 =	vadd.f32 v13, v23;
	v13 =	vld [tilespmem:s17+$0x14410];
	(pc) =	sbr.rel @p0 .LBB2_8-.Ltmp3, $4  }
0x1ac: {  	[tilespmem:s17+$0x14030] =	vst v10;
	v19 =	vadd.f32 v12, v19;
	v12 =	vld [tilespmem:s17+$0x14420]  }
0x1ad: {  	[tilespmem:s17+$0x14040] =	vst v11;
	v20 =	vadd.f32 v16, v20;
	v10 =	vld [tilespmem:s17+$0x14430]  }
0x1ae: {  	[tilespmem:s17+$0x14050] =	vst v19;
	v16 =	vadd.f32 v17, v15;
	v11 =	vld [tilespmem:s17+$0x14440]  }
0x1af: {  	s5 =	sadd.s32 $0x80, s5;
	s28 =	sadd.s32 $0x100, s28;
	[tilespmem:s17+$0x14060] =	vst v20;
	v15 =	vadd.f32 v18, v14;
	v14 =	vld [tilespmem:s17+$0x14450]  }
0x1b0: {  	[tilespmem:s17+$0x14070] =	vst v16;
	v9 =	vadd.f32 v9, v13;
	v62 =	vld [tilespmem:s17+$0x14460]  }
0x1b1: {  	v63 =	vld [tilespmem:s17+$0x14470];
	[tilespmem:s17+$0x14400] =	vst v15;
	v8 =	vadd.f32 v8, v12  }
0x1b2: {  	[tilespmem:s17+$0x14410] =	vst v9;
	v7 =	vadd.f32 v7, v10  }
0x1b3: {  	[tilespmem:s17+$0x14420] =	vst v8;
	v6 =	vadd.f32 v6, v11  }
0x1b4: {  	[tilespmem:s17+$0x14430] =	vst v7;
	v5 =	vadd.f32 v5, v14  }
0x1b5: {  	[tilespmem:s17+$0x14440] =	vst v6;
	v4 =	vadd.f32 v4, v62  }
0x1b6: {  	v3 =	vadd.f32 v3, v63;
	[tilespmem:s17+$0x14450] =	vst v5  }
0x1b7: {  	[tilespmem:s17+$0x14460] =	vst v4  }
0x1b8: {  	[tilespmem:s17+$0x14470] =	vst v3  }
0x1b9: {  	_ =	swait.ge [sflag:s18], $0x800  }
0x1ba: {  	[sflag:s18] =	ssyncset.done $0x0;
	s7 =	rddreg [dreg:$0x19]  }
0x1bb: {  	s5 =	rddreg [dreg:$0x14];
	[sflag:s18] =	ssyncadd.s32 $0xFFFFF800;
	s17 =	sor.u32 $0x1C05, s7  }
0x1bc: {  	[hbm:s5], [sflag:s17] =	dma.local [spmem:s22], $0x800  }
0x1bd: {  	_ =	swait.ge [sflag:s30], $0x800  }
0x1be: {  	[sflag:s30] =	ssyncset.done $0x0  }
0x1bf: {  	s28 =	sor.u32 $0x1C06, s7;
	s6 =	rddreg [dreg:$0x18];
	[sflag:s30] =	ssyncadd.s32 $0xFFFFF800  }
0x1c0: {  	[hbm:s6], [sflag:s28] =	dma.local [spmem:s15], $0x800  }
0x1c1: {  	_ =	swait.ge [sflag:s19], $0x800  }
0x1c2: {  	s11 =	rddreg [dreg:$0x5]  }
0x1c3: {  	[sflag:s19] =	ssyncset.done $0x0;
	s6 =	sadd.s32 $0x0, s11  }
0x1c4: {  	[sflag:s19] =	ssyncadd.s32 $0xFFFFF800;
	s5 =	sadd.s32 $0x2000, s6  }
0x1c5: {  	[spmem:s22], [sflag:s8] =	dma.local [hbm:s5], $0x800  }
0x1c6: {  	_ =	swait.ge [sflag:s31], $0x800  }
0x1c7: {  	s20 =	rddreg [dreg:$0x6]  }
0x1c8: {  	[sflag:s31] =	ssyncset.done $0x0;
	s20 =	sadd.s32 $0x0, s20  }
0x1c9: {  	s29 =	sor.u32 $0x1C07, s7;
	[sflag:s31] =	ssyncadd.s32 $0xFFFFF800;
	s5 =	sadd.s32 $0x1000, s20  }
0x1ca: {  	[hbm:s5], [sflag:s29] =	dma.local [spmem:s14], $0x800  }
0x1cb: {  	_ =	swait.ge [sflag:s0], $0x800  }
0x1cc: {  	[sflag:s0] =	ssyncset.done $0x0  }
0x1cd: {  	s21 =	sadd.s32 $0x2800, s6;
	[sflag:s0] =	ssyncadd.s32 $0xFFFFF800  }
0x1ce: {  	[spmem:s15], [sflag:s23] =	dma.local [hbm:s21], $0x800  }
0x1cf: {  	_ =	swait.ge [sflag:s3], $0x800  }
0x1d0: {  	[sflag:s3] =	ssyncset.done $0x0  }
0x1d1: {  	s5 =	sor.u32 $0x1C08, s7;
	s21 =	sadd.s32 $0x1800, s20;
	[sflag:s3] =	ssyncadd.s32 $0xFFFFF800  }
0x1d2: {  	[hbm:s21], [sflag:s5] =	dma.local [spmem:s13], $0x800  }
0x1d3: {  	_ =	swait.ge [sflag:s25], $0x800  }
0x1d4: {  	[sflag:s25] =	ssyncset.done $0x0  }
0x1d5: {  	s7 =	sadd.s32 $0x3000, s6;
	[sflag:s25] =	ssyncadd.s32 $0xFFFFF800  }
0x1d6: {  	[spmem:s14], [sflag:s16] =	dma.local [hbm:s7], $0x800  }
0x1d7: {  	_ =	swait.ge [sflag:s18], $0x800  }
0x1d8: {  	[sflag:s18] =	ssyncset.done $0x0  }
0x1d9: {  	s11 =	sadd.s32 $0x2000, s20;
	[sflag:s18] =	ssyncadd.s32 $0xFFFFF800  }
0x1da: {  	[hbm:s11], [sflag:s17] =	dma.local [spmem:s22], $0x800  }
0x1db: {  	_ =	swait.ge [sflag:s9], $0x800  }
0x1dc: {  	[sflag:s9] =	ssyncset.done $0x0  }
0x1dd: {  	s6 =	sadd.s32 $0x3800, s6;
	[sflag:s9] =	ssyncadd.s32 $0xFFFFF800  }
0x1de: {  	[spmem:s13], [sflag:s24] =	dma.local [hbm:s6], $0x800  }
0x1df: {  	_ =	swait.ge [sflag:s30], $0x800  }
0x1e0: {  	[sflag:s30] =	ssyncset.done $0x0  }
0x1e1: {  	s20 =	sadd.s32 $0x2800, s20;
	s6 =	simm.s32 $0x2000;
	[sflag:s30] =	ssyncadd.s32 $0xFFFFF800  }
.LBB2_10:
0x1e2: {  	[hbm:s20], [sflag:s28] =	dma.local [spmem:s15], $0x800  }
0x1e3: {  	_ =	swait.ge [sflag:s19], $0x800  }
0x1e4: {  	s20 =	smov.u32 s6;
	s21 =	rddreg [dreg:$0x5]  }
0x1e5: {  	[sflag:s19] =	ssyncset.done $0x0;
	s21 =	sadd.s32 s20, s21  }
0x1e6: {  	[sflag:s19] =	ssyncadd.s32 $0xFFFFF800;
	s11 =	sadd.s32 $0x2000, s21  }
0x1e7: {  	[spmem:s22], [sflag:s8] =	dma.local [hbm:s11], $0x800  }
0x1e8: {  	_ =	swait.ge [sflag:s31], $0x800  }
0x1e9: {  	s7 =	rddreg [dreg:$0x6]  }
0x1ea: {  	[sflag:s31] =	ssyncset.done $0x0;
	s11 =	sadd.s32 s20, s7  }
0x1eb: {  	[sflag:s31] =	ssyncadd.s32 $0xFFFFF800;
	s20 =	sadd.s32 $0x1000, s11  }
0x1ec: {  	[hbm:s20], [sflag:s29] =	dma.local [spmem:s14], $0x800  }
0x1ed: {  	_ =	swait.ge [sflag:s0], $0x800  }
0x1ee: {  	[sflag:s0] =	ssyncset.done $0x0  }
0x1ef: {  	s7 =	sadd.s32 $0x2800, s21;
	[sflag:s0] =	ssyncadd.s32 $0xFFFFF800  }
0x1f0: {  	[spmem:s15], [sflag:s23] =	dma.local [hbm:s7], $0x800  }
0x1f1: {  	_ =	swait.ge [sflag:s3], $0x800  }
0x1f2: {  	[sflag:s3] =	ssyncset.done $0x0  }
0x1f3: {  	s7 =	sadd.s32 $0x1800, s11;
	[sflag:s3] =	ssyncadd.s32 $0xFFFFF800  }
0x1f4: {  	[hbm:s7], [sflag:s5] =	dma.local [spmem:s13], $0x800  }
0x1f5: {  	_ =	swait.ge [sflag:s25], $0x800  }
0x1f6: {  	[sflag:s25] =	ssyncset.done $0x0  }
0x1f7: {  	s7 =	sadd.s32 $0x3000, s21;
	[sflag:s25] =	ssyncadd.s32 $0xFFFFF800  }
0x1f8: {  	[spmem:s14], [sflag:s16] =	dma.local [hbm:s7], $0x800  }
0x1f9: {  	_ =	swait.ge [sflag:s18], $0x800  }
0x1fa: {  	[sflag:s18] =	ssyncset.done $0x0  }
0x1fb: {  	s7 =	sadd.s32 $0x2000, s11;
	[sflag:s18] =	ssyncadd.s32 $0xFFFFF800  }
0x1fc: {  	[hbm:s7], [sflag:s17] =	dma.local [spmem:s22], $0x800  }
0x1fd: {  	_ =	swait.ge [sflag:s9], $0x800  }
0x1fe: {  	p0 =	sne.s32 s6, $0x3C000;
	[sflag:s9] =	ssyncset.done $0x0  }
.Ltmp4:
0x1ff: {  	s21 =	sadd.s32 $0x3800, s21;
	[sflag:s9] =	ssyncadd.s32 $0xFFFFF800;
	(pc) =	sbr.rel @p0 .LBB2_10-.Ltmp4, $4  }
0x200: {  	[spmem:s13], [sflag:s24] =	dma.local [hbm:s21], $0x800  }
0x201: {  	_ =	swait.ge [sflag:s30], $0x800  }
0x202: {  	[sflag:s30] =	ssyncset.done $0x0  }
0x203: {  	s6 =	sadd.s32 $0x2000, s6;
	s20 =	sadd.s32 $0x2800, s11;
	[sflag:s30] =	ssyncadd.s32 $0xFFFFF800  }
0x204: {  	[hbm:s20], [sflag:s28] =	dma.local [spmem:s15], $0x800  }
0x205: {  	_ =	swait.ge [sflag:s31], $0x800  }
0x206: {  	[sflag:s31] =	ssyncset.done $0x0  }
0x207: {  	s6 =	rddreg [dreg:$0x15];
	[sflag:s31] =	ssyncadd.s32 $0xFFFFF800  }
0x208: {  	[hbm:s6], [sflag:s29] =	dma.local [spmem:s14], $0x800  }
0x209: {  	_ =	swait.ge [sflag:s3], $0x800  }
0x20a: {  	[sflag:s3] =	ssyncset.done $0x0  }
0x20b: {  	s23 =	rddreg [dreg:$0x16];
	[sflag:s3] =	ssyncadd.s32 $0xFFFFF800  }
0x20c: {  	[hbm:s23], [sflag:s5] =	dma.local [spmem:s13], $0x800  }
0x20d: {  	_ =	swait.ge [sflag:s19], $0x800  }
0x20e: {  	[sflag:s19] =	ssyncset.done $0x0  }
0x20f: {  	[sflag:s19] =	ssyncadd.s32 $0xFFFFF800  }
0x210: {  	_ =	swait.ge [sflag:s0], $0x800  }
0x211: {  	[sflag:s0] =	ssyncset.done $0x0  }
0x212: {  	[sflag:s0] =	ssyncadd.s32 $0xFFFFF800  }
0x213: {  	_ =	swait.ge [sflag:s25], $0x800  }
0x214: {  	[sflag:s25] =	ssyncset.done $0x0  }
0x215: {  	[sflag:s25] =	ssyncadd.s32 $0xFFFFF800  }
0x216: {  	_ =	swait.ge [sflag:s9], $0x800  }
0x217: {  	[sflag:s9] =	ssyncset.done $0x0  }
0x218: {  	[sflag:s9] =	ssyncadd.s32 $0xFFFFF800  }
0x219: {  	v3 =	vld [tilespmem:$0x1C000];
	_ =	sdelay $0x4  }
0x21a: {  	v4 =	vshll.u32 v3, $0x1  }
0x21b: {  	v3 =	vand.u32 $0x7, v3;
	v4 =	vand.u32 $0xFFFFFFF0, v4  }
0x21c: {  	v3 =	vor.u32 v3, v4  }
0x21d: {  	v4 =	vperm.xlane v3, v0;
	_ =	sdelay $0x1  }
0x21e: {  	v3 =	vperm.xlane v3, v2;
	v4 =	vadd.s32 v1, v4;
	_ =	sdelay $0x1  }
0x21f: {  	v3 =	vadd.s32 v1, v3;
	_ =	sdelay $0x1  }
0x220: {  	s11 =	simm.s32 $0x10000  }
0x221: {  	[hbm4b:s2+s4] =	stream.indirect_vreg.scatter [tilespmem:s11], [sflag:$0x9], $0x80, v4, vm0, $0xb8;
	[tilespmem:$0x1C100] =	vst v63  }
0x222: {  	s17 =	simm.s32 $0x10800  }
0x223: {  	[hbm4b:s2+s4] =	stream.indirect_vreg.scatter [tilespmem:s17], [sflag:$0x9], $0x80, v3, vm0, $0xb8;
	[tilespmem:$0x1C100] =	vst v63  }
0x224: {  	v3 =	vld [tilespmem:$0x1C010];
	_ =	sdelay $0x4  }
0x225: {  	v57 =	vshll.u32 v3, $0x1  }
0x226: {  	v3 =	vand.u32 $0x7, v3;
	v4 =	vand.u32 $0xFFFFFFF0, v57  }
0x227: {  	v3 =	vor.u32 v3, v4  }
0x228: {  	v4 =	vperm.xlane v3, v0;
	_ =	sdelay $0x1  }
0x229: {  	v3 =	vperm.xlane v3, v2;
	v4 =	vadd.s32 v1, v4;
	_ =	sdelay $0x1  }
0x22a: {  	v3 =	vadd.s32 v1, v3;
	_ =	sdelay $0x1  }
0x22b: {  	s20 =	simm.s32 $0x11000  }
0x22c: {  	[hbm4b:s2+s4] =	stream.indirect_vreg.scatter [tilespmem:s20], [sflag:$0x9], $0x80, v4, vm0, $0xb8;
	[tilespmem:$0x1C100] =	vst v63  }
0x22d: {  	s21 =	simm.s32 $0x11800  }
0x22e: {  	[hbm4b:s2+s4] =	stream.indirect_vreg.scatter [tilespmem:s21], [sflag:$0x9], $0x80, v3, vm0, $0xb8;
	[tilespmem:$0x1C100] =	vst v63  }
0x22f: {  	v3 =	vld [tilespmem:$0x1C020];
	_ =	sdelay $0x4  }
0x230: {  	v58 =	vshll.u32 v3, $0x1  }
0x231: {  	v3 =	vand.u32 $0x7, v3;
	v4 =	vand.u32 $0xFFFFFFF0, v58  }
0x232: {  	v3 =	vor.u32 v3, v4  }
0x233: {  	v4 =	vperm.xlane v3, v0;
	_ =	sdelay $0x1  }
0x234: {  	v3 =	vperm.xlane v3, v2;
	v4 =	vadd.s32 v1, v4;
	_ =	sdelay $0x1  }
0x235: {  	v3 =	vadd.s32 v1, v3;
	_ =	sdelay $0x1  }
0x236: {  	s28 =	simm.s32 $0x12000  }
0x237: {  	[hbm4b:s2+s4] =	stream.indirect_vreg.scatter [tilespmem:s28], [sflag:$0x9], $0x80, v4, vm0, $0xb8;
	[tilespmem:$0x1C100] =	vst v63  }
0x238: {  	s29 =	simm.s32 $0x12800  }
0x239: {  	[hbm4b:s2+s4] =	stream.indirect_vreg.scatter [tilespmem:s29], [sflag:$0x9], $0x80, v3, vm0, $0xb8;
	[tilespmem:$0x1C100] =	vst v63  }
0x23a: {  	v3 =	vld [tilespmem:$0x1C030];
	_ =	sdelay $0x4  }
0x23b: {  	v59 =	vshll.u32 v3, $0x1  }
0x23c: {  	v3 =	vand.u32 $0x7, v3;
	v4 =	vand.u32 $0xFFFFFFF0, v59  }
0x23d: {  	v3 =	vor.u32 v3, v4  }
0x23e: {  	v4 =	vperm.xlane v3, v0;
	_ =	sdelay $0x1  }
0x23f: {  	v3 =	vperm.xlane v3, v2;
	v4 =	vadd.s32 v1, v4;
	_ =	sdelay $0x1  }
0x240: {  	v3 =	vadd.s32 v1, v3;
	_ =	sdelay $0x1  }
0x241: {  	s24 =	simm.s32 $0x13000  }
0x242: {  	[hbm4b:s2+s4] =	stream.indirect_vreg.scatter [tilespmem:s24], [sflag:$0x9], $0x80, v4, vm0, $0xb8;
	[tilespmem:$0x1C100] =	vst v63  }
0x243: {  	_ = 	snop  }
0x244: {  	[hbm4b:s2+s4] =	stream.indirect_vreg.scatter [tilespmem:s10], [sflag:$0x9], $0x80, v3, vm0, $0xb8;
	[tilespmem:$0x1C100] =	vst v63  }
0x245: {  	v3 =	vld [tilespmem:$0x1C080];
	_ =	sdelay $0x4  }
0x246: {  	v60 =	vshll.u32 v3, $0x1  }
0x247: {  	v3 =	vand.u32 $0x7, v3;
	v4 =	vand.u32 $0xFFFFFFF0, v60  }
0x248: {  	v3 =	vor.u32 v3, v4  }
0x249: {  	v4 =	vperm.xlane v3, v0;
	_ =	sdelay $0x1  }
0x24a: {  	v3 =	vperm.xlane v3, v2;
	v4 =	vadd.s32 v1, v4;
	_ =	sdelay $0x1  }
0x24b: {  	v3 =	vadd.s32 v1, v3;
	_ =	sdelay $0x1  }
0x24c: {  	s6 =	simm.s32 $0x14000  }
0x24d: {  	[hbm4b:s2+s4] =	stream.indirect_vreg.scatter [tilespmem:s6], [sflag:$0xA], $0x80, v4, vm0, $0xb8;
	[tilespmem:$0x1C100] =	vst v63  }
0x24e: {  	s7 =	simm.s32 $0x14800  }
0x24f: {  	[hbm4b:s2+s4] =	stream.indirect_vreg.scatter [tilespmem:s7], [sflag:$0xA], $0x80, v3, vm0, $0xb8;
	[tilespmem:$0x1C100] =	vst v63  }
0x250: {  	v3 =	vld [tilespmem:$0x1C090];
	_ =	sdelay $0x4  }
0x251: {  	v61 =	vshll.u32 v3, $0x1  }
0x252: {  	v3 =	vand.u32 $0x7, v3;
	v4 =	vand.u32 $0xFFFFFFF0, v61  }
0x253: {  	v3 =	vor.u32 v3, v4  }
0x254: {  	v4 =	vperm.xlane v3, v0;
	_ =	sdelay $0x1  }
0x255: {  	v3 =	vperm.xlane v3, v2;
	v4 =	vadd.s32 v1, v4;
	_ =	sdelay $0x1  }
0x256: {  	v3 =	vadd.s32 v1, v3;
	_ =	sdelay $0x1  }
0x257: {  	s10 =	simm.s32 $0x15000  }
0x258: {  	[hbm4b:s2+s4] =	stream.indirect_vreg.scatter [tilespmem:s10], [sflag:$0xA], $0x80, v4, vm0, $0xb8;
	[tilespmem:$0x1C100] =	vst v63  }
0x259: {  	s13 =	simm.s32 $0x15800  }
0x25a: {  	[hbm4b:s2+s4] =	stream.indirect_vreg.scatter [tilespmem:s13], [sflag:$0xA], $0x80, v3, vm0, $0xb8;
	[tilespmem:$0x1C100] =	vst v63  }
0x25b: {  	v3 =	vld [tilespmem:$0x1C0A0];
	_ =	sdelay $0x4  }
0x25c: {  	v62 =	vshll.u32 v3, $0x1  }
0x25d: {  	v3 =	vand.u32 $0x7, v3;
	v4 =	vand.u32 $0xFFFFFFF0, v62  }
0x25e: {  	v3 =	vor.u32 v3, v4  }
0x25f: {  	v4 =	vperm.xlane v3, v0;
	_ =	sdelay $0x1  }
0x260: {  	v3 =	vperm.xlane v3, v2;
	v4 =	vadd.s32 v1, v4;
	_ =	sdelay $0x1  }
0x261: {  	v3 =	vadd.s32 v1, v3;
	_ =	sdelay $0x1  }
0x262: {  	s14 =	simm.s32 $0x16000  }
0x263: {  	[hbm4b:s2+s4] =	stream.indirect_vreg.scatter [tilespmem:s14], [sflag:$0xA], $0x80, v4, vm0, $0xb8;
	[tilespmem:$0x1C100] =	vst v63  }
0x264: {  	s15 =	simm.s32 $0x16800  }
0x265: {  	[hbm4b:s2+s4] =	stream.indirect_vreg.scatter [tilespmem:s15], [sflag:$0xA], $0x80, v3, vm0, $0xb8;
	[tilespmem:$0x1C100] =	vst v63  }
0x266: {  	v3 =	vld [tilespmem:$0x1C0B0];
	_ =	sdelay $0x4  }
0x267: {  	v63 =	vshll.u32 v3, $0x1  }
0x268: {  	v3 =	vand.u32 $0x7, v3;
	v4 =	vand.u32 $0xFFFFFFF0, v63  }
0x269: {  	v3 =	vor.u32 v3, v4  }
0x26a: {  	v4 =	vperm.xlane v3, v0;
	_ =	sdelay $0x1  }
0x26b: {  	v3 =	vperm.xlane v3, v2;
	v4 =	vadd.s32 v1, v4;
	_ =	sdelay $0x1  }
0x26c: {  	v3 =	vadd.s32 v1, v3;
	_ =	sdelay $0x1  }
0x26d: {  	s16 =	simm.s32 $0x17000  }
0x26e: {  	[hbm4b:s2+s4] =	stream.indirect_vreg.scatter [tilespmem:s16], [sflag:$0xA], $0x80, v4, vm0, $0xb8;
	[tilespmem:$0x1C100] =	vst v63  }
0x26f: {  	s22 =	simm.s32 $0x17800;
	s23 =	simm.s32 $0xA  }
0x270: {  	[hbm4b:s2+s4] =	stream.indirect_vreg.scatter [tilespmem:s22], [sflag:$0xA], $0x80, v3, vm0, $0xb8;
	[tilespmem:$0x1C100] =	vst v63  }
0x271: {  	_ =	swait.ge [sflag:s23], $0x4000  }
0x272: {  	[sflag:s23] =	ssyncset.done $0x0  }
0x273: {  	s7 =	simm.s32 $0x9;
	[sflag:s23] =	ssyncadd.s32 $0xFFFFC000  }
0x274: {  	_ =	swait.ge [sflag:s7], $0x4000  }
0x275: {  	s12 =	sadd.s32 $0x1, s12;
	s24 =	rddreg [dreg:$0x17]  }
0x276: {  	p0 =	sne.s32 s12, s24  }
.Ltmp5:
0x277: {  	_ = 	snop;
	(pc) =	sbr.rel @p0 .LBB2_1-.Ltmp5, $3  }
0x278: {  	_ =	sdelay $0x1  }
0x279: {  	[sflag:s7] =	ssyncset.done $0x0  }
0x27a: {  	[sflag:s7] =	ssyncadd.s32 $0xFFFFC000  }
0x27b: {  	_ =	sfence.sel $0x180000  }
0x27c: {  	[bflag:$0x0] =	sbarrier.arrive $0xFFFF  }
0x27d: {  	_ =	strace $0x90000047  }
0x27e: {  	s0 =	stileid.u32;
	[bflag:$0x2] =	sbarrier.arrive $0xFFFF  }
0x27f: {  	p0 =	sne.s32 s0, $0x0;
	s0 =	rddreg [dreg:$0x4]  }
0x280: {  	s0 =	sadd.s32 @!p0 $0x100000, s0  }
0x281: {  	[sflag:s0] =	ssyncadd.tile.s32 @!p0 $0x1;
	_ =	shalt  }
.Lfunc_end2:
_tile_overlayer_lowered:
.L_overlay_start_2:
0x282: {  	(tag) =	ssettag $0x2  }
0x283: {  	s0 =	rddreg [dreg:$0x0];
	s2 =	stileid.u32  }
0x284: {  	s1 =	rddreg [dreg:$0x1];
	p0 =	sne.s32 s2, $0x0  }
0x285: {  	s3 =	rddreg [dreg:$0x2];
	[bflag:$0x3] =	sbarrier.arrive $0xFFFF;
	s2 =	simm.s32 @!p0 $0x1C0B  }
0x286: {  	[timem:s3], [sflag:s2] =	dma.local @!p0 [hbm:s0], s1  }
0x287: {  	s0 =	simm.s32 @!p0 $0xB  }
0x288: {  	_ =	swait.ge @!p0 [sflag:s0], s1  }
0x289: {  	s1 =	ssub.s32 @!p0 $0x0, s1;
	[sflag:s0] =	ssyncset.done @!p0 $0x0  }
0x28a: {  	[sflag:s0] =	ssyncadd.s32 @!p0 s1  }
0x28b: {  	[bflag:$0x3] =	sbarrier.arrive $0xFFFF  }
0x28c: {  	_ =	shalt  }

</sc_bundles>
